<compile_context>
chip_gen: v7x
topology: tpu7x:2x2x1
jax: 0.10.2.dev20260603
libtpu: 0.0.44.dev20260713+nightly
codegen_flags: <defaults>
</compile_context>

<pallas_src>
import functools

import jax
import jax.numpy as jnp
from jax import lax
from jax.experimental import pallas as pl
from jax.experimental.pallas import tpu as pltpu
from jax.experimental.pallas import tpu_sc as plsc

_NC = 2
_NS = 16
_NW = _NC * _NS
_LANES = 16


def _build_sc_permute(b, n_cond, n_col, d):
    rows_total = b * n_col * d
    rpb = 128
    rpw = rows_total // _NW
    ntasks = rpw // rpb
    cpr = n_cond // _LANES
    ncg = (n_col * d) // rpb
    cpg = rpb // d

    mesh = plsc.VectorSubcoreMesh(core_axis_name="c", subcore_axis_name="s")

    @functools.partial(
        pl.kernel,
        out_type=jax.ShapeDtypeStruct((rows_total, n_cond), jnp.float32),
        mesh=mesh,
        scratch_types=[
            pltpu.VMEM((n_col, n_cond), jnp.int32),
            pltpu.VMEM((3, rpb, n_cond), jnp.float32),
            pltpu.VMEM((3, rpb, n_cond), jnp.float32),
            pltpu.SemaphoreType.DMA,
            pltpu.SemaphoreType.DMA,
        ],
        compiler_params=pltpu.CompilerParams(needs_layout_passes=False),
    )
    def sc_permute(m_hbm, idx_hbm, out_hbm, idx_v, in_v, out_v, s_in, s_out):
        wid = lax.axis_index("s") * _NC + lax.axis_index("c")
        base = wid * rpw
        pltpu.sync_copy(idx_hbm, idx_v)

        pltpu.async_copy(m_hbm.at[pl.ds(base, rpb), :], in_v.at[0], s_in)
        pltpu.async_copy(m_hbm.at[pl.ds(base + rpb, rpb), :], in_v.at[1], s_in)

        def task(t, carry):
            s = lax.rem(t, 3)
            r0 = base + t * rpb
            rsl = pl.ds(r0, rpb)
            pltpu.make_async_copy(m_hbm.at[rsl, :], in_v.at[s], s_in).wait()

            @pl.when(t + 2 < ntasks)
            def _prefetch():
                pltpu.async_copy(
                    m_hbm.at[pl.ds(r0 + 2 * rpb, rpb), :],
                    in_v.at[lax.rem(t + 2, 3)],
                    s_in,
                )

            @pl.when(t >= 3)
            def _drain_one():
                pltpu.make_async_copy(
                    m_hbm.at[rsl, :], out_v.at[s], s_out
                ).wait()

            cbase = lax.rem(t, ncg) * cpg

            @plsc.parallel_loop(0, cpg, unroll=2)
            def _col(cl):
                ivs = [
                    idx_v[cbase + cl, pl.ds(g * _LANES, _LANES)]
                    for g in range(cpr)
                ]
                for rr in range(d):
                    row = cl * d + rr
                    src = in_v.at[s, row]
                    for g in range(cpr):
                        out_v[s, row, pl.ds(g * _LANES, _LANES)] = (
                            plsc.load_gather(src, [ivs[g]])
                        )

            pltpu.async_copy(out_v.at[s], out_hbm.at[rsl, :], s_out)
            return carry

        lax.fori_loop(0, ntasks, task, 0)
        bsl = pl.ds(base, rpb)
        pltpu.make_async_copy(m_hbm.at[bsl, :], out_v.at[0], s_out).wait()
        pltpu.make_async_copy(m_hbm.at[bsl, :], out_v.at[1], s_out).wait()
        pltpu.make_async_copy(m_hbm.at[bsl, :], out_v.at[2], s_out).wait()

    return sc_permute


def kernel(M, permutator):
    b, n_cond, n_col, d = M.shape
    mp = jnp.transpose(M, (0, 2, 3, 1)).reshape(b * n_col * d, n_cond)
    out = _build_sc_permute(b, n_cond, n_col, d)(
        mp, permutator.astype(jnp.int32)
    )
    return out.reshape(b, n_col, d, n_cond).transpose(0, 3, 1, 2)

# --- scband reference (transcript-rebuilt; emitter-appended) ---
"""Pipeline reference for scband-r-odtconstruction-83751862272387 (READ-ONLY COPY).

The authoritative reference and input builder live on the scoring server;
editing this copy changes nothing except your own understanding.
"""

import jax, jax.numpy as jnp
import numpy as np


def setup_inputs(seed: int = 0) -> dict:
    key = jax.random.key(seed)
    b, n_cond, n_col, d = 1024, 128, 64, 8
    M = jax.random.normal(key, (b, n_cond, n_col, d), dtype=jnp.float32)
    rng = np.random.default_rng(0)
    permutator = jnp.asarray(
        np.stack([rng.permutation(n_cond) for _ in range(n_col)]),
        dtype=jnp.int32,
    )
    return {"M": M, "permutator": permutator}


def reference(M, permutator):
    b, n_cond, n_col, d = M.shape
    # M_perm: [b, n_col, n_cond, d]
    M_perm = jnp.transpose(M, (0, 2, 1, 3))
    b_idx = jnp.arange(b)[:, None, None]          # [b, 1, 1]
    c_idx = jnp.arange(n_col)[None, :, None]      # [1, n_col, 1]
    cond_idx = permutator[None, :, :]             # [1, n_col, n_cond]
    gathered = M_perm[b_idx, c_idx, cond_idx]     # [b, n_col, n_cond, d]
    return jnp.transpose(gathered, (0, 2, 1, 3))  # [b, n_cond, n_col, d]

if __name__ == "__main__":
    import jax
    _d = setup_inputs()
    print(jax.jit(kernel)(*tuple(_d.values())))

</pallas_src>

<mosaic_0001>
#map = affine_map<(d0, d1) -> (0, 0)>
module attributes {stable_mosaic.version = 14 : i64} {
  func.func @sc_permute(%arg0: i32, %arg1: i32, %arg2: memref<524288x128xf32, #tpu.memory_space<hbm>>, %arg3: memref<64x128xi32, #tpu.memory_space<hbm>>, %arg4: memref<524288x128xf32, #tpu.memory_space<hbm>>, %arg5: memref<64x128xi32, #tpu.memory_space<vmem>>, %arg6: memref<3x128x128xf32, #tpu.memory_space<vmem>>, %arg7: memref<3x128x128xf32, #tpu.memory_space<vmem>>, %arg8: memref<!tpu.dma_semaphore, #tpu.memory_space<semaphore_mem>>, %arg9: memref<!tpu.dma_semaphore, #tpu.memory_space<semaphore_mem>>) attributes {dimension_semantics = [#tpu.dimension_semantics<core_parallel>, #tpu.dimension_semantics<subcore_parallel>], iteration_bounds = array<i64: 2, 16>, scalar_prefetch = 0 : i64, scratch_operands = 5 : i64, tpu.core_type = #tpu.core_type<sc_vector_subcore>, window_params = [{transform_indices = #map}, {transform_indices = #map}, {transform_indices = #map}]} {
    %mul3A = arith.constant 2 : i32
    %mul3A_0 = arith.muli %arg1, %mul3A : i32
    %add3A = arith.addi %mul3A_0, %arg0 : i32
    %mul3A_1 = arith.constant 16384 : i32
    %mul3A_2 = arith.muli %add3A, %mul3A_1 : i32
    "tpu.region"() ({
      %run_scoped3A = tpu.sem_alloc : memref<!tpu.dma_semaphore, #tpu.memory_space<semaphore_mem>>
      tpu.enqueue_dma source(%arg3 : memref<64x128xi32, #tpu.memory_space<hbm>>) target(%arg5 : memref<64x128xi32, #tpu.memory_space<vmem>>) target_semaphore(%run_scoped3A : memref<!tpu.dma_semaphore, #tpu.memory_space<semaphore_mem>>)
      tpu.wait_dma2 semaphore(%run_scoped3A : memref<!tpu.dma_semaphore, #tpu.memory_space<semaphore_mem>>) src(%arg3 : memref<64x128xi32, #tpu.memory_space<hbm>>) dst(%arg5 : memref<64x128xi32, #tpu.memory_space<vmem>>)
      tpu.yield
    }) : () -> ()
    %dma_start3A = arith.constant 0 : i32
    %dma_start3A_3 = arith.constant 0 : i32
    %dma_start3A_4 = arith.constant 0 : i32
    %dma_start3A_5 = tpu.memref_slice %arg6[%dma_start3A, %dma_start3A_3, %dma_start3A_4] : memref<3x128x128xf32, #tpu.memory_space<vmem>> -> memref<1x128x128xf32, #tpu.memory_space<vmem>>
    %dma_start3A_6 = tpu.memref_squeeze %dma_start3A_5 : memref<1x128x128xf32, #tpu.memory_space<vmem>> -> memref<128x128xf32, #tpu.memory_space<vmem>>
    %dma_start3A_7 = arith.constant 0 : i32
    %dma_start3A_8 = tpu.memref_slice %arg2[%mul3A_2, %dma_start3A_7] : memref<524288x128xf32, #tpu.memory_space<hbm>> -> memref<128x128xf32, #tpu.memory_space<hbm>>
    %dma_start3A_9 = arith.constant 0 : i32
    %dma_start3A_10 = arith.constant 0 : i32
    %dma_start3A_11 = tpu.memref_slice %arg6[%dma_start3A, %dma_start3A_9, %dma_start3A_10] : memref<3x128x128xf32, #tpu.memory_space<vmem>> -> memref<1x128x128xf32, #tpu.memory_space<vmem>>
    %dma_start3A_12 = tpu.memref_squeeze %dma_start3A_11 : memref<1x128x128xf32, #tpu.memory_space<vmem>> -> memref<128x128xf32, #tpu.memory_space<vmem>>
    %dma_start3A_13 = arith.constant 0 : i32
    %dma_start3A_14 = tpu.memref_slice %arg2[%mul3A_2, %dma_start3A_13] : memref<524288x128xf32, #tpu.memory_space<hbm>> -> memref<128x128xf32, #tpu.memory_space<hbm>>
    tpu.enqueue_dma source(%dma_start3A_14 : memref<128x128xf32, #tpu.memory_space<hbm>>) target(%dma_start3A_12 : memref<128x128xf32, #tpu.memory_space<vmem>>) target_semaphore(%arg8 : memref<!tpu.dma_semaphore, #tpu.memory_space<semaphore_mem>>)
    %add3A_15 = arith.constant 128 : i32
    %add3A_16 = arith.addi %mul3A_2, %add3A_15 : i32
    %dma_start3A_17 = arith.constant 1 : i32
    %dma_start3A_18 = arith.constant 0 : i32
    %dma_start3A_19 = arith.constant 0 : i32
    %dma_start3A_20 = tpu.memref_slice %arg6[%dma_start3A_17, %dma_start3A_18, %dma_start3A_19] : memref<3x128x128xf32, #tpu.memory_space<vmem>> -> memref<1x128x128xf32, #tpu.memory_space<vmem>>
    %dma_start3A_21 = tpu.memref_squeeze %dma_start3A_20 : memref<1x128x128xf32, #tpu.memory_space<vmem>> -> memref<128x128xf32, #tpu.memory_space<vmem>>
    %dma_start3A_22 = arith.constant 0 : i32
    %dma_start3A_23 = tpu.memref_slice %arg2[%add3A_16, %dma_start3A_22] : memref<524288x128xf32, #tpu.memory_space<hbm>> -> memref<128x128xf32, #tpu.memory_space<hbm>>
    %dma_start3A_24 = arith.constant 0 : i32
    %dma_start3A_25 = arith.constant 0 : i32
    %dma_start3A_26 = tpu.memref_slice %arg6[%dma_start3A_17, %dma_start3A_24, %dma_start3A_25] : memref<3x128x128xf32, #tpu.memory_space<vmem>> -> memref<1x128x128xf32, #tpu.memory_space<vmem>>
    %dma_start3A_27 = tpu.memref_squeeze %dma_start3A_26 : memref<1x128x128xf32, #tpu.memory_space<vmem>> -> memref<128x128xf32, #tpu.memory_space<vmem>>
    %dma_start3A_28 = arith.constant 0 : i32
    %dma_start3A_29 = tpu.memref_slice %arg2[%add3A_16, %dma_start3A_28] : memref<524288x128xf32, #tpu.memory_space<hbm>> -> memref<128x128xf32, #tpu.memory_space<hbm>>
    tpu.enqueue_dma source(%dma_start3A_29 : memref<128x128xf32, #tpu.memory_space<hbm>>) target(%dma_start3A_27 : memref<128x128xf32, #tpu.memory_space<vmem>>) target_semaphore(%arg8 : memref<!tpu.dma_semaphore, #tpu.memory_space<semaphore_mem>>)
    %scan3A = arith.constant 0 : i32
    %scan3A_30 = arith.constant 0 : i32
    %scan3A_31 = arith.constant 128 : i32
    %scan3A_32 = arith.addi %scan3A_30, %scan3A_31 : i32
    %scan3A_33 = arith.constant 1 : i32
    scf.for %scan3A_73 = %scan3A_30 to %scan3A_32 step %scan3A_33  : i32 {
      %rem3A = arith.constant 3 : i32
      %rem3A_74 = arith.remsi %scan3A_73, %rem3A : i32
      %mul3A_75 = arith.constant 128 : i32
      %mul3A_76 = arith.muli %scan3A_73, %mul3A_75 : i32
      %add3A_77 = arith.addi %mul3A_2, %mul3A_76 : i32
      %dma_wait3A_78 = arith.constant 0 : i32
      %dma_wait3A_79 = arith.constant 0 : i32
      %dma_wait3A_80 = tpu.memref_slice %arg6[%rem3A_74, %dma_wait3A_78, %dma_wait3A_79] : memref<3x128x128xf32, #tpu.memory_space<vmem>> -> memref<1x128x128xf32, #tpu.memory_space<vmem>>
      %dma_wait3A_81 = tpu.memref_squeeze %dma_wait3A_80 : memref<1x128x128xf32, #tpu.memory_space<vmem>> -> memref<128x128xf32, #tpu.memory_space<vmem>>
      %dma_wait3A_82 = arith.constant 0 : i32
      %dma_wait3A_83 = tpu.memref_slice %arg2[%add3A_77, %dma_wait3A_82] : memref<524288x128xf32, #tpu.memory_space<hbm>> -> memref<128x128xf32, #tpu.memory_space<hbm>>
      %dma_wait3A_84 = arith.constant 0 : i32
      %dma_wait3A_85 = arith.constant 0 : i32
      %dma_wait3A_86 = tpu.memref_slice %arg6[%rem3A_74, %dma_wait3A_84, %dma_wait3A_85] : memref<3x128x128xf32, #tpu.memory_space<vmem>> -> memref<1x128x128xf32, #tpu.memory_space<vmem>>
      %dma_wait3A_87 = tpu.memref_squeeze %dma_wait3A_86 : memref<1x128x128xf32, #tpu.memory_space<vmem>> -> memref<128x128xf32, #tpu.memory_space<vmem>>
      %dma_wait3A_88 = arith.constant 0 : i32
      %dma_wait3A_89 = tpu.memref_slice %arg2[%add3A_77, %dma_wait3A_88] : memref<524288x128xf32, #tpu.memory_space<hbm>> -> memref<128x128xf32, #tpu.memory_space<hbm>>
      tpu.wait_dma2 semaphore(%arg8 : memref<!tpu.dma_semaphore, #tpu.memory_space<semaphore_mem>>) src(%dma_wait3A_89 : memref<128x128xf32, #tpu.memory_space<hbm>>) dst(%dma_wait3A_87 : memref<128x128xf32, #tpu.memory_space<vmem>>)
      %add3A_90 = arith.constant 2 : i32
      %add3A_91 = arith.addi %scan3A_73, %add3A_90 : i32
      %lt3A = arith.constant 128 : i32
      %lt3A_92 = arith.cmpi slt, %add3A_91, %lt3A : i32
      %convert_element_type3A = arith.extui %lt3A_92 : i1 to i32
      %cond3A = arith.constant 0 : i32
      %cond3A_93 = arith.cmpi ne, %convert_element_type3A, %cond3A : i32
      scf.if %cond3A_93 {
        %add3A_116 = arith.constant 256 : i32
        %add3A_117 = arith.addi %add3A_77, %add3A_116 : i32
        %add3A_118 = arith.constant 2 : i32
        %add3A_119 = arith.addi %scan3A_73, %add3A_118 : i32
        %rem3A_120 = arith.constant 3 : i32
        %rem3A_121 = arith.remsi %add3A_119, %rem3A_120 : i32
        %dma_start3A_122 = arith.constant 0 : i32
        %dma_start3A_123 = arith.constant 0 : i32
        %dma_start3A_124 = tpu.memref_slice %arg6[%rem3A_121, %dma_start3A_122, %dma_start3A_123] : memref<3x128x128xf32, #tpu.memory_space<vmem>> -> memref<1x128x128xf32, #tpu.memory_space<vmem>>
        %dma_start3A_125 = tpu.memref_squeeze %dma_start3A_124 : memref<1x128x128xf32, #tpu.memory_space<vmem>> -> memref<128x128xf32, #tpu.memory_space<vmem>>
        %dma_start3A_126 = arith.constant 0 : i32
        %dma_start3A_127 = tpu.memref_slice %arg2[%add3A_117, %dma_start3A_126] : memref<524288x128xf32, #tpu.memory_space<hbm>> -> memref<128x128xf32, #tpu.memory_space<hbm>>
        %dma_start3A_128 = arith.constant 0 : i32
        %dma_start3A_129 = arith.constant 0 : i32
        %dma_start3A_130 = tpu.memref_slice %arg6[%rem3A_121, %dma_start3A_128, %dma_start3A_129] : memref<3x128x128xf32, #tpu.memory_space<vmem>> -> memref<1x128x128xf32, #tpu.memory_space<vmem>>
        %dma_start3A_131 = tpu.memref_squeeze %dma_start3A_130 : memref<1x128x128xf32, #tpu.memory_space<vmem>> -> memref<128x128xf32, #tpu.memory_space<vmem>>
        %dma_start3A_132 = arith.constant 0 : i32
        %dma_start3A_133 = tpu.memref_slice %arg2[%add3A_117, %dma_start3A_132] : memref<524288x128xf32, #tpu.memory_space<hbm>> -> memref<128x128xf32, #tpu.memory_space<hbm>>
        tpu.enqueue_dma source(%dma_start3A_133 : memref<128x128xf32, #tpu.memory_space<hbm>>) target(%dma_start3A_131 : memref<128x128xf32, #tpu.memory_space<vmem>>) target_semaphore(%arg8 : memref<!tpu.dma_semaphore, #tpu.memory_space<semaphore_mem>>)
      } else {
      }
      %ge3A = arith.constant 3 : i32
      %ge3A_94 = arith.cmpi sge, %scan3A_73, %ge3A : i32
      %convert_element_type3A_95 = arith.extui %ge3A_94 : i1 to i32
      %cond3A_96 = arith.constant 0 : i32
      %cond3A_97 = arith.cmpi ne, %convert_element_type3A_95, %cond3A_96 : i32
      scf.if %cond3A_97 {
        %dma_wait3A_116 = arith.constant 0 : i32
        %dma_wait3A_117 = arith.constant 0 : i32
        %dma_wait3A_118 = tpu.memref_slice %arg7[%rem3A_74, %dma_wait3A_116, %dma_wait3A_117] : memref<3x128x128xf32, #tpu.memory_space<vmem>> -> memref<1x128x128xf32, #tpu.memory_space<vmem>>
        %dma_wait3A_119 = tpu.memref_squeeze %dma_wait3A_118 : memref<1x128x128xf32, #tpu.memory_space<vmem>> -> memref<128x128xf32, #tpu.memory_space<vmem>>
        %dma_wait3A_120 = arith.constant 0 : i32
        %dma_wait3A_121 = tpu.memref_slice %arg2[%add3A_77, %dma_wait3A_120] : memref<524288x128xf32, #tpu.memory_space<hbm>> -> memref<128x128xf32, #tpu.memory_space<hbm>>
        %dma_wait3A_122 = arith.constant 0 : i32
        %dma_wait3A_123 = arith.constant 0 : i32
        %dma_wait3A_124 = tpu.memref_slice %arg7[%rem3A_74, %dma_wait3A_122, %dma_wait3A_123] : memref<3x128x128xf32, #tpu.memory_space<vmem>> -> memref<1x128x128xf32, #tpu.memory_space<vmem>>
        %dma_wait3A_125 = tpu.memref_squeeze %dma_wait3A_124 : memref<1x128x128xf32, #tpu.memory_space<vmem>> -> memref<128x128xf32, #tpu.memory_space<vmem>>
        %dma_wait3A_126 = arith.constant 0 : i32
        %dma_wait3A_127 = tpu.memref_slice %arg2[%add3A_77, %dma_wait3A_126] : memref<524288x128xf32, #tpu.memory_space<hbm>> -> memref<128x128xf32, #tpu.memory_space<hbm>>
        tpu.wait_dma2 semaphore(%arg9 : memref<!tpu.dma_semaphore, #tpu.memory_space<semaphore_mem>>) src(%dma_wait3A_127 : memref<128x128xf32, #tpu.memory_space<hbm>>) dst(%dma_wait3A_125 : memref<128x128xf32, #tpu.memory_space<vmem>>)
      } else {
      }
      %rem3A_98 = arith.constant 4 : i32
      %rem3A_99 = arith.remsi %scan3A_73, %rem3A_98 : i32
      %mul3A_100 = arith.constant 16 : i32
      %mul3A_101 = arith.muli %rem3A_99, %mul3A_100 : i32
      %parallel_loop3A = arith.constant 0 : i32
      %parallel_loop3A_102 = arith.constant 16 : i32
      %parallel_loop3A_103 = arith.constant 1 : i32
      scf.for %parallel_loop3A_116 = %parallel_loop3A to %parallel_loop3A_102 step %parallel_loop3A_103  : i32 {
        %parallel_loop3A_117 = arith.addi %mul3A_101, %parallel_loop3A_116 : i32
        %parallel_loop3A_118 = arith.index_cast %parallel_loop3A_117 : i32 to index
        %parallel_loop3A_119 = arith.constant 0 : index
        %parallel_loop3A_120 = tpu.vector_load %arg5[%parallel_loop3A_118, %parallel_loop3A_119] {strides = array<i32>} : memref<64x128xi32, #tpu.memory_space<vmem>>, vector<16xi32>,
        %parallel_loop3A_121 = arith.addi %mul3A_101, %parallel_loop3A_116 : i32
        %parallel_loop3A_122 = arith.index_cast %parallel_loop3A_121 : i32 to index
        %parallel_loop3A_123 = arith.constant 16 : index
        %parallel_loop3A_124 = tpu.vector_load %arg5[%parallel_loop3A_122, %parallel_loop3A_123] {strides = array<i32>} : memref<64x128xi32, #tpu.memory_space<vmem>>, vector<16xi32>,
        %parallel_loop3A_125 = arith.addi %mul3A_101, %parallel_loop3A_116 : i32
        %parallel_loop3A_126 = arith.index_cast %parallel_loop3A_125 : i32 to index
        %parallel_loop3A_127 = arith.constant 32 : index
        %parallel_loop3A_128 = tpu.vector_load %arg5[%parallel_loop3A_126, %parallel_loop3A_127] {strides = array<i32>} : memref<64x128xi32, #tpu.memory_space<vmem>>, vector<16xi32>,
        %parallel_loop3A_129 = arith.addi %mul3A_101, %parallel_loop3A_116 : i32
        %parallel_loop3A_130 = arith.index_cast %parallel_loop3A_129 : i32 to index
        %parallel_loop3A_131 = arith.constant 48 : index
        %parallel_loop3A_132 = tpu.vector_load %arg5[%parallel_loop3A_130, %parallel_loop3A_131] {strides = array<i32>} : memref<64x128xi32, #tpu.memory_space<vmem>>, vector<16xi32>,
        %parallel_loop3A_133 = arith.addi %mul3A_101, %parallel_loop3A_116 : i32
        %parallel_loop3A_134 = arith.index_cast %parallel_loop3A_133 : i32 to index
        %parallel_loop3A_135 = arith.constant 64 : index
        %parallel_loop3A_136 = tpu.vector_load %arg5[%parallel_loop3A_134, %parallel_loop3A_135] {strides = array<i32>} : memref<64x128xi32, #tpu.memory_space<vmem>>, vector<16xi32>,
        %parallel_loop3A_137 = arith.addi %mul3A_101, %parallel_loop3A_116 : i32
        %parallel_loop3A_138 = arith.index_cast %parallel_loop3A_137 : i32 to index
        %parallel_loop3A_139 = arith.constant 80 : index
        %parallel_loop3A_140 = tpu.vector_load %arg5[%parallel_loop3A_138, %parallel_loop3A_139] {strides = array<i32>} : memref<64x128xi32, #tpu.memory_space<vmem>>, vector<16xi32>,
        %parallel_loop3A_141 = arith.addi %mul3A_101, %parallel_loop3A_116 : i32
        %parallel_loop3A_142 = arith.index_cast %parallel_loop3A_141 : i32 to index
        %parallel_loop3A_143 = arith.constant 96 : index
        %parallel_loop3A_144 = tpu.vector_load %arg5[%parallel_loop3A_142, %parallel_loop3A_143] {strides = array<i32>} : memref<64x128xi32, #tpu.memory_space<vmem>>, vector<16xi32>,
        %parallel_loop3A_145 = arith.addi %mul3A_101, %parallel_loop3A_116 : i32
        %parallel_loop3A_146 = arith.index_cast %parallel_loop3A_145 : i32 to index
        %parallel_loop3A_147 = arith.constant 112 : index
        %parallel_loop3A_148 = tpu.vector_load %arg5[%parallel_loop3A_146, %parallel_loop3A_147] {strides = array<i32>} : memref<64x128xi32, #tpu.memory_space<vmem>>, vector<16xi32>,
        %parallel_loop3A_149 = arith.constant 8 : i32
        %parallel_loop3A_150 = arith.muli %parallel_loop3A_116, %parallel_loop3A_149 : i32
        %parallel_loop3A_151 = arith.constant 0 : i32
        %parallel_loop3A_152 = arith.addi %parallel_loop3A_150, %parallel_loop3A_151 : i32
        %parallel_loop3A_153 = arith.constant 0 : i32
        %parallel_loop3A_154 = tpu.memref_slice %arg6[%rem3A_74, %parallel_loop3A_152, %parallel_loop3A_153] : memref<3x128x128xf32, #tpu.memory_space<vmem>> -> memref<1x1x128xf32, #tpu.memory_space<vmem>>
        %parallel_loop3A_155 = tpu.memref_squeeze %parallel_loop3A_154 : memref<1x1x128xf32, #tpu.memory_space<vmem>> -> memref<128xf32, #tpu.memory_space<vmem>>
        %parallel_loop3A_156 = tpu.vector_load_idx %parallel_loop3A_155[%parallel_loop3A_120] : memref<128xf32, #tpu.memory_space<vmem>>[vector<16xi32>], vector<16xf32>,
        %parallel_loop3A_157 = arith.index_cast %rem3A_74 : i32 to index
        %parallel_loop3A_158 = arith.index_cast %parallel_loop3A_152 : i32 to index
        %parallel_loop3A_159 = arith.constant 0 : index
        %parallel_loop3A_160 = tpu.vector_load %arg7[%parallel_loop3A_157, %parallel_loop3A_158, %parallel_loop3A_159] {strides = array<i32>} : memref<3x128x128xf32, #tpu.memory_space<vmem>>, vector<16xf32>,
        tpu.vector_store %arg7[%parallel_loop3A_157, %parallel_loop3A_158, %parallel_loop3A_159], %parallel_loop3A_156 {strides = array<i32>} : memref<3x128x128xf32, #tpu.memory_space<vmem>>, vector<16xf32>,
        %parallel_loop3A_161 = arith.constant 0 : i32
        %parallel_loop3A_162 = tpu.memref_slice %arg6[%rem3A_74, %parallel_loop3A_152, %parallel_loop3A_161] : memref<3x128x128xf32, #tpu.memory_space<vmem>> -> memref<1x1x128xf32, #tpu.memory_space<vmem>>
        %parallel_loop3A_163 = tpu.memref_squeeze %parallel_loop3A_162 : memref<1x1x128xf32, #tpu.memory_space<vmem>> -> memref<128xf32, #tpu.memory_space<vmem>>
        %parallel_loop3A_164 = tpu.vector_load_idx %parallel_loop3A_163[%parallel_loop3A_124] : memref<128xf32, #tpu.memory_space<vmem>>[vector<16xi32>], vector<16xf32>,
        %parallel_loop3A_165 = arith.index_cast %rem3A_74 : i32 to index
        %parallel_loop3A_166 = arith.index_cast %parallel_loop3A_152 : i32 to index
        %parallel_loop3A_167 = arith.constant 16 : index
        %parallel_loop3A_168 = tpu.vector_load %arg7[%parallel_loop3A_165, %parallel_loop3A_166, %parallel_loop3A_167] {strides = array<i32>} : memref<3x128x128xf32, #tpu.memory_space<vmem>>, vector<16xf32>,
        tpu.vector_store %arg7[%parallel_loop3A_165, %parallel_loop3A_166, %parallel_loop3A_167], %parallel_loop3A_164 {strides = array<i32>} : memref<3x128x128xf32, #tpu.memory_space<vmem>>, vector<16xf32>,
        %parallel_loop3A_169 = arith.constant 0 : i32
        %parallel_loop3A_170 = tpu.memref_slice %arg6[%rem3A_74, %parallel_loop3A_152, %parallel_loop3A_169] : memref<3x128x128xf32, #tpu.memory_space<vmem>> -> memref<1x1x128xf32, #tpu.memory_space<vmem>>
        %parallel_loop3A_171 = tpu.memref_squeeze %parallel_loop3A_170 : memref<1x1x128xf32, #tpu.memory_space<vmem>> -> memref<128xf32, #tpu.memory_space<vmem>>
        %parallel_loop3A_172 = tpu.vector_load_idx %parallel_loop3A_171[%parallel_loop3A_128] : memref<128xf32, #tpu.memory_space<vmem>>[vector<16xi32>], vector<16xf32>,
        %parallel_loop3A_173 = arith.index_cast %rem3A_74 : i32 to index
        %parallel_loop3A_174 = arith.index_cast %parallel_loop3A_152 : i32 to index
        %parallel_loop3A_175 = arith.constant 32 : index
        %parallel_loop3A_176 = tpu.vector_load %arg7[%parallel_loop3A_173, %parallel_loop3A_174, %parallel_loop3A_175] {strides = array<i32>} : memref<3x128x128xf32, #tpu.memory_space<vmem>>, vector<16xf32>,
        tpu.vector_store %arg7[%parallel_loop3A_173, %parallel_loop3A_174, %parallel_loop3A_175], %parallel_loop3A_172 {strides = array<i32>} : memref<3x128x128xf32, #tpu.memory_space<vmem>>, vector<16xf32>,
        %parallel_loop3A_177 = arith.constant 0 : i32
        %parallel_loop3A_178 = tpu.memref_slice %arg6[%rem3A_74, %parallel_loop3A_152, %parallel_loop3A_177] : memref<3x128x128xf32, #tpu.memory_space<vmem>> -> memref<1x1x128xf32, #tpu.memory_space<vmem>>
        %parallel_loop3A_179 = tpu.memref_squeeze %parallel_loop3A_178 : memref<1x1x128xf32, #tpu.memory_space<vmem>> -> memref<128xf32, #tpu.memory_space<vmem>>
        %parallel_loop3A_180 = tpu.vector_load_idx %parallel_loop3A_179[%parallel_loop3A_132] : memref<128xf32, #tpu.memory_space<vmem>>[vector<16xi32>], vector<16xf32>,
        %parallel_loop3A_181 = arith.index_cast %rem3A_74 : i32 to index
        %parallel_loop3A_182 = arith.index_cast %parallel_loop3A_152 : i32 to index
        %parallel_loop3A_183 = arith.constant 48 : index
        %parallel_loop3A_184 = tpu.vector_load %arg7[%parallel_loop3A_181, %parallel_loop3A_182, %parallel_loop3A_183] {strides = array<i32>} : memref<3x128x128xf32, #tpu.memory_space<vmem>>, vector<16xf32>,
        tpu.vector_store %arg7[%parallel_loop3A_181, %parallel_loop3A_182, %parallel_loop3A_183], %parallel_loop3A_180 {strides = array<i32>} : memref<3x128x128xf32, #tpu.memory_space<vmem>>, vector<16xf32>,
        %parallel_loop3A_185 = arith.constant 0 : i32
        %parallel_loop3A_186 = tpu.memref_slice %arg6[%rem3A_74, %parallel_loop3A_152, %parallel_loop3A_185] : memref<3x128x128xf32, #tpu.memory_space<vmem>> -> memref<1x1x128xf32, #tpu.memory_space<vmem>>
        %parallel_loop3A_187 = tpu.memref_squeeze %parallel_loop3A_186 : memref<1x1x128xf32, #tpu.memory_space<vmem>> -> memref<128xf32, #tpu.memory_space<vmem>>
        %parallel_loop3A_188 = tpu.vector_load_idx %parallel_loop3A_187[%parallel_loop3A_136] : memref<128xf32, #tpu.memory_space<vmem>>[vector<16xi32>], vector<16xf32>,
        %parallel_loop3A_189 = arith.index_cast %rem3A_74 : i32 to index
        %parallel_loop3A_190 = arith.index_cast %parallel_loop3A_152 : i32 to index
        %parallel_loop3A_191 = arith.constant 64 : index
        %parallel_loop3A_192 = tpu.vector_load %arg7[%parallel_loop3A_189, %parallel_loop3A_190, %parallel_loop3A_191] {strides = array<i32>} : memref<3x128x128xf32, #tpu.memory_space<vmem>>, vector<16xf32>,
        tpu.vector_store %arg7[%parallel_loop3A_189, %parallel_loop3A_190, %parallel_loop3A_191], %parallel_loop3A_188 {strides = array<i32>} : memref<3x128x128xf32, #tpu.memory_space<vmem>>, vector<16xf32>,
        %parallel_loop3A_193 = arith.constant 0 : i32
        %parallel_loop3A_194 = tpu.memref_slice %arg6[%rem3A_74, %parallel_loop3A_152, %parallel_loop3A_193] : memref<3x128x128xf32, #tpu.memory_space<vmem>> -> memref<1x1x128xf32, #tpu.memory_space<vmem>>
        %parallel_loop3A_195 = tpu.memref_squeeze %parallel_loop3A_194 : memref<1x1x128xf32, #tpu.memory_space<vmem>> -> memref<128xf32, #tpu.memory_space<vmem>>
        %parallel_loop3A_196 = tpu.vector_load_idx %parallel_loop3A_195[%parallel_loop3A_140] : memref<128xf32, #tpu.memory_space<vmem>>[vector<16xi32>], vector<16xf32>,
        %parallel_loop3A_197 = arith.index_cast %rem3A_74 : i32 to index
        %parallel_loop3A_198 = arith.index_cast %parallel_loop3A_152 : i32 to index
        %parallel_loop3A_199 = arith.constant 80 : index
        %parallel_loop3A_200 = tpu.vector_load %arg7[%parallel_loop3A_197, %parallel_loop3A_198, %parallel_loop3A_199] {strides = array<i32>} : memref<3x128x128xf32, #tpu.memory_space<vmem>>, vector<16xf32>,
        tpu.vector_store %arg7[%parallel_loop3A_197, %parallel_loop3A_198, %parallel_loop3A_199], %parallel_loop3A_196 {strides = array<i32>} : memref<3x128x128xf32, #tpu.memory_space<vmem>>, vector<16xf32>,
        %parallel_loop3A_201 = arith.constant 0 : i32
        %parallel_loop3A_202 = tpu.memref_slice %arg6[%rem3A_74, %parallel_loop3A_152, %parallel_loop3A_201] : memref<3x128x128xf32, #tpu.memory_space<vmem>> -> memref<1x1x128xf32, #tpu.memory_space<vmem>>
        %parallel_loop3A_203 = tpu.memref_squeeze %parallel_loop3A_202 : memref<1x1x128xf32, #tpu.memory_space<vmem>> -> memref<128xf32, #tpu.memory_space<vmem>>
        %parallel_loop3A_204 = tpu.vector_load_idx %parallel_loop3A_203[%parallel_loop3A_144] : memref<128xf32, #tpu.memory_space<vmem>>[vector<16xi32>], vector<16xf32>,
        %parallel_loop3A_205 = arith.index_cast %rem3A_74 : i32 to index
        %parallel_loop3A_206 = arith.index_cast %parallel_loop3A_152 : i32 to index
        %parallel_loop3A_207 = arith.constant 96 : index
        %parallel_loop3A_208 = tpu.vector_load %arg7[%parallel_loop3A_205, %parallel_loop3A_206, %parallel_loop3A_207] {strides = array<i32>} : memref<3x128x128xf32, #tpu.memory_space<vmem>>, vector<16xf32>,
        tpu.vector_store %arg7[%parallel_loop3A_205, %parallel_loop3A_206, %parallel_loop3A_207], %parallel_loop3A_204 {strides = array<i32>} : memref<3x128x128xf32, #tpu.memory_space<vmem>>, vector<16xf32>,
        %parallel_loop3A_209 = arith.constant 0 : i32
        %parallel_loop3A_210 = tpu.memref_slice %arg6[%rem3A_74, %parallel_loop3A_152, %parallel_loop3A_209] : memref<3x128x128xf32, #tpu.memory_space<vmem>> -> memref<1x1x128xf32, #tpu.memory_space<vmem>>
        %parallel_loop3A_211 = tpu.memref_squeeze %parallel_loop3A_210 : memref<1x1x128xf32, #tpu.memory_space<vmem>> -> memref<128xf32, #tpu.memory_space<vmem>>
        %parallel_loop3A_212 = tpu.vector_load_idx %parallel_loop3A_211[%parallel_loop3A_148] : memref<128xf32, #tpu.memory_space<vmem>>[vector<16xi32>], vector<16xf32>,
        %parallel_loop3A_213 = arith.index_cast %rem3A_74 : i32 to index
        %parallel_loop3A_214 = arith.index_cast %parallel_loop3A_152 : i32 to index
        %parallel_loop3A_215 = arith.constant 112 : index
        %parallel_loop3A_216 = tpu.vector_load %arg7[%parallel_loop3A_213, %parallel_loop3A_214, %parallel_loop3A_215] {strides = array<i32>} : memref<3x128x128xf32, #tpu.memory_space<vmem>>, vector<16xf32>,
        tpu.vector_store %arg7[%parallel_loop3A_213, %parallel_loop3A_214, %parallel_loop3A_215], %parallel_loop3A_212 {strides = array<i32>} : memref<3x128x128xf32, #tpu.memory_space<vmem>>, vector<16xf32>,
        %parallel_loop3A_217 = arith.constant 8 : i32
        %parallel_loop3A_218 = arith.muli %parallel_loop3A_116, %parallel_loop3A_217 : i32
        %parallel_loop3A_219 = arith.constant 1 : i32
        %parallel_loop3A_220 = arith.addi %parallel_loop3A_218, %parallel_loop3A_219 : i32
        %parallel_loop3A_221 = arith.constant 0 : i32
        %parallel_loop3A_222 = tpu.memref_slice %arg6[%rem3A_74, %parallel_loop3A_220, %parallel_loop3A_221] : memref<3x128x128xf32, #tpu.memory_space<vmem>> -> memref<1x1x128xf32, #tpu.memory_space<vmem>>
        %parallel_loop3A_223 = tpu.memref_squeeze %parallel_loop3A_222 : memref<1x1x128xf32, #tpu.memory_space<vmem>> -> memref<128xf32, #tpu.memory_space<vmem>>
        %parallel_loop3A_224 = tpu.vector_load_idx %parallel_loop3A_223[%parallel_loop3A_120] : memref<128xf32, #tpu.memory_space<vmem>>[vector<16xi32>], vector<16xf32>,
        %parallel_loop3A_225 = arith.index_cast %rem3A_74 : i32 to index
        %parallel_loop3A_226 = arith.index_cast %parallel_loop3A_220 : i32 to index
        %parallel_loop3A_227 = arith.constant 0 : index
        %parallel_loop3A_228 = tpu.vector_load %arg7[%parallel_loop3A_225, %parallel_loop3A_226, %parallel_loop3A_227] {strides = array<i32>} : memref<3x128x128xf32, #tpu.memory_space<vmem>>, vector<16xf32>,
        tpu.vector_store %arg7[%parallel_loop3A_225, %parallel_loop3A_226, %parallel_loop3A_227], %parallel_loop3A_224 {strides = array<i32>} : memref<3x128x128xf32, #tpu.memory_space<vmem>>, vector<16xf32>,
        %parallel_loop3A_229 = arith.constant 0 : i32
        %parallel_loop3A_230 = tpu.memref_slice %arg6[%rem3A_74, %parallel_loop3A_220, %parallel_loop3A_229] : memref<3x128x128xf32, #tpu.memory_space<vmem>> -> memref<1x1x128xf32, #tpu.memory_space<vmem>>
        %parallel_loop3A_231 = tpu.memref_squeeze %parallel_loop3A_230 : memref<1x1x128xf32, #tpu.memory_space<vmem>> -> memref<128xf32, #tpu.memory_space<vmem>>
        %parallel_loop3A_232 = tpu.vector_load_idx %parallel_loop3A_231[%parallel_loop3A_124] : memref<128xf32, #tpu.memory_space<vmem>>[vector<16xi32>], vector<16xf32>,
        %parallel_loop3A_233 = arith.index_cast %rem3A_74 : i32 to index
        %parallel_loop3A_234 = arith.index_cast %parallel_loop3A_220 : i32 to index
        %parallel_loop3A_235 = arith.constant 16 : index
        %parallel_loop3A_236 = tpu.vector_load %arg7[%parallel_loop3A_233, %parallel_loop3A_234, %parallel_loop3A_235] {strides = array<i32>} : memref<3x128x128xf32, #tpu.memory_space<vmem>>, vector<16xf32>,
        tpu.vector_store %arg7[%parallel_loop3A_233, %parallel_loop3A_234, %parallel_loop3A_235], %parallel_loop3A_232 {strides = array<i32>} : memref<3x128x128xf32, #tpu.memory_space<vmem>>, vector<16xf32>,
        %parallel_loop3A_237 = arith.constant 0 : i32
        %parallel_loop3A_238 = tpu.memref_slice %arg6[%rem3A_74, %parallel_loop3A_220, %parallel_loop3A_237] : memref<3x128x128xf32, #tpu.memory_space<vmem>> -> memref<1x1x128xf32, #tpu.memory_space<vmem>>
        %parallel_loop3A_239 = tpu.memref_squeeze %parallel_loop3A_238 : memref<1x1x128xf32, #tpu.memory_space<vmem>> -> memref<128xf32, #tpu.memory_space<vmem>>
        %parallel_loop3A_240 = tpu.vector_load_idx %parallel_loop3A_239[%parallel_loop3A_128] : memref<128xf32, #tpu.memory_space<vmem>>[vector<16xi32>], vector<16xf32>,
        %parallel_loop3A_241 = arith.index_cast %rem3A_74 : i32 to index
        %parallel_loop3A_242 = arith.index_cast %parallel_loop3A_220 : i32 to index
        %parallel_loop3A_243 = arith.constant 32 : index
        %parallel_loop3A_244 = tpu.vector_load %arg7[%parallel_loop3A_241, %parallel_loop3A_242, %parallel_loop3A_243] {strides = array<i32>} : memref<3x128x128xf32, #tpu.memory_space<vmem>>, vector<16xf32>,
        tpu.vector_store %arg7[%parallel_loop3A_241, %parallel_loop3A_242, %parallel_loop3A_243], %parallel_loop3A_240 {strides = array<i32>} : memref<3x128x128xf32, #tpu.memory_space<vmem>>, vector<16xf32>,
        %parallel_loop3A_245 = arith.constant 0 : i32
        %parallel_loop3A_246 = tpu.memref_slice %arg6[%rem3A_74, %parallel_loop3A_220, %parallel_loop3A_245] : memref<3x128x128xf32, #tpu.memory_space<vmem>> -> memref<1x1x128xf32, #tpu.memory_space<vmem>>
        %parallel_loop3A_247 = tpu.memref_squeeze %parallel_loop3A_246 : memref<1x1x128xf32, #tpu.memory_space<vmem>> -> memref<128xf32, #tpu.memory_space<vmem>>
        %parallel_loop3A_248 = tpu.vector_load_idx %parallel_loop3A_247[%parallel_loop3A_132] : memref<128xf32, #tpu.memory_space<vmem>>[vector<16xi32>], vector<16xf32>,
        %parallel_loop3A_249 = arith.index_cast %rem3A_74 : i32 to index
        %parallel_loop3A_250 = arith.index_cast %parallel_loop3A_220 : i32 to index
        %parallel_loop3A_251 = arith.constant 48 : index
        %parallel_loop3A_252 = tpu.vector_load %arg7[%parallel_loop3A_249, %parallel_loop3A_250, %parallel_loop3A_251] {strides = array<i32>} : memref<3x128x128xf32, #tpu.memory_space<vmem>>, vector<16xf32>,
        tpu.vector_store %arg7[%parallel_loop3A_249, %parallel_loop3A_250, %parallel_loop3A_251], %parallel_loop3A_248 {strides = array<i32>} : memref<3x128x128xf32, #tpu.memory_space<vmem>>, vector<16xf32>,
        %parallel_loop3A_253 = arith.constant 0 : i32
        %parallel_loop3A_254 = tpu.memref_slice %arg6[%rem3A_74, %parallel_loop3A_220, %parallel_loop3A_253] : memref<3x128x128xf32, #tpu.memory_space<vmem>> -> memref<1x1x128xf32, #tpu.memory_space<vmem>>
        %parallel_loop3A_255 = tpu.memref_squeeze %parallel_loop3A_254 : memref<1x1x128xf32, #tpu.memory_space<vmem>> -> memref<128xf32, #tpu.memory_space<vmem>>
        %parallel_loop3A_256 = tpu.vector_load_idx %parallel_loop3A_255[%parallel_loop3A_136] : memref<128xf32, #tpu.memory_space<vmem>>[vector<16xi32>], vector<16xf32>,
        %parallel_loop3A_257 = arith.index_cast %rem3A_74 : i32 to index
        %parallel_loop3A_258 = arith.index_cast %parallel_loop3A_220 : i32 to index
        %parallel_loop3A_259 = arith.constant 64 : index
        %parallel_loop3A_260 = tpu.vector_load %arg7[%parallel_loop3A_257, %parallel_loop3A_258, %parallel_loop3A_259] {strides = array<i32>} : memref<3x128x128xf32, #tpu.memory_space<vmem>>, vector<16xf32>,
        tpu.vector_store %arg7[%parallel_loop3A_257, %parallel_loop3A_258, %parallel_loop3A_259], %parallel_loop3A_256 {strides = array<i32>} : memref<3x128x128xf32, #tpu.memory_space<vmem>>, vector<16xf32>,
        %parallel_loop3A_261 = arith.constant 0 : i32
        %parallel_loop3A_262 = tpu.memref_slice %arg6[%rem3A_74, %parallel_loop3A_220, %parallel_loop3A_261] : memref<3x128x128xf32, #tpu.memory_space<vmem>> -> memref<1x1x128xf32, #tpu.memory_space<vmem>>
        %parallel_loop3A_263 = tpu.memref_squeeze %parallel_loop3A_262 : memref<1x1x128xf32, #tpu.memory_space<vmem>> -> memref<128xf32, #tpu.memory_space<vmem>>
        %parallel_loop3A_264 = tpu.vector_load_idx %parallel_loop3A_263[%parallel_loop3A_140] : memref<128xf32, #tpu.memory_space<vmem>>[vector<16xi32>], vector<16xf32>,
        %parallel_loop3A_265 = arith.index_cast %rem3A_74 : i32 to index
        %parallel_loop3A_266 = arith.index_cast %parallel_loop3A_220 : i32 to index
        %parallel_loop3A_267 = arith.constant 80 : index
        %parallel_loop3A_268 = tpu.vector_load %arg7[%parallel_loop3A_265, %parallel_loop3A_266, %parallel_loop3A_267] {strides = array<i32>} : memref<3x128x128xf32, #tpu.memory_space<vmem>>, vector<16xf32>,
        tpu.vector_store %arg7[%parallel_loop3A_265, %parallel_loop3A_266, %parallel_loop3A_267], %parallel_loop3A_264 {strides = array<i32>} : memref<3x128x128xf32, #tpu.memory_space<vmem>>, vector<16xf32>,
        %parallel_loop3A_269 = arith.constant 0 : i32
        %parallel_loop3A_270 = tpu.memref_slice %arg6[%rem3A_74, %parallel_loop3A_220, %parallel_loop3A_269] : memref<3x128x128xf32, #tpu.memory_space<vmem>> -> memref<1x1x128xf32, #tpu.memory_space<vmem>>
        %parallel_loop3A_271 = tpu.memref_squeeze %parallel_loop3A_270 : memref<1x1x128xf32, #tpu.memory_space<vmem>> -> memref<128xf32, #tpu.memory_space<vmem>>
        %parallel_loop3A_272 = tpu.vector_load_idx %parallel_loop3A_271[%parallel_loop3A_144] : memref<128xf32, #tpu.memory_space<vmem>>[vector<16xi32>], vector<16xf32>,
        %parallel_loop3A_273 = arith.index_cast %rem3A_74 : i32 to index
        %parallel_loop3A_274 = arith.index_cast %parallel_loop3A_220 : i32 to index
        %parallel_loop3A_275 = arith.constant 96 : index
        %parallel_loop3A_276 = tpu.vector_load %arg7[%parallel_loop3A_273, %parallel_loop3A_274, %parallel_loop3A_275] {strides = array<i32>} : memref<3x128x128xf32, #tpu.memory_space<vmem>>, vector<16xf32>,
        tpu.vector_store %arg7[%parallel_loop3A_273, %parallel_loop3A_274, %parallel_loop3A_275], %parallel_loop3A_272 {strides = array<i32>} : memref<3x128x128xf32, #tpu.memory_space<vmem>>, vector<16xf32>,
        %parallel_loop3A_277 = arith.constant 0 : i32
        %parallel_loop3A_278 = tpu.memref_slice %arg6[%rem3A_74, %parallel_loop3A_220, %parallel_loop3A_277] : memref<3x128x128xf32, #tpu.memory_space<vmem>> -> memref<1x1x128xf32, #tpu.memory_space<vmem>>
        %parallel_loop3A_279 = tpu.memref_squeeze %parallel_loop3A_278 : memref<1x1x128xf32, #tpu.memory_space<vmem>> -> memref<128xf32, #tpu.memory_space<vmem>>
        %parallel_loop3A_280 = tpu.vector_load_idx %parallel_loop3A_279[%parallel_loop3A_148] : memref<128xf32, #tpu.memory_space<vmem>>[vector<16xi32>], vector<16xf32>,
        %parallel_loop3A_281 = arith.index_cast %rem3A_74 : i32 to index
        %parallel_loop3A_282 = arith.index_cast %parallel_loop3A_220 : i32 to index
        %parallel_loop3A_283 = arith.constant 112 : index
        %parallel_loop3A_284 = tpu.vector_load %arg7[%parallel_loop3A_281, %parallel_loop3A_282, %parallel_loop3A_283] {strides = array<i32>} : memref<3x128x128xf32, #tpu.memory_space<vmem>>, vector<16xf32>,
        tpu.vector_store %arg7[%parallel_loop3A_281, %parallel_loop3A_282, %parallel_loop3A_283], %parallel_loop3A_280 {strides = array<i32>} : memref<3x128x128xf32, #tpu.memory_space<vmem>>, vector<16xf32>,
        %parallel_loop3A_285 = arith.constant 8 : i32
        %parallel_loop3A_286 = arith.muli %parallel_loop3A_116, %parallel_loop3A_285 : i32
        %parallel_loop3A_287 = arith.constant 2 : i32
        %parallel_loop3A_288 = arith.addi %parallel_loop3A_286, %parallel_loop3A_287 : i32
        %parallel_loop3A_289 = arith.constant 0 : i32
        %parallel_loop3A_290 = tpu.memref_slice %arg6[%rem3A_74, %parallel_loop3A_288, %parallel_loop3A_289] : memref<3x128x128xf32, #tpu.memory_space<vmem>> -> memref<1x1x128xf32, #tpu.memory_space<vmem>>
        %parallel_loop3A_291 = tpu.memref_squeeze %parallel_loop3A_290 : memref<1x1x128xf32, #tpu.memory_space<vmem>> -> memref<128xf32, #tpu.memory_space<vmem>>
        %parallel_loop3A_292 = tpu.vector_load_idx %parallel_loop3A_291[%parallel_loop3A_120] : memref<128xf32, #tpu.memory_space<vmem>>[vector<16xi32>], vector<16xf32>,
        %parallel_loop3A_293 = arith.index_cast %rem3A_74 : i32 to index
        %parallel_loop3A_294 = arith.index_cast %parallel_loop3A_288 : i32 to index
        %parallel_loop3A_295 = arith.constant 0 : index
        %parallel_loop3A_296 = tpu.vector_load %arg7[%parallel_loop3A_293, %parallel_loop3A_294, %parallel_loop3A_295] {strides = array<i32>} : memref<3x128x128xf32, #tpu.memory_space<vmem>>, vector<16xf32>,
        tpu.vector_store %arg7[%parallel_loop3A_293, %parallel_loop3A_294, %parallel_loop3A_295], %parallel_loop3A_292 {strides = array<i32>} : memref<3x128x128xf32, #tpu.memory_space<vmem>>, vector<16xf32>,
        %parallel_loop3A_297 = arith.constant 0 : i32
        %parallel_loop3A_298 = tpu.memref_slice %arg6[%rem3A_74, %parallel_loop3A_288, %parallel_loop3A_297] : memref<3x128x128xf32, #tpu.memory_space<vmem>> -> memref<1x1x128xf32, #tpu.memory_space<vmem>>
        %parallel_loop3A_299 = tpu.memref_squeeze %parallel_loop3A_298 : memref<1x1x128xf32, #tpu.memory_space<vmem>> -> memref<128xf32, #tpu.memory_space<vmem>>
        %parallel_loop3A_300 = tpu.vector_load_idx %parallel_loop3A_299[%parallel_loop3A_124] : memref<128xf32, #tpu.memory_space<vmem>>[vector<16xi32>], vector<16xf32>,
        %parallel_loop3A_301 = arith.index_cast %rem3A_74 : i32 to index
        %parallel_loop3A_302 = arith.index_cast %parallel_loop3A_288 : i32 to index
        %parallel_loop3A_303 = arith.constant 16 : index
        %parallel_loop3A_304 = tpu.vector_load %arg7[%parallel_loop3A_301, %parallel_loop3A_302, %parallel_loop3A_303] {strides = array<i32>} : memref<3x128x128xf32, #tpu.memory_space<vmem>>, vector<16xf32>,
        tpu.vector_store %arg7[%parallel_loop3A_301, %parallel_loop3A_302, %parallel_loop3A_303], %parallel_loop3A_300 {strides = array<i32>} : memref<3x128x128xf32, #tpu.memory_space<vmem>>, vector<16xf32>,
        %parallel_loop3A_305 = arith.constant 0 : i32
        %parallel_loop3A_306 = tpu.memref_slice %arg6[%rem3A_74, %parallel_loop3A_288, %parallel_loop3A_305] : memref<3x128x128xf32, #tpu.memory_space<vmem>> -> memref<1x1x128xf32, #tpu.memory_space<vmem>>
        %parallel_loop3A_307 = tpu.memref_squeeze %parallel_loop3A_306 : memref<1x1x128xf32, #tpu.memory_space<vmem>> -> memref<128xf32, #tpu.memory_space<vmem>>
        %parallel_loop3A_308 = tpu.vector_load_idx %parallel_loop3A_307[%parallel_loop3A_128] : memref<128xf32, #tpu.memory_space<vmem>>[vector<16xi32>], vector<16xf32>,
        %parallel_loop3A_309 = arith.index_cast %rem3A_74 : i32 to index
        %parallel_loop3A_310 = arith.index_cast %parallel_loop3A_288 : i32 to index
        %parallel_loop3A_311 = arith.constant 32 : index
        %parallel_loop3A_312 = tpu.vector_load %arg7[%parallel_loop3A_309, %parallel_loop3A_310, %parallel_loop3A_311] {strides = array<i32>} : memref<3x128x128xf32, #tpu.memory_space<vmem>>, vector<16xf32>,
        tpu.vector_store %arg7[%parallel_loop3A_309, %parallel_loop3A_310, %parallel_loop3A_311], %parallel_loop3A_308 {strides = array<i32>} : memref<3x128x128xf32, #tpu.memory_space<vmem>>, vector<16xf32>,
        %parallel_loop3A_313 = arith.constant 0 : i32
        %parallel_loop3A_314 = tpu.memref_slice %arg6[%rem3A_74, %parallel_loop3A_288, %parallel_loop3A_313] : memref<3x128x128xf32, #tpu.memory_space<vmem>> -> memref<1x1x128xf32, #tpu.memory_space<vmem>>
        %parallel_loop3A_315 = tpu.memref_squeeze %parallel_loop3A_314 : memref<1x1x128xf32, #tpu.memory_space<vmem>> -> memref<128xf32, #tpu.memory_space<vmem>>
        %parallel_loop3A_316 = tpu.vector_load_idx %parallel_loop3A_315[%parallel_loop3A_132] : memref<128xf32, #tpu.memory_space<vmem>>[vector<16xi32>], vector<16xf32>,
        %parallel_loop3A_317 = arith.index_cast %rem3A_74 : i32 to index
        %parallel_loop3A_318 = arith.index_cast %parallel_loop3A_288 : i32 to index
        %parallel_loop3A_319 = arith.constant 48 : index
        %parallel_loop3A_320 = tpu.vector_load %arg7[%parallel_loop3A_317, %parallel_loop3A_318, %parallel_loop3A_319] {strides = array<i32>} : memref<3x128x128xf32, #tpu.memory_space<vmem>>, vector<16xf32>,
        tpu.vector_store %arg7[%parallel_loop3A_317, %parallel_loop3A_318, %parallel_loop3A_319], %parallel_loop3A_316 {strides = array<i32>} : memref<3x128x128xf32, #tpu.memory_space<vmem>>, vector<16xf32>,
        %parallel_loop3A_321 = arith.constant 0 : i32
        %parallel_loop3A_322 = tpu.memref_slice %arg6[%rem3A_74, %parallel_loop3A_288, %parallel_loop3A_321] : memref<3x128x128xf32, #tpu.memory_space<vmem>> -> memref<1x1x128xf32, #tpu.memory_space<vmem>>
        %parallel_loop3A_323 = tpu.memref_squeeze %parallel_loop3A_322 : memref<1x1x128xf32, #tpu.memory_space<vmem>> -> memref<128xf32, #tpu.memory_space<vmem>>
        %parallel_loop3A_324 = tpu.vector_load_idx %parallel_loop3A_323[%parallel_loop3A_136] : memref<128xf32, #tpu.memory_space<vmem>>[vector<16xi32>], vector<16xf32>,
        %parallel_loop3A_325 = arith.index_cast %rem3A_74 : i32 to index
        %parallel_loop3A_326 = arith.index_cast %parallel_loop3A_288 : i32 to index
        %parallel_loop3A_327 = arith.constant 64 : index
        %parallel_loop3A_328 = tpu.vector_load %arg7[%parallel_loop3A_325, %parallel_loop3A_326, %parallel_loop3A_327] {strides = array<i32>} : memref<3x128x128xf32, #tpu.memory_space<vmem>>, vector<16xf32>,
        tpu.vector_store %arg7[%parallel_loop3A_325, %parallel_loop3A_326, %parallel_loop3A_327], %parallel_loop3A_324 {strides = array<i32>} : memref<3x128x128xf32, #tpu.memory_space<vmem>>, vector<16xf32>,
        %parallel_loop3A_329 = arith.constant 0 : i32
        %parallel_loop3A_330 = tpu.memref_slice %arg6[%rem3A_74, %parallel_loop3A_288, %parallel_loop3A_329] : memref<3x128x128xf32, #tpu.memory_space<vmem>> -> memref<1x1x128xf32, #tpu.memory_space<vmem>>
        %parallel_loop3A_331 = tpu.memref_squeeze %parallel_loop3A_330 : memref<1x1x128xf32, #tpu.memory_space<vmem>> -> memref<128xf32, #tpu.memory_space<vmem>>
        %parallel_loop3A_332 = tpu.vector_load_idx %parallel_loop3A_331[%parallel_loop3A_140] : memref<128xf32, #tpu.memory_space<vmem>>[vector<16xi32>], vector<16xf32>,
        %parallel_loop3A_333 = arith.index_cast %rem3A_74 : i32 to index
        %parallel_loop3A_334 = arith.index_cast %parallel_loop3A_288 : i32 to index
        %parallel_loop3A_335 = arith.constant 80 : index
        %parallel_loop3A_336 = tpu.vector_load %arg7[%parallel_loop3A_333, %parallel_loop3A_334, %parallel_loop3A_335] {strides = array<i32>} : memref<3x128x128xf32, #tpu.memory_space<vmem>>, vector<16xf32>,
        tpu.vector_store %arg7[%parallel_loop3A_333, %parallel_loop3A_334, %parallel_loop3A_335], %parallel_loop3A_332 {strides = array<i32>} : memref<3x128x128xf32, #tpu.memory_space<vmem>>, vector<16xf32>,
        %parallel_loop3A_337 = arith.constant 0 : i32
        %parallel_loop3A_338 = tpu.memref_slice %arg6[%rem3A_74, %parallel_loop3A_288, %parallel_loop3A_337] : memref<3x128x128xf32, #tpu.memory_space<vmem>> -> memref<1x1x128xf32, #tpu.memory_space<vmem>>
        %parallel_loop3A_339 = tpu.memref_squeeze %parallel_loop3A_338 : memref<1x1x128xf32, #tpu.memory_space<vmem>> -> memref<128xf32, #tpu.memory_space<vmem>>
        %parallel_loop3A_340 = tpu.vector_load_idx %parallel_loop3A_339[%parallel_loop3A_144] : memref<128xf32, #tpu.memory_space<vmem>>[vector<16xi32>], vector<16xf32>,
        %parallel_loop3A_341 = arith.index_cast %rem3A_74 : i32 to index
        %parallel_loop3A_342 = arith.index_cast %parallel_loop3A_288 : i32 to index
        %parallel_loop3A_343 = arith.constant 96 : index
        %parallel_loop3A_344 = tpu.vector_load %arg7[%parallel_loop3A_341, %parallel_loop3A_342, %parallel_loop3A_343] {strides = array<i32>} : memref<3x128x128xf32, #tpu.memory_space<vmem>>, vector<16xf32>,
        tpu.vector_store %arg7[%parallel_loop3A_341, %parallel_loop3A_342, %parallel_loop3A_343], %parallel_loop3A_340 {strides = array<i32>} : memref<3x128x128xf32, #tpu.memory_space<vmem>>, vector<16xf32>,
        %parallel_loop3A_345 = arith.constant 0 : i32
        %parallel_loop3A_346 = tpu.memref_slice %arg6[%rem3A_74, %parallel_loop3A_288, %parallel_loop3A_345] : memref<3x128x128xf32, #tpu.memory_space<vmem>> -> memref<1x1x128xf32, #tpu.memory_space<vmem>>
        %parallel_loop3A_347 = tpu.memref_squeeze %parallel_loop3A_346 : memref<1x1x128xf32, #tpu.memory_space<vmem>> -> memref<128xf32, #tpu.memory_space<vmem>>
        %parallel_loop3A_348 = tpu.vector_load_idx %parallel_loop3A_347[%parallel_loop3A_148] : memref<128xf32, #tpu.memory_space<vmem>>[vector<16xi32>], vector<16xf32>,
        %parallel_loop3A_349 = arith.index_cast %rem3A_74 : i32 to index
        %parallel_loop3A_350 = arith.index_cast %parallel_loop3A_288 : i32 to index
        %parallel_loop3A_351 = arith.constant 112 : index
        %parallel_loop3A_352 = tpu.vector_load %arg7[%parallel_loop3A_349, %parallel_loop3A_350, %parallel_loop3A_351] {strides = array<i32>} : memref<3x128x128xf32, #tpu.memory_space<vmem>>, vector<16xf32>,
        tpu.vector_store %arg7[%parallel_loop3A_349, %parallel_loop3A_350, %parallel_loop3A_351], %parallel_loop3A_348 {strides = array<i32>} : memref<3x128x128xf32, #tpu.memory_space<vmem>>, vector<16xf32>,
        %parallel_loop3A_353 = arith.constant 8 : i32
        %parallel_loop3A_354 = arith.muli %parallel_loop3A_116, %parallel_loop3A_353 : i32
        %parallel_loop3A_355 = arith.constant 3 : i32
        %parallel_loop3A_356 = arith.addi %parallel_loop3A_354, %parallel_loop3A_355 : i32
        %parallel_loop3A_357 = arith.constant 0 : i32
        %parallel_loop3A_358 = tpu.memref_slice %arg6[%rem3A_74, %parallel_loop3A_356, %parallel_loop3A_357] : memref<3x128x128xf32, #tpu.memory_space<vmem>> -> memref<1x1x128xf32, #tpu.memory_space<vmem>>
        %parallel_loop3A_359 = tpu.memref_squeeze %parallel_loop3A_358 : memref<1x1x128xf32, #tpu.memory_space<vmem>> -> memref<128xf32, #tpu.memory_space<vmem>>
        %parallel_loop3A_360 = tpu.vector_load_idx %parallel_loop3A_359[%parallel_loop3A_120] : memref<128xf32, #tpu.memory_space<vmem>>[vector<16xi32>], vector<16xf32>,
        %parallel_loop3A_361 = arith.index_cast %rem3A_74 : i32 to index
        %parallel_loop3A_362 = arith.index_cast %parallel_loop3A_356 : i32 to index
        %parallel_loop3A_363 = arith.constant 0 : index
        %parallel_loop3A_364 = tpu.vector_load %arg7[%parallel_loop3A_361, %parallel_loop3A_362, %parallel_loop3A_363] {strides = array<i32>} : memref<3x128x128xf32, #tpu.memory_space<vmem>>, vector<16xf32>,
        tpu.vector_store %arg7[%parallel_loop3A_361, %parallel_loop3A_362, %parallel_loop3A_363], %parallel_loop3A_360 {strides = array<i32>} : memref<3x128x128xf32, #tpu.memory_space<vmem>>, vector<16xf32>,
        %parallel_loop3A_365 = arith.constant 0 : i32
        %parallel_loop3A_366 = tpu.memref_slice %arg6[%rem3A_74, %parallel_loop3A_356, %parallel_loop3A_365] : memref<3x128x128xf32, #tpu.memory_space<vmem>> -> memref<1x1x128xf32, #tpu.memory_space<vmem>>
        %parallel_loop3A_367 = tpu.memref_squeeze %parallel_loop3A_366 : memref<1x1x128xf32, #tpu.memory_space<vmem>> -> memref<128xf32, #tpu.memory_space<vmem>>
        %parallel_loop3A_368 = tpu.vector_load_idx %parallel_loop3A_367[%parallel_loop3A_124] : memref<128xf32, #tpu.memory_space<vmem>>[vector<16xi32>], vector<16xf32>,
        %parallel_loop3A_369 = arith.index_cast %rem3A_74 : i32 to index
        %parallel_loop3A_370 = arith.index_cast %parallel_loop3A_356 : i32 to index
        %parallel_loop3A_371 = arith.constant 16 : index
        %parallel_loop3A_372 = tpu.vector_load %arg7[%parallel_loop3A_369, %parallel_loop3A_370, %parallel_loop3A_371] {strides = array<i32>} : memref<3x128x128xf32, #tpu.memory_space<vmem>>, vector<16xf32>,
        tpu.vector_store %arg7[%parallel_loop3A_369, %parallel_loop3A_370, %parallel_loop3A_371], %parallel_loop3A_368 {strides = array<i32>} : memref<3x128x128xf32, #tpu.memory_space<vmem>>, vector<16xf32>,
        %parallel_loop3A_373 = arith.constant 0 : i32
        %parallel_loop3A_374 = tpu.memref_slice %arg6[%rem3A_74, %parallel_loop3A_356, %parallel_loop3A_373] : memref<3x128x128xf32, #tpu.memory_space<vmem>> -> memref<1x1x128xf32, #tpu.memory_space<vmem>>
        %parallel_loop3A_375 = tpu.memref_squeeze %parallel_loop3A_374 : memref<1x1x128xf32, #tpu.memory_space<vmem>> -> memref<128xf32, #tpu.memory_space<vmem>>
        %parallel_loop3A_376 = tpu.vector_load_idx %parallel_loop3A_375[%parallel_loop3A_128] : memref<128xf32, #tpu.memory_space<vmem>>[vector<16xi32>], vector<16xf32>,
        %parallel_loop3A_377 = arith.index_cast %rem3A_74 : i32 to index
        %parallel_loop3A_378 = arith.index_cast %parallel_loop3A_356 : i32 to index
        %parallel_loop3A_379 = arith.constant 32 : index
        %parallel_loop3A_380 = tpu.vector_load %arg7[%parallel_loop3A_377, %parallel_loop3A_378, %parallel_loop3A_379] {strides = array<i32>} : memref<3x128x128xf32, #tpu.memory_space<vmem>>, vector<16xf32>,
        tpu.vector_store %arg7[%parallel_loop3A_377, %parallel_loop3A_378, %parallel_loop3A_379], %parallel_loop3A_376 {strides = array<i32>} : memref<3x128x128xf32, #tpu.memory_space<vmem>>, vector<16xf32>,
        %parallel_loop3A_381 = arith.constant 0 : i32
        %parallel_loop3A_382 = tpu.memref_slice %arg6[%rem3A_74, %parallel_loop3A_356, %parallel_loop3A_381] : memref<3x128x128xf32, #tpu.memory_space<vmem>> -> memref<1x1x128xf32, #tpu.memory_space<vmem>>
        %parallel_loop3A_383 = tpu.memref_squeeze %parallel_loop3A_382 : memref<1x1x128xf32, #tpu.memory_space<vmem>> -> memref<128xf32, #tpu.memory_space<vmem>>
        %parallel_loop3A_384 = tpu.vector_load_idx %parallel_loop3A_383[%parallel_loop3A_132] : memref<128xf32, #tpu.memory_space<vmem>>[vector<16xi32>], vector<16xf32>,
        %parallel_loop3A_385 = arith.index_cast %rem3A_74 : i32 to index
        %parallel_loop3A_386 = arith.index_cast %parallel_loop3A_356 : i32 to index
        %parallel_loop3A_387 = arith.constant 48 : index
        %parallel_loop3A_388 = tpu.vector_load %arg7[%parallel_loop3A_385, %parallel_loop3A_386, %parallel_loop3A_387] {strides = array<i32>} : memref<3x128x128xf32, #tpu.memory_space<vmem>>, vector<16xf32>,
        tpu.vector_store %arg7[%parallel_loop3A_385, %parallel_loop3A_386, %parallel_loop3A_387], %parallel_loop3A_384 {strides = array<i32>} : memref<3x128x128xf32, #tpu.memory_space<vmem>>, vector<16xf32>,
        %parallel_loop3A_389 = arith.constant 0 : i32
        %parallel_loop3A_390 = tpu.memref_slice %arg6[%rem3A_74, %parallel_loop3A_356, %parallel_loop3A_389] : memref<3x128x128xf32, #tpu.memory_space<vmem>> -> memref<1x1x128xf32, #tpu.memory_space<vmem>>
        %parallel_loop3A_391 = tpu.memref_squeeze %parallel_loop3A_390 : memref<1x1x128xf32, #tpu.memory_space<vmem>> -> memref<128xf32, #tpu.memory_space<vmem>>
        %parallel_loop3A_392 = tpu.vector_load_idx %parallel_loop3A_391[%parallel_loop3A_136] : memref<128xf32, #tpu.memory_space<vmem>>[vector<16xi32>], vector<16xf32>,
        %parallel_loop3A_393 = arith.index_cast %rem3A_74 : i32 to index
        %parallel_loop3A_394 = arith.index_cast %parallel_loop3A_356 : i32 to index
        %parallel_loop3A_395 = arith.constant 64 : index
        %parallel_loop3A_396 = tpu.vector_load %arg7[%parallel_loop3A_393, %parallel_loop3A_394, %parallel_loop3A_395] {strides = array<i32>} : memref<3x128x128xf32, #tpu.memory_space<vmem>>, vector<16xf32>,
        tpu.vector_store %arg7[%parallel_loop3A_393, %parallel_loop3A_394, %parallel_loop3A_395], %parallel_loop3A_392 {strides = array<i32>} : memref<3x128x128xf32, #tpu.memory_space<vmem>>, vector<16xf32>,
        %parallel_loop3A_397 = arith.constant 0 : i32
        %parallel_loop3A_398 = tpu.memref_slice %arg6[%rem3A_74, %parallel_loop3A_356, %parallel_loop3A_397] : memref<3x128x128xf32, #tpu.memory_space<vmem>> -> memref<1x1x128xf32, #tpu.memory_space<vmem>>
        %parallel_loop3A_399 = tpu.memref_squeeze %parallel_loop3A_398 : memref<1x1x128xf32, #tpu.memory_space<vmem>> -> memref<128xf32, #tpu.memory_space<vmem>>
        %parallel_loop3A_400 = tpu.vector_load_idx %parallel_loop3A_399[%parallel_loop3A_140] : memref<128xf32, #tpu.memory_space<vmem>>[vector<16xi32>], vector<16xf32>,
        %parallel_loop3A_401 = arith.index_cast %rem3A_74 : i32 to index
        %parallel_loop3A_402 = arith.index_cast %parallel_loop3A_356 : i32 to index
        %parallel_loop3A_403 = arith.constant 80 : index
        %parallel_loop3A_404 = tpu.vector_load %arg7[%parallel_loop3A_401, %parallel_loop3A_402, %parallel_loop3A_403] {strides = array<i32>} : memref<3x128x128xf32, #tpu.memory_space<vmem>>, vector<16xf32>,
        tpu.vector_store %arg7[%parallel_loop3A_401, %parallel_loop3A_402, %parallel_loop3A_403], %parallel_loop3A_400 {strides = array<i32>} : memref<3x128x128xf32, #tpu.memory_space<vmem>>, vector<16xf32>,
        %parallel_loop3A_405 = arith.constant 0 : i32
        %parallel_loop3A_406 = tpu.memref_slice %arg6[%rem3A_74, %parallel_loop3A_356, %parallel_loop3A_405] : memref<3x128x128xf32, #tpu.memory_space<vmem>> -> memref<1x1x128xf32, #tpu.memory_space<vmem>>
        %parallel_loop3A_407 = tpu.memref_squeeze %parallel_loop3A_406 : memref<1x1x128xf32, #tpu.memory_space<vmem>> -> memref<128xf32, #tpu.memory_space<vmem>>
        %parallel_loop3A_408 = tpu.vector_load_idx %parallel_loop3A_407[%parallel_loop3A_144] : memref<128xf32, #tpu.memory_space<vmem>>[vector<16xi32>], vector<16xf32>,
        %parallel_loop3A_409 = arith.index_cast %rem3A_74 : i32 to index
        %parallel_loop3A_410 = arith.index_cast %parallel_loop3A_356 : i32 to index
        %parallel_loop3A_411 = arith.constant 96 : index
        %parallel_loop3A_412 = tpu.vector_load %arg7[%parallel_loop3A_409, %parallel_loop3A_410, %parallel_loop3A_411] {strides = array<i32>} : memref<3x128x128xf32, #tpu.memory_space<vmem>>, vector<16xf32>,
        tpu.vector_store %arg7[%parallel_loop3A_409, %parallel_loop3A_410, %parallel_loop3A_411], %parallel_loop3A_408 {strides = array<i32>} : memref<3x128x128xf32, #tpu.memory_space<vmem>>, vector<16xf32>,
        %parallel_loop3A_413 = arith.constant 0 : i32
        %parallel_loop3A_414 = tpu.memref_slice %arg6[%rem3A_74, %parallel_loop3A_356, %parallel_loop3A_413] : memref<3x128x128xf32, #tpu.memory_space<vmem>> -> memref<1x1x128xf32, #tpu.memory_space<vmem>>
        %parallel_loop3A_415 = tpu.memref_squeeze %parallel_loop3A_414 : memref<1x1x128xf32, #tpu.memory_space<vmem>> -> memref<128xf32, #tpu.memory_space<vmem>>
        %parallel_loop3A_416 = tpu.vector_load_idx %parallel_loop3A_415[%parallel_loop3A_148] : memref<128xf32, #tpu.memory_space<vmem>>[vector<16xi32>], vector<16xf32>,
        %parallel_loop3A_417 = arith.index_cast %rem3A_74 : i32 to index
        %parallel_loop3A_418 = arith.index_cast %parallel_loop3A_356 : i32 to index
        %parallel_loop3A_419 = arith.constant 112 : index
        %parallel_loop3A_420 = tpu.vector_load %arg7[%parallel_loop3A_417, %parallel_loop3A_418, %parallel_loop3A_419] {strides = array<i32>} : memref<3x128x128xf32, #tpu.memory_space<vmem>>, vector<16xf32>,
        tpu.vector_store %arg7[%parallel_loop3A_417, %parallel_loop3A_418, %parallel_loop3A_419], %parallel_loop3A_416 {strides = array<i32>} : memref<3x128x128xf32, #tpu.memory_space<vmem>>, vector<16xf32>,
        %parallel_loop3A_421 = arith.constant 8 : i32
        %parallel_loop3A_422 = arith.muli %parallel_loop3A_116, %parallel_loop3A_421 : i32
        %parallel_loop3A_423 = arith.constant 4 : i32
        %parallel_loop3A_424 = arith.addi %parallel_loop3A_422, %parallel_loop3A_423 : i32
        %parallel_loop3A_425 = arith.constant 0 : i32
        %parallel_loop3A_426 = tpu.memref_slice %arg6[%rem3A_74, %parallel_loop3A_424, %parallel_loop3A_425] : memref<3x128x128xf32, #tpu.memory_space<vmem>> -> memref<1x1x128xf32, #tpu.memory_space<vmem>>
        %parallel_loop3A_427 = tpu.memref_squeeze %parallel_loop3A_426 : memref<1x1x128xf32, #tpu.memory_space<vmem>> -> memref<128xf32, #tpu.memory_space<vmem>>
        %parallel_loop3A_428 = tpu.vector_load_idx %parallel_loop3A_427[%parallel_loop3A_120] : memref<128xf32, #tpu.memory_space<vmem>>[vector<16xi32>], vector<16xf32>,
        %parallel_loop3A_429 = arith.index_cast %rem3A_74 : i32 to index
        %parallel_loop3A_430 = arith.index_cast %parallel_loop3A_424 : i32 to index
        %parallel_loop3A_431 = arith.constant 0 : index
        %parallel_loop3A_432 = tpu.vector_load %arg7[%parallel_loop3A_429, %parallel_loop3A_430, %parallel_loop3A_431] {strides = array<i32>} : memref<3x128x128xf32, #tpu.memory_space<vmem>>, vector<16xf32>,
        tpu.vector_store %arg7[%parallel_loop3A_429, %parallel_loop3A_430, %parallel_loop3A_431], %parallel_loop3A_428 {strides = array<i32>} : memref<3x128x128xf32, #tpu.memory_space<vmem>>, vector<16xf32>,
        %parallel_loop3A_433 = arith.constant 0 : i32
        %parallel_loop3A_434 = tpu.memref_slice %arg6[%rem3A_74, %parallel_loop3A_424, %parallel_loop3A_433] : memref<3x128x128xf32, #tpu.memory_space<vmem>> -> memref<1x1x128xf32, #tpu.memory_space<vmem>>
        %parallel_loop3A_435 = tpu.memref_squeeze %parallel_loop3A_434 : memref<1x1x128xf32, #tpu.memory_space<vmem>> -> memref<128xf32, #tpu.memory_space<vmem>>
        %parallel_loop3A_436 = tpu.vector_load_idx %parallel_loop3A_435[%parallel_loop3A_124] : memref<128xf32, #tpu.memory_space<vmem>>[vector<16xi32>], vector<16xf32>,
        %parallel_loop3A_437 = arith.index_cast %rem3A_74 : i32 to index
        %parallel_loop3A_438 = arith.index_cast %parallel_loop3A_424 : i32 to index
        %parallel_loop3A_439 = arith.constant 16 : index
        %parallel_loop3A_440 = tpu.vector_load %arg7[%parallel_loop3A_437, %parallel_loop3A_438, %parallel_loop3A_439] {strides = array<i32>} : memref<3x128x128xf32, #tpu.memory_space<vmem>>, vector<16xf32>,
        tpu.vector_store %arg7[%parallel_loop3A_437, %parallel_loop3A_438, %parallel_loop3A_439], %parallel_loop3A_436 {strides = array<i32>} : memref<3x128x128xf32, #tpu.memory_space<vmem>>, vector<16xf32>,
        %parallel_loop3A_441 = arith.constant 0 : i32
        %parallel_loop3A_442 = tpu.memref_slice %arg6[%rem3A_74, %parallel_loop3A_424, %parallel_loop3A_441] : memref<3x128x128xf32, #tpu.memory_space<vmem>> -> memref<1x1x128xf32, #tpu.memory_space<vmem>>
        %parallel_loop3A_443 = tpu.memref_squeeze %parallel_loop3A_442 : memref<1x1x128xf32, #tpu.memory_space<vmem>> -> memref<128xf32, #tpu.memory_space<vmem>>
        %parallel_loop3A_444 = tpu.vector_load_idx %parallel_loop3A_443[%parallel_loop3A_128] : memref<128xf32, #tpu.memory_space<vmem>>[vector<16xi32>], vector<16xf32>,
        %parallel_loop3A_445 = arith.index_cast %rem3A_74 : i32 to index
        %parallel_loop3A_446 = arith.index_cast %parallel_loop3A_424 : i32 to index
        %parallel_loop3A_447 = arith.constant 32 : index
        %parallel_loop3A_448 = tpu.vector_load %arg7[%parallel_loop3A_445, %parallel_loop3A_446, %parallel_loop3A_447] {strides = array<i32>} : memref<3x128x128xf32, #tpu.memory_space<vmem>>, vector<16xf32>,
        tpu.vector_store %arg7[%parallel_loop3A_445, %parallel_loop3A_446, %parallel_loop3A_447], %parallel_loop3A_444 {strides = array<i32>} : memref<3x128x128xf32, #tpu.memory_space<vmem>>, vector<16xf32>,
        %parallel_loop3A_449 = arith.constant 0 : i32
        %parallel_loop3A_450 = tpu.memref_slice %arg6[%rem3A_74, %parallel_loop3A_424, %parallel_loop3A_449] : memref<3x128x128xf32, #tpu.memory_space<vmem>> -> memref<1x1x128xf32, #tpu.memory_space<vmem>>
        %parallel_loop3A_451 = tpu.memref_squeeze %parallel_loop3A_450 : memref<1x1x128xf32, #tpu.memory_space<vmem>> -> memref<128xf32, #tpu.memory_space<vmem>>
        %parallel_loop3A_452 = tpu.vector_load_idx %parallel_loop3A_451[%parallel_loop3A_132] : memref<128xf32, #tpu.memory_space<vmem>>[vector<16xi32>], vector<16xf32>,
        %parallel_loop3A_453 = arith.index_cast %rem3A_74 : i32 to index
        %parallel_loop3A_454 = arith.index_cast %parallel_loop3A_424 : i32 to index
        %parallel_loop3A_455 = arith.constant 48 : index
        %parallel_loop3A_456 = tpu.vector_load %arg7[%parallel_loop3A_453, %parallel_loop3A_454, %parallel_loop3A_455] {strides = array<i32>} : memref<3x128x128xf32, #tpu.memory_space<vmem>>, vector<16xf32>,
        tpu.vector_store %arg7[%parallel_loop3A_453, %parallel_loop3A_454, %parallel_loop3A_455], %parallel_loop3A_452 {strides = array<i32>} : memref<3x128x128xf32, #tpu.memory_space<vmem>>, vector<16xf32>,
        %parallel_loop3A_457 = arith.constant 0 : i32
        %parallel_loop3A_458 = tpu.memref_slice %arg6[%rem3A_74, %parallel_loop3A_424, %parallel_loop3A_457] : memref<3x128x128xf32, #tpu.memory_space<vmem>> -> memref<1x1x128xf32, #tpu.memory_space<vmem>>
        %parallel_loop3A_459 = tpu.memref_squeeze %parallel_loop3A_458 : memref<1x1x128xf32, #tpu.memory_space<vmem>> -> memref<128xf32, #tpu.memory_space<vmem>>
        %parallel_loop3A_460 = tpu.vector_load_idx %parallel_loop3A_459[%parallel_loop3A_136] : memref<128xf32, #tpu.memory_space<vmem>>[vector<16xi32>], vector<16xf32>,
        %parallel_loop3A_461 = arith.index_cast %rem3A_74 : i32 to index
        %parallel_loop3A_462 = arith.index_cast %parallel_loop3A_424 : i32 to index
        %parallel_loop3A_463 = arith.constant 64 : index
        %parallel_loop3A_464 = tpu.vector_load %arg7[%parallel_loop3A_461, %parallel_loop3A_462, %parallel_loop3A_463] {strides = array<i32>} : memref<3x128x128xf32, #tpu.memory_space<vmem>>, vector<16xf32>,
        tpu.vector_store %arg7[%parallel_loop3A_461, %parallel_loop3A_462, %parallel_loop3A_463], %parallel_loop3A_460 {strides = array<i32>} : memref<3x128x128xf32, #tpu.memory_space<vmem>>, vector<16xf32>,
        %parallel_loop3A_465 = arith.constant 0 : i32
        %parallel_loop3A_466 = tpu.memref_slice %arg6[%rem3A_74, %parallel_loop3A_424, %parallel_loop3A_465] : memref<3x128x128xf32, #tpu.memory_space<vmem>> -> memref<1x1x128xf32, #tpu.memory_space<vmem>>
        %parallel_loop3A_467 = tpu.memref_squeeze %parallel_loop3A_466 : memref<1x1x128xf32, #tpu.memory_space<vmem>> -> memref<128xf32, #tpu.memory_space<vmem>>
        %parallel_loop3A_468 = tpu.vector_load_idx %parallel_loop3A_467[%parallel_loop3A_140] : memref<128xf32, #tpu.memory_space<vmem>>[vector<16xi32>], vector<16xf32>,
        %parallel_loop3A_469 = arith.index_cast %rem3A_74 : i32 to index
        %parallel_loop3A_470 = arith.index_cast %parallel_loop3A_424 : i32 to index
        %parallel_loop3A_471 = arith.constant 80 : index
        %parallel_loop3A_472 = tpu.vector_load %arg7[%parallel_loop3A_469, %parallel_loop3A_470, %parallel_loop3A_471] {strides = array<i32>} : memref<3x128x128xf32, #tpu.memory_space<vmem>>, vector<16xf32>,
        tpu.vector_store %arg7[%parallel_loop3A_469, %parallel_loop3A_470, %parallel_loop3A_471], %parallel_loop3A_468 {strides = array<i32>} : memref<3x128x128xf32, #tpu.memory_space<vmem>>, vector<16xf32>,
        %parallel_loop3A_473 = arith.constant 0 : i32
        %parallel_loop3A_474 = tpu.memref_slice %arg6[%rem3A_74, %parallel_loop3A_424, %parallel_loop3A_473] : memref<3x128x128xf32, #tpu.memory_space<vmem>> -> memref<1x1x128xf32, #tpu.memory_space<vmem>>
        %parallel_loop3A_475 = tpu.memref_squeeze %parallel_loop3A_474 : memref<1x1x128xf32, #tpu.memory_space<vmem>> -> memref<128xf32, #tpu.memory_space<vmem>>
        %parallel_loop3A_476 = tpu.vector_load_idx %parallel_loop3A_475[%parallel_loop3A_144] : memref<128xf32, #tpu.memory_space<vmem>>[vector<16xi32>], vector<16xf32>,
        %parallel_loop3A_477 = arith.index_cast %rem3A_74 : i32 to index
        %parallel_loop3A_478 = arith.index_cast %parallel_loop3A_424 : i32 to index
        %parallel_loop3A_479 = arith.constant 96 : index
        %parallel_loop3A_480 = tpu.vector_load %arg7[%parallel_loop3A_477, %parallel_loop3A_478, %parallel_loop3A_479] {strides = array<i32>} : memref<3x128x128xf32, #tpu.memory_space<vmem>>, vector<16xf32>,
        tpu.vector_store %arg7[%parallel_loop3A_477, %parallel_loop3A_478, %parallel_loop3A_479], %parallel_loop3A_476 {strides = array<i32>} : memref<3x128x128xf32, #tpu.memory_space<vmem>>, vector<16xf32>,
        %parallel_loop3A_481 = arith.constant 0 : i32
        %parallel_loop3A_482 = tpu.memref_slice %arg6[%rem3A_74, %parallel_loop3A_424, %parallel_loop3A_481] : memref<3x128x128xf32, #tpu.memory_space<vmem>> -> memref<1x1x128xf32, #tpu.memory_space<vmem>>
        %parallel_loop3A_483 = tpu.memref_squeeze %parallel_loop3A_482 : memref<1x1x128xf32, #tpu.memory_space<vmem>> -> memref<128xf32, #tpu.memory_space<vmem>>
        %parallel_loop3A_484 = tpu.vector_load_idx %parallel_loop3A_483[%parallel_loop3A_148] : memref<128xf32, #tpu.memory_space<vmem>>[vector<16xi32>], vector<16xf32>,
        %parallel_loop3A_485 = arith.index_cast %rem3A_74 : i32 to index
        %parallel_loop3A_486 = arith.index_cast %parallel_loop3A_424 : i32 to index
        %parallel_loop3A_487 = arith.constant 112 : index
        %parallel_loop3A_488 = tpu.vector_load %arg7[%parallel_loop3A_485, %parallel_loop3A_486, %parallel_loop3A_487] {strides = array<i32>} : memref<3x128x128xf32, #tpu.memory_space<vmem>>, vector<16xf32>,
        tpu.vector_store %arg7[%parallel_loop3A_485, %parallel_loop3A_486, %parallel_loop3A_487], %parallel_loop3A_484 {strides = array<i32>} : memref<3x128x128xf32, #tpu.memory_space<vmem>>, vector<16xf32>,
        %parallel_loop3A_489 = arith.constant 8 : i32
        %parallel_loop3A_490 = arith.muli %parallel_loop3A_116, %parallel_loop3A_489 : i32
        %parallel_loop3A_491 = arith.constant 5 : i32
        %parallel_loop3A_492 = arith.addi %parallel_loop3A_490, %parallel_loop3A_491 : i32
        %parallel_loop3A_493 = arith.constant 0 : i32
        %parallel_loop3A_494 = tpu.memref_slice %arg6[%rem3A_74, %parallel_loop3A_492, %parallel_loop3A_493] : memref<3x128x128xf32, #tpu.memory_space<vmem>> -> memref<1x1x128xf32, #tpu.memory_space<vmem>>
        %parallel_loop3A_495 = tpu.memref_squeeze %parallel_loop3A_494 : memref<1x1x128xf32, #tpu.memory_space<vmem>> -> memref<128xf32, #tpu.memory_space<vmem>>
        %parallel_loop3A_496 = tpu.vector_load_idx %parallel_loop3A_495[%parallel_loop3A_120] : memref<128xf32, #tpu.memory_space<vmem>>[vector<16xi32>], vector<16xf32>,
        %parallel_loop3A_497 = arith.index_cast %rem3A_74 : i32 to index
        %parallel_loop3A_498 = arith.index_cast %parallel_loop3A_492 : i32 to index
        %parallel_loop3A_499 = arith.constant 0 : index
        %parallel_loop3A_500 = tpu.vector_load %arg7[%parallel_loop3A_497, %parallel_loop3A_498, %parallel_loop3A_499] {strides = array<i32>} : memref<3x128x128xf32, #tpu.memory_space<vmem>>, vector<16xf32>,
        tpu.vector_store %arg7[%parallel_loop3A_497, %parallel_loop3A_498, %parallel_loop3A_499], %parallel_loop3A_496 {strides = array<i32>} : memref<3x128x128xf32, #tpu.memory_space<vmem>>, vector<16xf32>,
        %parallel_loop3A_501 = arith.constant 0 : i32
        %parallel_loop3A_502 = tpu.memref_slice %arg6[%rem3A_74, %parallel_loop3A_492, %parallel_loop3A_501] : memref<3x128x128xf32, #tpu.memory_space<vmem>> -> memref<1x1x128xf32, #tpu.memory_space<vmem>>
        %parallel_loop3A_503 = tpu.memref_squeeze %parallel_loop3A_502 : memref<1x1x128xf32, #tpu.memory_space<vmem>> -> memref<128xf32, #tpu.memory_space<vmem>>
        %parallel_loop3A_504 = tpu.vector_load_idx %parallel_loop3A_503[%parallel_loop3A_124] : memref<128xf32, #tpu.memory_space<vmem>>[vector<16xi32>], vector<16xf32>,
        %parallel_loop3A_505 = arith.index_cast %rem3A_74 : i32 to index
        %parallel_loop3A_506 = arith.index_cast %parallel_loop3A_492 : i32 to index
        %parallel_loop3A_507 = arith.constant 16 : index
        %parallel_loop3A_508 = tpu.vector_load %arg7[%parallel_loop3A_505, %parallel_loop3A_506, %parallel_loop3A_507] {strides = array<i32>} : memref<3x128x128xf32, #tpu.memory_space<vmem>>, vector<16xf32>,
        tpu.vector_store %arg7[%parallel_loop3A_505, %parallel_loop3A_506, %parallel_loop3A_507], %parallel_loop3A_504 {strides = array<i32>} : memref<3x128x128xf32, #tpu.memory_space<vmem>>, vector<16xf32>,
        %parallel_loop3A_509 = arith.constant 0 : i32
        %parallel_loop3A_510 = tpu.memref_slice %arg6[%rem3A_74, %parallel_loop3A_492, %parallel_loop3A_509] : memref<3x128x128xf32, #tpu.memory_space<vmem>> -> memref<1x1x128xf32, #tpu.memory_space<vmem>>
        %parallel_loop3A_511 = tpu.memref_squeeze %parallel_loop3A_510 : memref<1x1x128xf32, #tpu.memory_space<vmem>> -> memref<128xf32, #tpu.memory_space<vmem>>
        %parallel_loop3A_512 = tpu.vector_load_idx %parallel_loop3A_511[%parallel_loop3A_128] : memref<128xf32, #tpu.memory_space<vmem>>[vector<16xi32>], vector<16xf32>,
        %parallel_loop3A_513 = arith.index_cast %rem3A_74 : i32 to index
        %parallel_loop3A_514 = arith.index_cast %parallel_loop3A_492 : i32 to index
        %parallel_loop3A_515 = arith.constant 32 : index
        %parallel_loop3A_516 = tpu.vector_load %arg7[%parallel_loop3A_513, %parallel_loop3A_514, %parallel_loop3A_515] {strides = array<i32>} : memref<3x128x128xf32, #tpu.memory_space<vmem>>, vector<16xf32>,
        tpu.vector_store %arg7[%parallel_loop3A_513, %parallel_loop3A_514, %parallel_loop3A_515], %parallel_loop3A_512 {strides = array<i32>} : memref<3x128x128xf32, #tpu.memory_space<vmem>>, vector<16xf32>,
        %parallel_loop3A_517 = arith.constant 0 : i32
        %parallel_loop3A_518 = tpu.memref_slice %arg6[%rem3A_74, %parallel_loop3A_492, %parallel_loop3A_517] : memref<3x128x128xf32, #tpu.memory_space<vmem>> -> memref<1x1x128xf32, #tpu.memory_space<vmem>>
        %parallel_loop3A_519 = tpu.memref_squeeze %parallel_loop3A_518 : memref<1x1x128xf32, #tpu.memory_space<vmem>> -> memref<128xf32, #tpu.memory_space<vmem>>
        %parallel_loop3A_520 = tpu.vector_load_idx %parallel_loop3A_519[%parallel_loop3A_132] : memref<128xf32, #tpu.memory_space<vmem>>[vector<16xi32>], vector<16xf32>,
        %parallel_loop3A_521 = arith.index_cast %rem3A_74 : i32 to index
        %parallel_loop3A_522 = arith.index_cast %parallel_loop3A_492 : i32 to index
        %parallel_loop3A_523 = arith.constant 48 : index
        %parallel_loop3A_524 = tpu.vector_load %arg7[%parallel_loop3A_521, %parallel_loop3A_522, %parallel_loop3A_523] {strides = array<i32>} : memref<3x128x128xf32, #tpu.memory_space<vmem>>, vector<16xf32>,
        tpu.vector_store %arg7[%parallel_loop3A_521, %parallel_loop3A_522, %parallel_loop3A_523], %parallel_loop3A_520 {strides = array<i32>} : memref<3x128x128xf32, #tpu.memory_space<vmem>>, vector<16xf32>,
        %parallel_loop3A_525 = arith.constant 0 : i32
        %parallel_loop3A_526 = tpu.memref_slice %arg6[%rem3A_74, %parallel_loop3A_492, %parallel_loop3A_525] : memref<3x128x128xf32, #tpu.memory_space<vmem>> -> memref<1x1x128xf32, #tpu.memory_space<vmem>>
        %parallel_loop3A_527 = tpu.memref_squeeze %parallel_loop3A_526 : memref<1x1x128xf32, #tpu.memory_space<vmem>> -> memref<128xf32, #tpu.memory_space<vmem>>
        %parallel_loop3A_528 = tpu.vector_load_idx %parallel_loop3A_527[%parallel_loop3A_136] : memref<128xf32, #tpu.memory_space<vmem>>[vector<16xi32>], vector<16xf32>,
        %parallel_loop3A_529 = arith.index_cast %rem3A_74 : i32 to index
        %parallel_loop3A_530 = arith.index_cast %parallel_loop3A_492 : i32 to index
        %parallel_loop3A_531 = arith.constant 64 : index
        %parallel_loop3A_532 = tpu.vector_load %arg7[%parallel_loop3A_529, %parallel_loop3A_530, %parallel_loop3A_531] {strides = array<i32>} : memref<3x128x128xf32, #tpu.memory_space<vmem>>, vector<16xf32>,
        tpu.vector_store %arg7[%parallel_loop3A_529, %parallel_loop3A_530, %parallel_loop3A_531], %parallel_loop3A_528 {strides = array<i32>} : memref<3x128x128xf32, #tpu.memory_space<vmem>>, vector<16xf32>,
        %parallel_loop3A_533 = arith.constant 0 : i32
        %parallel_loop3A_534 = tpu.memref_slice %arg6[%rem3A_74, %parallel_loop3A_492, %parallel_loop3A_533] : memref<3x128x128xf32, #tpu.memory_space<vmem>> -> memref<1x1x128xf32, #tpu.memory_space<vmem>>
        %parallel_loop3A_535 = tpu.memref_squeeze %parallel_loop3A_534 : memref<1x1x128xf32, #tpu.memory_space<vmem>> -> memref<128xf32, #tpu.memory_space<vmem>>
        %parallel_loop3A_536 = tpu.vector_load_idx %parallel_loop3A_535[%parallel_loop3A_140] : memref<128xf32, #tpu.memory_space<vmem>>[vector<16xi32>], vector<16xf32>,
        %parallel_loop3A_537 = arith.index_cast %rem3A_74 : i32 to index
        %parallel_loop3A_538 = arith.index_cast %parallel_loop3A_492 : i32 to index
        %parallel_loop3A_539 = arith.constant 80 : index
        %parallel_loop3A_540 = tpu.vector_load %arg7[%parallel_loop3A_537, %parallel_loop3A_538, %parallel_loop3A_539] {strides = array<i32>} : memref<3x128x128xf32, #tpu.memory_space<vmem>>, vector<16xf32>,
        tpu.vector_store %arg7[%parallel_loop3A_537, %parallel_loop3A_538, %parallel_loop3A_539], %parallel_loop3A_536 {strides = array<i32>} : memref<3x128x128xf32, #tpu.memory_space<vmem>>, vector<16xf32>,
        %parallel_loop3A_541 = arith.constant 0 : i32
        %parallel_loop3A_542 = tpu.memref_slice %arg6[%rem3A_74, %parallel_loop3A_492, %parallel_loop3A_541] : memref<3x128x128xf32, #tpu.memory_space<vmem>> -> memref<1x1x128xf32, #tpu.memory_space<vmem>>
        %parallel_loop3A_543 = tpu.memref_squeeze %parallel_loop3A_542 : memref<1x1x128xf32, #tpu.memory_space<vmem>> -> memref<128xf32, #tpu.memory_space<vmem>>
        %parallel_loop3A_544 = tpu.vector_load_idx %parallel_loop3A_543[%parallel_loop3A_144] : memref<128xf32, #tpu.memory_space<vmem>>[vector<16xi32>], vector<16xf32>,
        %parallel_loop3A_545 = arith.index_cast %rem3A_74 : i32 to index
        %parallel_loop3A_546 = arith.index_cast %parallel_loop3A_492 : i32 to index
        %parallel_loop3A_547 = arith.constant 96 : index
        %parallel_loop3A_548 = tpu.vector_load %arg7[%parallel_loop3A_545, %parallel_loop3A_546, %parallel_loop3A_547] {strides = array<i32>} : memref<3x128x128xf32, #tpu.memory_space<vmem>>, vector<16xf32>,
        tpu.vector_store %arg7[%parallel_loop3A_545, %parallel_loop3A_546, %parallel_loop3A_547], %parallel_loop3A_544 {strides = array<i32>} : memref<3x128x128xf32, #tpu.memory_space<vmem>>, vector<16xf32>,
        %parallel_loop3A_549 = arith.constant 0 : i32
        %parallel_loop3A_550 = tpu.memref_slice %arg6[%rem3A_74, %parallel_loop3A_492, %parallel_loop3A_549] : memref<3x128x128xf32, #tpu.memory_space<vmem>> -> memref<1x1x128xf32, #tpu.memory_space<vmem>>
        %parallel_loop3A_551 = tpu.memref_squeeze %parallel_loop3A_550 : memref<1x1x128xf32, #tpu.memory_space<vmem>> -> memref<128xf32, #tpu.memory_space<vmem>>
        %parallel_loop3A_552 = tpu.vector_load_idx %parallel_loop3A_551[%parallel_loop3A_148] : memref<128xf32, #tpu.memory_space<vmem>>[vector<16xi32>], vector<16xf32>,
        %parallel_loop3A_553 = arith.index_cast %rem3A_74 : i32 to index
        %parallel_loop3A_554 = arith.index_cast %parallel_loop3A_492 : i32 to index
        %parallel_loop3A_555 = arith.constant 112 : index
        %parallel_loop3A_556 = tpu.vector_load %arg7[%parallel_loop3A_553, %parallel_loop3A_554, %parallel_loop3A_555] {strides = array<i32>} : memref<3x128x128xf32, #tpu.memory_space<vmem>>, vector<16xf32>,
        tpu.vector_store %arg7[%parallel_loop3A_553, %parallel_loop3A_554, %parallel_loop3A_555], %parallel_loop3A_552 {strides = array<i32>} : memref<3x128x128xf32, #tpu.memory_space<vmem>>, vector<16xf32>,
        %parallel_loop3A_557 = arith.constant 8 : i32
        %parallel_loop3A_558 = arith.muli %parallel_loop3A_116, %parallel_loop3A_557 : i32
        %parallel_loop3A_559 = arith.constant 6 : i32
        %parallel_loop3A_560 = arith.addi %parallel_loop3A_558, %parallel_loop3A_559 : i32
        %parallel_loop3A_561 = arith.constant 0 : i32
        %parallel_loop3A_562 = tpu.memref_slice %arg6[%rem3A_74, %parallel_loop3A_560, %parallel_loop3A_561] : memref<3x128x128xf32, #tpu.memory_space<vmem>> -> memref<1x1x128xf32, #tpu.memory_space<vmem>>
        %parallel_loop3A_563 = tpu.memref_squeeze %parallel_loop3A_562 : memref<1x1x128xf32, #tpu.memory_space<vmem>> -> memref<128xf32, #tpu.memory_space<vmem>>
        %parallel_loop3A_564 = tpu.vector_load_idx %parallel_loop3A_563[%parallel_loop3A_120] : memref<128xf32, #tpu.memory_space<vmem>>[vector<16xi32>], vector<16xf32>,
        %parallel_loop3A_565 = arith.index_cast %rem3A_74 : i32 to index
        %parallel_loop3A_566 = arith.index_cast %parallel_loop3A_560 : i32 to index
        %parallel_loop3A_567 = arith.constant 0 : index
        %parallel_loop3A_568 = tpu.vector_load %arg7[%parallel_loop3A_565, %parallel_loop3A_566, %parallel_loop3A_567] {strides = array<i32>} : memref<3x128x128xf32, #tpu.memory_space<vmem>>, vector<16xf32>,
        tpu.vector_store %arg7[%parallel_loop3A_565, %parallel_loop3A_566, %parallel_loop3A_567], %parallel_loop3A_564 {strides = array<i32>} : memref<3x128x128xf32, #tpu.memory_space<vmem>>, vector<16xf32>,
        %parallel_loop3A_569 = arith.constant 0 : i32
        %parallel_loop3A_570 = tpu.memref_slice %arg6[%rem3A_74, %parallel_loop3A_560, %parallel_loop3A_569] : memref<3x128x128xf32, #tpu.memory_space<vmem>> -> memref<1x1x128xf32, #tpu.memory_space<vmem>>
        %parallel_loop3A_571 = tpu.memref_squeeze %parallel_loop3A_570 : memref<1x1x128xf32, #tpu.memory_space<vmem>> -> memref<128xf32, #tpu.memory_space<vmem>>
        %parallel_loop3A_572 = tpu.vector_load_idx %parallel_loop3A_571[%parallel_loop3A_124] : memref<128xf32, #tpu.memory_space<vmem>>[vector<16xi32>], vector<16xf32>,
        %parallel_loop3A_573 = arith.index_cast %rem3A_74 : i32 to index
        %parallel_loop3A_574 = arith.index_cast %parallel_loop3A_560 : i32 to index
        %parallel_loop3A_575 = arith.constant 16 : index
        %parallel_loop3A_576 = tpu.vector_load %arg7[%parallel_loop3A_573, %parallel_loop3A_574, %parallel_loop3A_575] {strides = array<i32>} : memref<3x128x128xf32, #tpu.memory_space<vmem>>, vector<16xf32>,
        tpu.vector_store %arg7[%parallel_loop3A_573, %parallel_loop3A_574, %parallel_loop3A_575], %parallel_loop3A_572 {strides = array<i32>} : memref<3x128x128xf32, #tpu.memory_space<vmem>>, vector<16xf32>,
        %parallel_loop3A_577 = arith.constant 0 : i32
        %parallel_loop3A_578 = tpu.memref_slice %arg6[%rem3A_74, %parallel_loop3A_560, %parallel_loop3A_577] : memref<3x128x128xf32, #tpu.memory_space<vmem>> -> memref<1x1x128xf32, #tpu.memory_space<vmem>>
        %parallel_loop3A_579 = tpu.memref_squeeze %parallel_loop3A_578 : memref<1x1x128xf32, #tpu.memory_space<vmem>> -> memref<128xf32, #tpu.memory_space<vmem>>
        %parallel_loop3A_580 = tpu.vector_load_idx %parallel_loop3A_579[%parallel_loop3A_128] : memref<128xf32, #tpu.memory_space<vmem>>[vector<16xi32>], vector<16xf32>,
        %parallel_loop3A_581 = arith.index_cast %rem3A_74 : i32 to index
        %parallel_loop3A_582 = arith.index_cast %parallel_loop3A_560 : i32 to index
        %parallel_loop3A_583 = arith.constant 32 : index
        %parallel_loop3A_584 = tpu.vector_load %arg7[%parallel_loop3A_581, %parallel_loop3A_582, %parallel_loop3A_583] {strides = array<i32>} : memref<3x128x128xf32, #tpu.memory_space<vmem>>, vector<16xf32>,
        tpu.vector_store %arg7[%parallel_loop3A_581, %parallel_loop3A_582, %parallel_loop3A_583], %parallel_loop3A_580 {strides = array<i32>} : memref<3x128x128xf32, #tpu.memory_space<vmem>>, vector<16xf32>,
        %parallel_loop3A_585 = arith.constant 0 : i32
        %parallel_loop3A_586 = tpu.memref_slice %arg6[%rem3A_74, %parallel_loop3A_560, %parallel_loop3A_585] : memref<3x128x128xf32, #tpu.memory_space<vmem>> -> memref<1x1x128xf32, #tpu.memory_space<vmem>>
        %parallel_loop3A_587 = tpu.memref_squeeze %parallel_loop3A_586 : memref<1x1x128xf32, #tpu.memory_space<vmem>> -> memref<128xf32, #tpu.memory_space<vmem>>
        %parallel_loop3A_588 = tpu.vector_load_idx %parallel_loop3A_587[%parallel_loop3A_132] : memref<128xf32, #tpu.memory_space<vmem>>[vector<16xi32>], vector<16xf32>,
        %parallel_loop3A_589 = arith.index_cast %rem3A_74 : i32 to index
        %parallel_loop3A_590 = arith.index_cast %parallel_loop3A_560 : i32 to index
        %parallel_loop3A_591 = arith.constant 48 : index
        %parallel_loop3A_592 = tpu.vector_load %arg7[%parallel_loop3A_589, %parallel_loop3A_590, %parallel_loop3A_591] {strides = array<i32>} : memref<3x128x128xf32, #tpu.memory_space<vmem>>, vector<16xf32>,
        tpu.vector_store %arg7[%parallel_loop3A_589, %parallel_loop3A_590, %parallel_loop3A_591], %parallel_loop3A_588 {strides = array<i32>} : memref<3x128x128xf32, #tpu.memory_space<vmem>>, vector<16xf32>,
        %parallel_loop3A_593 = arith.constant 0 : i32
        %parallel_loop3A_594 = tpu.memref_slice %arg6[%rem3A_74, %parallel_loop3A_560, %parallel_loop3A_593] : memref<3x128x128xf32, #tpu.memory_space<vmem>> -> memref<1x1x128xf32, #tpu.memory_space<vmem>>
        %parallel_loop3A_595 = tpu.memref_squeeze %parallel_loop3A_594 : memref<1x1x128xf32, #tpu.memory_space<vmem>> -> memref<128xf32, #tpu.memory_space<vmem>>
        %parallel_loop3A_596 = tpu.vector_load_idx %parallel_loop3A_595[%parallel_loop3A_136] : memref<128xf32, #tpu.memory_space<vmem>>[vector<16xi32>], vector<16xf32>,
        %parallel_loop3A_597 = arith.index_cast %rem3A_74 : i32 to index
        %parallel_loop3A_598 = arith.index_cast %parallel_loop3A_560 : i32 to index
        %parallel_loop3A_599 = arith.constant 64 : index
        %parallel_loop3A_600 = tpu.vector_load %arg7[%parallel_loop3A_597, %parallel_loop3A_598, %parallel_loop3A_599] {strides = array<i32>} : memref<3x128x128xf32, #tpu.memory_space<vmem>>, vector<16xf32>,
        tpu.vector_store %arg7[%parallel_loop3A_597, %parallel_loop3A_598, %parallel_loop3A_599], %parallel_loop3A_596 {strides = array<i32>} : memref<3x128x128xf32, #tpu.memory_space<vmem>>, vector<16xf32>,
        %parallel_loop3A_601 = arith.constant 0 : i32
        %parallel_loop3A_602 = tpu.memref_slice %arg6[%rem3A_74, %parallel_loop3A_560, %parallel_loop3A_601] : memref<3x128x128xf32, #tpu.memory_space<vmem>> -> memref<1x1x128xf32, #tpu.memory_space<vmem>>
        %parallel_loop3A_603 = tpu.memref_squeeze %parallel_loop3A_602 : memref<1x1x128xf32, #tpu.memory_space<vmem>> -> memref<128xf32, #tpu.memory_space<vmem>>
        %parallel_loop3A_604 = tpu.vector_load_idx %parallel_loop3A_603[%parallel_loop3A_140] : memref<128xf32, #tpu.memory_space<vmem>>[vector<16xi32>], vector<16xf32>,
        %parallel_loop3A_605 = arith.index_cast %rem3A_74 : i32 to index
        %parallel_loop3A_606 = arith.index_cast %parallel_loop3A_560 : i32 to index
        %parallel_loop3A_607 = arith.constant 80 : index
        %parallel_loop3A_608 = tpu.vector_load %arg7[%parallel_loop3A_605, %parallel_loop3A_606, %parallel_loop3A_607] {strides = array<i32>} : memref<3x128x128xf32, #tpu.memory_space<vmem>>, vector<16xf32>,
        tpu.vector_store %arg7[%parallel_loop3A_605, %parallel_loop3A_606, %parallel_loop3A_607], %parallel_loop3A_604 {strides = array<i32>} : memref<3x128x128xf32, #tpu.memory_space<vmem>>, vector<16xf32>,
        %parallel_loop3A_609 = arith.constant 0 : i32
        %parallel_loop3A_610 = tpu.memref_slice %arg6[%rem3A_74, %parallel_loop3A_560, %parallel_loop3A_609] : memref<3x128x128xf32, #tpu.memory_space<vmem>> -> memref<1x1x128xf32, #tpu.memory_space<vmem>>
        %parallel_loop3A_611 = tpu.memref_squeeze %parallel_loop3A_610 : memref<1x1x128xf32, #tpu.memory_space<vmem>> -> memref<128xf32, #tpu.memory_space<vmem>>
        %parallel_loop3A_612 = tpu.vector_load_idx %parallel_loop3A_611[%parallel_loop3A_144] : memref<128xf32, #tpu.memory_space<vmem>>[vector<16xi32>], vector<16xf32>,
        %parallel_loop3A_613 = arith.index_cast %rem3A_74 : i32 to index
        %parallel_loop3A_614 = arith.index_cast %parallel_loop3A_560 : i32 to index
        %parallel_loop3A_615 = arith.constant 96 : index
        %parallel_loop3A_616 = tpu.vector_load %arg7[%parallel_loop3A_613, %parallel_loop3A_614, %parallel_loop3A_615] {strides = array<i32>} : memref<3x128x128xf32, #tpu.memory_space<vmem>>, vector<16xf32>,
        tpu.vector_store %arg7[%parallel_loop3A_613, %parallel_loop3A_614, %parallel_loop3A_615], %parallel_loop3A_612 {strides = array<i32>} : memref<3x128x128xf32, #tpu.memory_space<vmem>>, vector<16xf32>,
        %parallel_loop3A_617 = arith.constant 0 : i32
        %parallel_loop3A_618 = tpu.memref_slice %arg6[%rem3A_74, %parallel_loop3A_560, %parallel_loop3A_617] : memref<3x128x128xf32, #tpu.memory_space<vmem>> -> memref<1x1x128xf32, #tpu.memory_space<vmem>>
        %parallel_loop3A_619 = tpu.memref_squeeze %parallel_loop3A_618 : memref<1x1x128xf32, #tpu.memory_space<vmem>> -> memref<128xf32, #tpu.memory_space<vmem>>
        %parallel_loop3A_620 = tpu.vector_load_idx %parallel_loop3A_619[%parallel_loop3A_148] : memref<128xf32, #tpu.memory_space<vmem>>[vector<16xi32>], vector<16xf32>,
        %parallel_loop3A_621 = arith.index_cast %rem3A_74 : i32 to index
        %parallel_loop3A_622 = arith.index_cast %parallel_loop3A_560 : i32 to index
        %parallel_loop3A_623 = arith.constant 112 : index
        %parallel_loop3A_624 = tpu.vector_load %arg7[%parallel_loop3A_621, %parallel_loop3A_622, %parallel_loop3A_623] {strides = array<i32>} : memref<3x128x128xf32, #tpu.memory_space<vmem>>, vector<16xf32>,
        tpu.vector_store %arg7[%parallel_loop3A_621, %parallel_loop3A_622, %parallel_loop3A_623], %parallel_loop3A_620 {strides = array<i32>} : memref<3x128x128xf32, #tpu.memory_space<vmem>>, vector<16xf32>,
        %parallel_loop3A_625 = arith.constant 8 : i32
        %parallel_loop3A_626 = arith.muli %parallel_loop3A_116, %parallel_loop3A_625 : i32
        %parallel_loop3A_627 = arith.constant 7 : i32
        %parallel_loop3A_628 = arith.addi %parallel_loop3A_626, %parallel_loop3A_627 : i32
        %parallel_loop3A_629 = arith.constant 0 : i32
        %parallel_loop3A_630 = tpu.memref_slice %arg6[%rem3A_74, %parallel_loop3A_628, %parallel_loop3A_629] : memref<3x128x128xf32, #tpu.memory_space<vmem>> -> memref<1x1x128xf32, #tpu.memory_space<vmem>>
        %parallel_loop3A_631 = tpu.memref_squeeze %parallel_loop3A_630 : memref<1x1x128xf32, #tpu.memory_space<vmem>> -> memref<128xf32, #tpu.memory_space<vmem>>
        %parallel_loop3A_632 = tpu.vector_load_idx %parallel_loop3A_631[%parallel_loop3A_120] : memref<128xf32, #tpu.memory_space<vmem>>[vector<16xi32>], vector<16xf32>,
        %parallel_loop3A_633 = arith.index_cast %rem3A_74 : i32 to index
        %parallel_loop3A_634 = arith.index_cast %parallel_loop3A_628 : i32 to index
        %parallel_loop3A_635 = arith.constant 0 : index
        %parallel_loop3A_636 = tpu.vector_load %arg7[%parallel_loop3A_633, %parallel_loop3A_634, %parallel_loop3A_635] {strides = array<i32>} : memref<3x128x128xf32, #tpu.memory_space<vmem>>, vector<16xf32>,
        tpu.vector_store %arg7[%parallel_loop3A_633, %parallel_loop3A_634, %parallel_loop3A_635], %parallel_loop3A_632 {strides = array<i32>} : memref<3x128x128xf32, #tpu.memory_space<vmem>>, vector<16xf32>,
        %parallel_loop3A_637 = arith.constant 0 : i32
        %parallel_loop3A_638 = tpu.memref_slice %arg6[%rem3A_74, %parallel_loop3A_628, %parallel_loop3A_637] : memref<3x128x128xf32, #tpu.memory_space<vmem>> -> memref<1x1x128xf32, #tpu.memory_space<vmem>>
        %parallel_loop3A_639 = tpu.memref_squeeze %parallel_loop3A_638 : memref<1x1x128xf32, #tpu.memory_space<vmem>> -> memref<128xf32, #tpu.memory_space<vmem>>
        %parallel_loop3A_640 = tpu.vector_load_idx %parallel_loop3A_639[%parallel_loop3A_124] : memref<128xf32, #tpu.memory_space<vmem>>[vector<16xi32>], vector<16xf32>,
        %parallel_loop3A_641 = arith.index_cast %rem3A_74 : i32 to index
        %parallel_loop3A_642 = arith.index_cast %parallel_loop3A_628 : i32 to index
        %parallel_loop3A_643 = arith.constant 16 : index
        %parallel_loop3A_644 = tpu.vector_load %arg7[%parallel_loop3A_641, %parallel_loop3A_642, %parallel_loop3A_643] {strides = array<i32>} : memref<3x128x128xf32, #tpu.memory_space<vmem>>, vector<16xf32>,
        tpu.vector_store %arg7[%parallel_loop3A_641, %parallel_loop3A_642, %parallel_loop3A_643], %parallel_loop3A_640 {strides = array<i32>} : memref<3x128x128xf32, #tpu.memory_space<vmem>>, vector<16xf32>,
        %parallel_loop3A_645 = arith.constant 0 : i32
        %parallel_loop3A_646 = tpu.memref_slice %arg6[%rem3A_74, %parallel_loop3A_628, %parallel_loop3A_645] : memref<3x128x128xf32, #tpu.memory_space<vmem>> -> memref<1x1x128xf32, #tpu.memory_space<vmem>>
        %parallel_loop3A_647 = tpu.memref_squeeze %parallel_loop3A_646 : memref<1x1x128xf32, #tpu.memory_space<vmem>> -> memref<128xf32, #tpu.memory_space<vmem>>
        %parallel_loop3A_648 = tpu.vector_load_idx %parallel_loop3A_647[%parallel_loop3A_128] : memref<128xf32, #tpu.memory_space<vmem>>[vector<16xi32>], vector<16xf32>,
        %parallel_loop3A_649 = arith.index_cast %rem3A_74 : i32 to index
        %parallel_loop3A_650 = arith.index_cast %parallel_loop3A_628 : i32 to index
        %parallel_loop3A_651 = arith.constant 32 : index
        %parallel_loop3A_652 = tpu.vector_load %arg7[%parallel_loop3A_649, %parallel_loop3A_650, %parallel_loop3A_651] {strides = array<i32>} : memref<3x128x128xf32, #tpu.memory_space<vmem>>, vector<16xf32>,
        tpu.vector_store %arg7[%parallel_loop3A_649, %parallel_loop3A_650, %parallel_loop3A_651], %parallel_loop3A_648 {strides = array<i32>} : memref<3x128x128xf32, #tpu.memory_space<vmem>>, vector<16xf32>,
        %parallel_loop3A_653 = arith.constant 0 : i32
        %parallel_loop3A_654 = tpu.memref_slice %arg6[%rem3A_74, %parallel_loop3A_628, %parallel_loop3A_653] : memref<3x128x128xf32, #tpu.memory_space<vmem>> -> memref<1x1x128xf32, #tpu.memory_space<vmem>>
        %parallel_loop3A_655 = tpu.memref_squeeze %parallel_loop3A_654 : memref<1x1x128xf32, #tpu.memory_space<vmem>> -> memref<128xf32, #tpu.memory_space<vmem>>
        %parallel_loop3A_656 = tpu.vector_load_idx %parallel_loop3A_655[%parallel_loop3A_132] : memref<128xf32, #tpu.memory_space<vmem>>[vector<16xi32>], vector<16xf32>,
        %parallel_loop3A_657 = arith.index_cast %rem3A_74 : i32 to index
        %parallel_loop3A_658 = arith.index_cast %parallel_loop3A_628 : i32 to index
        %parallel_loop3A_659 = arith.constant 48 : index
        %parallel_loop3A_660 = tpu.vector_load %arg7[%parallel_loop3A_657, %parallel_loop3A_658, %parallel_loop3A_659] {strides = array<i32>} : memref<3x128x128xf32, #tpu.memory_space<vmem>>, vector<16xf32>,
        tpu.vector_store %arg7[%parallel_loop3A_657, %parallel_loop3A_658, %parallel_loop3A_659], %parallel_loop3A_656 {strides = array<i32>} : memref<3x128x128xf32, #tpu.memory_space<vmem>>, vector<16xf32>,
        %parallel_loop3A_661 = arith.constant 0 : i32
        %parallel_loop3A_662 = tpu.memref_slice %arg6[%rem3A_74, %parallel_loop3A_628, %parallel_loop3A_661] : memref<3x128x128xf32, #tpu.memory_space<vmem>> -> memref<1x1x128xf32, #tpu.memory_space<vmem>>
        %parallel_loop3A_663 = tpu.memref_squeeze %parallel_loop3A_662 : memref<1x1x128xf32, #tpu.memory_space<vmem>> -> memref<128xf32, #tpu.memory_space<vmem>>
        %parallel_loop3A_664 = tpu.vector_load_idx %parallel_loop3A_663[%parallel_loop3A_136] : memref<128xf32, #tpu.memory_space<vmem>>[vector<16xi32>], vector<16xf32>,
        %parallel_loop3A_665 = arith.index_cast %rem3A_74 : i32 to index
        %parallel_loop3A_666 = arith.index_cast %parallel_loop3A_628 : i32 to index
        %parallel_loop3A_667 = arith.constant 64 : index
        %parallel_loop3A_668 = tpu.vector_load %arg7[%parallel_loop3A_665, %parallel_loop3A_666, %parallel_loop3A_667] {strides = array<i32>} : memref<3x128x128xf32, #tpu.memory_space<vmem>>, vector<16xf32>,
        tpu.vector_store %arg7[%parallel_loop3A_665, %parallel_loop3A_666, %parallel_loop3A_667], %parallel_loop3A_664 {strides = array<i32>} : memref<3x128x128xf32, #tpu.memory_space<vmem>>, vector<16xf32>,
        %parallel_loop3A_669 = arith.constant 0 : i32
        %parallel_loop3A_670 = tpu.memref_slice %arg6[%rem3A_74, %parallel_loop3A_628, %parallel_loop3A_669] : memref<3x128x128xf32, #tpu.memory_space<vmem>> -> memref<1x1x128xf32, #tpu.memory_space<vmem>>
        %parallel_loop3A_671 = tpu.memref_squeeze %parallel_loop3A_670 : memref<1x1x128xf32, #tpu.memory_space<vmem>> -> memref<128xf32, #tpu.memory_space<vmem>>
        %parallel_loop3A_672 = tpu.vector_load_idx %parallel_loop3A_671[%parallel_loop3A_140] : memref<128xf32, #tpu.memory_space<vmem>>[vector<16xi32>], vector<16xf32>,
        %parallel_loop3A_673 = arith.index_cast %rem3A_74 : i32 to index
        %parallel_loop3A_674 = arith.index_cast %parallel_loop3A_628 : i32 to index
        %parallel_loop3A_675 = arith.constant 80 : index
        %parallel_loop3A_676 = tpu.vector_load %arg7[%parallel_loop3A_673, %parallel_loop3A_674, %parallel_loop3A_675] {strides = array<i32>} : memref<3x128x128xf32, #tpu.memory_space<vmem>>, vector<16xf32>,
        tpu.vector_store %arg7[%parallel_loop3A_673, %parallel_loop3A_674, %parallel_loop3A_675], %parallel_loop3A_672 {strides = array<i32>} : memref<3x128x128xf32, #tpu.memory_space<vmem>>, vector<16xf32>,
        %parallel_loop3A_677 = arith.constant 0 : i32
        %parallel_loop3A_678 = tpu.memref_slice %arg6[%rem3A_74, %parallel_loop3A_628, %parallel_loop3A_677] : memref<3x128x128xf32, #tpu.memory_space<vmem>> -> memref<1x1x128xf32, #tpu.memory_space<vmem>>
        %parallel_loop3A_679 = tpu.memref_squeeze %parallel_loop3A_678 : memref<1x1x128xf32, #tpu.memory_space<vmem>> -> memref<128xf32, #tpu.memory_space<vmem>>
        %parallel_loop3A_680 = tpu.vector_load_idx %parallel_loop3A_679[%parallel_loop3A_144] : memref<128xf32, #tpu.memory_space<vmem>>[vector<16xi32>], vector<16xf32>,
        %parallel_loop3A_681 = arith.index_cast %rem3A_74 : i32 to index
        %parallel_loop3A_682 = arith.index_cast %parallel_loop3A_628 : i32 to index
        %parallel_loop3A_683 = arith.constant 96 : index
        %parallel_loop3A_684 = tpu.vector_load %arg7[%parallel_loop3A_681, %parallel_loop3A_682, %parallel_loop3A_683] {strides = array<i32>} : memref<3x128x128xf32, #tpu.memory_space<vmem>>, vector<16xf32>,
        tpu.vector_store %arg7[%parallel_loop3A_681, %parallel_loop3A_682, %parallel_loop3A_683], %parallel_loop3A_680 {strides = array<i32>} : memref<3x128x128xf32, #tpu.memory_space<vmem>>, vector<16xf32>,
        %parallel_loop3A_685 = arith.constant 0 : i32
        %parallel_loop3A_686 = tpu.memref_slice %arg6[%rem3A_74, %parallel_loop3A_628, %parallel_loop3A_685] : memref<3x128x128xf32, #tpu.memory_space<vmem>> -> memref<1x1x128xf32, #tpu.memory_space<vmem>>
        %parallel_loop3A_687 = tpu.memref_squeeze %parallel_loop3A_686 : memref<1x1x128xf32, #tpu.memory_space<vmem>> -> memref<128xf32, #tpu.memory_space<vmem>>
        %parallel_loop3A_688 = tpu.vector_load_idx %parallel_loop3A_687[%parallel_loop3A_148] : memref<128xf32, #tpu.memory_space<vmem>>[vector<16xi32>], vector<16xf32>,
        %parallel_loop3A_689 = arith.index_cast %rem3A_74 : i32 to index
        %parallel_loop3A_690 = arith.index_cast %parallel_loop3A_628 : i32 to index
        %parallel_loop3A_691 = arith.constant 112 : index
        %parallel_loop3A_692 = tpu.vector_load %arg7[%parallel_loop3A_689, %parallel_loop3A_690, %parallel_loop3A_691] {strides = array<i32>} : memref<3x128x128xf32, #tpu.memory_space<vmem>>, vector<16xf32>,
        tpu.vector_store %arg7[%parallel_loop3A_689, %parallel_loop3A_690, %parallel_loop3A_691], %parallel_loop3A_688 {strides = array<i32>} : memref<3x128x128xf32, #tpu.memory_space<vmem>>, vector<16xf32>,
      } {sc.loop_unroll_factor = 2 : i64, sc.parallel_access}
      %dma_start3A_104 = arith.constant 0 : i32
      %dma_start3A_105 = arith.constant 0 : i32
      %dma_start3A_106 = tpu.memref_slice %arg7[%rem3A_74, %dma_start3A_104, %dma_start3A_105] : memref<3x128x128xf32, #tpu.memory_space<vmem>> -> memref<1x128x128xf32, #tpu.memory_space<vmem>>
      %dma_start3A_107 = tpu.memref_squeeze %dma_start3A_106 : memref<1x128x128xf32, #tpu.memory_space<vmem>> -> memref<128x128xf32, #tpu.memory_space<vmem>>
      %dma_start3A_108 = arith.constant 0 : i32
      %dma_start3A_109 = tpu.memref_slice %arg4[%add3A_77, %dma_start3A_108] : memref<524288x128xf32, #tpu.memory_space<hbm>> -> memref<128x128xf32, #tpu.memory_space<hbm>>
      %dma_start3A_110 = arith.constant 0 : i32
      %dma_start3A_111 = tpu.memref_slice %arg4[%add3A_77, %dma_start3A_110] : memref<524288x128xf32, #tpu.memory_space<hbm>> -> memref<128x128xf32, #tpu.memory_space<hbm>>
      %dma_start3A_112 = arith.constant 0 : i32
      %dma_start3A_113 = arith.constant 0 : i32
      %dma_start3A_114 = tpu.memref_slice %arg7[%rem3A_74, %dma_start3A_112, %dma_start3A_113] : memref<3x128x128xf32, #tpu.memory_space<vmem>> -> memref<1x128x128xf32, #tpu.memory_space<vmem>>
      %dma_start3A_115 = tpu.memref_squeeze %dma_start3A_114 : memref<1x128x128xf32, #tpu.memory_space<vmem>> -> memref<128x128xf32, #tpu.memory_space<vmem>>
      tpu.enqueue_dma source(%dma_start3A_115 : memref<128x128xf32, #tpu.memory_space<vmem>>) target(%dma_start3A_111 : memref<128x128xf32, #tpu.memory_space<hbm>>) target_semaphore(%arg9 : memref<!tpu.dma_semaphore, #tpu.memory_space<semaphore_mem>>)
    }
    %scan3A_34 = arith.constant 128 : i32
    %dma_wait3A = arith.constant 0 : i32
    %dma_wait3A_35 = arith.constant 0 : i32
    %dma_wait3A_36 = arith.constant 0 : i32
    %dma_wait3A_37 = tpu.memref_slice %arg7[%dma_wait3A, %dma_wait3A_35, %dma_wait3A_36] : memref<3x128x128xf32, #tpu.memory_space<vmem>> -> memref<1x128x128xf32, #tpu.memory_space<vmem>>
    %dma_wait3A_38 = tpu.memref_squeeze %dma_wait3A_37 : memref<1x128x128xf32, #tpu.memory_space<vmem>> -> memref<128x128xf32, #tpu.memory_space<vmem>>
    %dma_wait3A_39 = arith.constant 0 : i32
    %dma_wait3A_40 = tpu.memref_slice %arg2[%mul3A_2, %dma_wait3A_39] : memref<524288x128xf32, #tpu.memory_space<hbm>> -> memref<128x128xf32, #tpu.memory_space<hbm>>
    %dma_wait3A_41 = arith.constant 0 : i32
    %dma_wait3A_42 = arith.constant 0 : i32
    %dma_wait3A_43 = tpu.memref_slice %arg7[%dma_wait3A, %dma_wait3A_41, %dma_wait3A_42] : memref<3x128x128xf32, #tpu.memory_space<vmem>> -> memref<1x128x128xf32, #tpu.memory_space<vmem>>
    %dma_wait3A_44 = tpu.memref_squeeze %dma_wait3A_43 : memref<1x128x128xf32, #tpu.memory_space<vmem>> -> memref<128x128xf32, #tpu.memory_space<vmem>>
    %dma_wait3A_45 = arith.constant 0 : i32
    %dma_wait3A_46 = tpu.memref_slice %arg2[%mul3A_2, %dma_wait3A_45] : memref<524288x128xf32, #tpu.memory_space<hbm>> -> memref<128x128xf32, #tpu.memory_space<hbm>>
    tpu.wait_dma2 semaphore(%arg9 : memref<!tpu.dma_semaphore, #tpu.memory_space<semaphore_mem>>) src(%dma_wait3A_46 : memref<128x128xf32, #tpu.memory_space<hbm>>) dst(%dma_wait3A_44 : memref<128x128xf32, #tpu.memory_space<vmem>>)
    %dma_wait3A_47 = arith.constant 1 : i32
    %dma_wait3A_48 = arith.constant 0 : i32
    %dma_wait3A_49 = arith.constant 0 : i32
    %dma_wait3A_50 = tpu.memref_slice %arg7[%dma_wait3A_47, %dma_wait3A_48, %dma_wait3A_49] : memref<3x128x128xf32, #tpu.memory_space<vmem>> -> memref<1x128x128xf32, #tpu.memory_space<vmem>>
    %dma_wait3A_51 = tpu.memref_squeeze %dma_wait3A_50 : memref<1x128x128xf32, #tpu.memory_space<vmem>> -> memref<128x128xf32, #tpu.memory_space<vmem>>
    %dma_wait3A_52 = arith.constant 0 : i32
    %dma_wait3A_53 = tpu.memref_slice %arg2[%mul3A_2, %dma_wait3A_52] : memref<524288x128xf32, #tpu.memory_space<hbm>> -> memref<128x128xf32, #tpu.memory_space<hbm>>
    %dma_wait3A_54 = arith.constant 0 : i32
    %dma_wait3A_55 = arith.constant 0 : i32
    %dma_wait3A_56 = tpu.memref_slice %arg7[%dma_wait3A_47, %dma_wait3A_54, %dma_wait3A_55] : memref<3x128x128xf32, #tpu.memory_space<vmem>> -> memref<1x128x128xf32, #tpu.memory_space<vmem>>
    %dma_wait3A_57 = tpu.memref_squeeze %dma_wait3A_56 : memref<1x128x128xf32, #tpu.memory_space<vmem>> -> memref<128x128xf32, #tpu.memory_space<vmem>>
    %dma_wait3A_58 = arith.constant 0 : i32
    %dma_wait3A_59 = tpu.memref_slice %arg2[%mul3A_2, %dma_wait3A_58] : memref<524288x128xf32, #tpu.memory_space<hbm>> -> memref<128x128xf32, #tpu.memory_space<hbm>>
    tpu.wait_dma2 semaphore(%arg9 : memref<!tpu.dma_semaphore, #tpu.memory_space<semaphore_mem>>) src(%dma_wait3A_59 : memref<128x128xf32, #tpu.memory_space<hbm>>) dst(%dma_wait3A_57 : memref<128x128xf32, #tpu.memory_space<vmem>>)
    %dma_wait3A_60 = arith.constant 2 : i32
    %dma_wait3A_61 = arith.constant 0 : i32
    %dma_wait3A_62 = arith.constant 0 : i32
    %dma_wait3A_63 = tpu.memref_slice %arg7[%dma_wait3A_60, %dma_wait3A_61, %dma_wait3A_62] : memref<3x128x128xf32, #tpu.memory_space<vmem>> -> memref<1x128x128xf32, #tpu.memory_space<vmem>>
    %dma_wait3A_64 = tpu.memref_squeeze %dma_wait3A_63 : memref<1x128x128xf32, #tpu.memory_space<vmem>> -> memref<128x128xf32, #tpu.memory_space<vmem>>
    %dma_wait3A_65 = arith.constant 0 : i32
    %dma_wait3A_66 = tpu.memref_slice %arg2[%mul3A_2, %dma_wait3A_65] : memref<524288x128xf32, #tpu.memory_space<hbm>> -> memref<128x128xf32, #tpu.memory_space<hbm>>
    %dma_wait3A_67 = arith.constant 0 : i32
    %dma_wait3A_68 = arith.constant 0 : i32
    %dma_wait3A_69 = tpu.memref_slice %arg7[%dma_wait3A_60, %dma_wait3A_67, %dma_wait3A_68] : memref<3x128x128xf32, #tpu.memory_space<vmem>> -> memref<1x128x128xf32, #tpu.memory_space<vmem>>
    %dma_wait3A_70 = tpu.memref_squeeze %dma_wait3A_69 : memref<1x128x128xf32, #tpu.memory_space<vmem>> -> memref<128x128xf32, #tpu.memory_space<vmem>>
    %dma_wait3A_71 = arith.constant 0 : i32
    %dma_wait3A_72 = tpu.memref_slice %arg2[%mul3A_2, %dma_wait3A_71] : memref<524288x128xf32, #tpu.memory_space<hbm>> -> memref<128x128xf32, #tpu.memory_space<hbm>>
    tpu.wait_dma2 semaphore(%arg9 : memref<!tpu.dma_semaphore, #tpu.memory_space<semaphore_mem>>) src(%dma_wait3A_72 : memref<128x128xf32, #tpu.memory_space<hbm>>) dst(%dma_wait3A_70 : memref<128x128xf32, #tpu.memory_space<vmem>>)
    return
  }
}

</mosaic_0001>

<sc_bundles>
// kernel: kernel.3.cloned.1.call-start
scs
__scs_entry_jumppad:
0x0: {  	(pc) =	sbr.rel $0x88, $3  }
0x1: {  	(tag) =	ssettag $0x0;
	lr =	simm.s32 $0x1  }
0x2: {  	[smem:$0x3F9F] =	sst lr;
	_ =	strace $0xD0000000  }
0x3: {  	_ = 	snop  }
0x4: {  	_ = 	snop  }
0x5: {  	_ = 	snop  }
0x6: {  	_ = 	snop  }
0x7: {  	_ = 	snop  }
__scs_overlays_trampoline_lowered:
0x8: {  	[smem:$0x3FAE] =	sst s0  }
0x9: {  	[smem:$0x3FAF] =	sst s1  }
0xa: {  	[smem:$0x3FB0] =	sst s2  }
0xb: {  	[smem:$0x3FB1] =	sst s3  }
0xc: {  	[smem:$0x3FB2] =	sst s4  }
0xd: {  	[smem:$0x3FB3] =	sst s5  }
0xe: {  	[smem:$0x3FB4] =	sst s6  }
0xf: {  	[smem:$0x3FB5] =	sst s7  }
0x10: {  	[smem:$0x3FB6] =	sst s8  }
0x11: {  	[smem:$0x3FB7] =	sst s9;
	s0 =	simm.s32 @!p0 $0x0  }
0x12: {  	s1 =	sld [smem:$0x3F9D];
	s0 =	simm.s32 @p0 $0x1  }
0x13: {  	[smem:$0x3FB8] =	sst s0;
	s0 =	simm.s32 @!p1 $0x0  }
0x14: {  	s2 =	sld [smem:$0x3F9C];
	s0 =	simm.s32 @p1 $0x1  }
0x15: {  	[smem:$0x3FB9] =	sst s0;
	s0 =	simm.s32 @!p2 $0x0  }
0x16: {  	s3 =	sld [smem:$0x3FDB];
	s0 =	simm.s32 @p2 $0x1  }
0x17: {  	s4 =	simm.s32 $0x1BF5;
	[smem:$0x3FBB] =	sst s0  }
0x18: {  	s0 =	sld [smem:$0x3F9E];
	_ =	swait.ge [sflag:s4], $0x0  }
0x19: {  	s7 =	sld [smem:$0x3F9F]  }
0x1a: {  	s8 =	sadd.s32 $0xFFFFE003, lr  }
0x1b: {  	s9 =	sadd.s32 $0xFFFFFEF7, lr;
	s5 =	simm.s32 $0xFFFFFFFF;
	p2 =	slt.u32 s8, $0xFFFFF086  }
0x1c: {  	p1 =	slt.u32 s9, $0xF7A;
	s5 =	simm.s32 @!p2 $0x0  }
0x1d: {  	s5 =	simm.s32 @p1 $0x1;
	p0 =	seq.s32 s7, s2  }
0x1e: {  	s7 =	smul.u32 @!p0 $0xF7A, s2;
	p2 =	seq.s32 @!p0 s5, $0x0  }
0x1f: {  	s9 =	smul.u32 $0xF7A, s1;
	s8 =	simm.s32 @!p0 $0x1BF5;
	p2 =	por !p2, p0  }
0x20: {  	[sflag:s8] =	ssyncset.s32 @!p0 $0xFFFFF086;
	s6 =	sadd.s32 @!p0 s3, s7;
	s7 =	simm.s32 @!p0 $0x108  }
0x21: {  	s3 =	sadd.s32 s3, s9;
	s6 =	sadd.s32 @!p0 $0x88, s6;
	s7 =	simm.s32 @p2 $0x1082  }
0x22: {  	[simem:s7], [sflag:s8] =	dma.local @!p0 [hbm:s6], $0xF7A  }
0x23: {  	s9 =	sor.u32 $0xD0000000, s2;
	s6 =	simm.s32 $0x108;
	_ =	swait.ge @!p0 [sflag:s8], $0x0  }
0x24: {  	s3 =	sadd.s32 $0x88, s3;
	s6 =	simm.s32 @!p1 $0x1082;
	[sflag:s4] =	ssyncset.s32 $0xFFFFF086  }
0x25: {  	[simem:s6], [sflag:s4] =	dma.local [hbm:s3], $0xF7A  }
0x26: {  	[smem:$0x3F9F] =	sst s1;
	(tag) =	ssettag s2;
	_ =	strace s9  }
0x27: {  	s1 =	sld [smem:$0x3FAF]  }
0x28: {  	s2 =	sld [smem:$0x3FB0]  }
0x29: {  	s4 =	sld [smem:$0x3FB2]  }
0x2a: {  	p0 =	seq.s32 s5, $0x0;
	s5 =	sld [smem:$0x3FB3]  }
0x2b: {  	s6 =	sld [smem:$0x3FB4]  }
0x2c: {  	s7 =	sld [smem:$0x3FB5]  }
0x2d: {  	s3 =	simm.s32 $0x108;
	s8 =	sld [smem:$0x3FB6]  }
0x2e: {  	s3 =	simm.s32 @!p0 $0x1082;
	s9 =	sld [smem:$0x3FB7]  }
0x2f: {  	lr =	sadd.s32 s0, s3;
	s0 =	sld [smem:$0x3FAE]  }
0x30: {  	s3 =	sld [smem:$0x3FB1]  }
0x31: {  	[smem:$0x3FBA] =	sst s10  }
0x32: {  	s10 =	sld [smem:$0x3FB8];
	_ =	sdelay $0x3  }
0x33: {  	p0 =	seq.s32 s10, $0x1;
	s10 =	sld [smem:$0x3FBA];
	_ =	sdelay $0x3  }
0x34: {  	[smem:$0x3FBA] =	sst s10  }
0x35: {  	s10 =	sld [smem:$0x3FB9];
	_ =	sdelay $0x3  }
0x36: {  	p1 =	seq.s32 s10, $0x1;
	s10 =	sld [smem:$0x3FBA];
	_ =	sdelay $0x3  }
0x37: {  	[smem:$0x3FBA] =	sst s10  }
0x38: {  	s10 =	sld [smem:$0x3FBB]  }
0x39: {  	_ = 	snop;
	(pc) =	sbr.ind lr, $3  }
0x3a: {  	_ = 	snop  }
0x3b: {  	_ = 	snop  }
0x3c: {  	p2 =	seq.s32 s10, $0x1;
	s10 =	sld [smem:$0x3FBA]  }
0x3d: {  	_ =	shalt  }
0x3e: {  	_ =	shalt  }
0x3f: {  	_ =	shalt  }
0x40: {  	_ =	shalt  }
0x41: {  	_ =	shalt  }
0x42: {  	_ =	shalt  }
0x43: {  	_ =	shalt  }
0x44: {  	_ =	shalt  }
0x45: {  	_ =	shalt  }
0x46: {  	_ =	shalt  }
0x47: {  	_ =	shalt  }
0x48: {  	_ =	shalt  }
0x49: {  	_ =	shalt  }
0x4a: {  	_ =	shalt  }
0x4b: {  	_ =	shalt  }
0x4c: {  	_ =	shalt  }
0x4d: {  	_ =	shalt  }
0x4e: {  	_ =	shalt  }
0x4f: {  	_ =	shalt  }
0x50: {  	_ =	shalt  }
0x51: {  	_ =	shalt  }
0x52: {  	_ =	shalt  }
0x53: {  	_ =	shalt  }
0x54: {  	_ =	shalt  }
0x55: {  	_ =	shalt  }
0x56: {  	_ =	shalt  }
0x57: {  	_ =	shalt  }
0x58: {  	_ =	shalt  }
0x59: {  	_ =	shalt  }
0x5a: {  	_ =	shalt  }
0x5b: {  	_ =	shalt  }
0x5c: {  	_ =	shalt  }
0x5d: {  	_ =	shalt  }
0x5e: {  	_ =	shalt  }
0x5f: {  	_ =	shalt  }
0x60: {  	_ =	shalt  }
0x61: {  	_ =	shalt  }
0x62: {  	_ =	shalt  }
0x63: {  	_ =	shalt  }
0x64: {  	_ =	shalt  }
0x65: {  	_ =	shalt  }
0x66: {  	_ =	shalt  }
0x67: {  	_ =	shalt  }
0x68: {  	_ =	shalt  }
0x69: {  	_ =	shalt  }
0x6a: {  	_ =	shalt  }
0x6b: {  	_ =	shalt  }
0x6c: {  	_ =	shalt  }
0x6d: {  	_ =	shalt  }
0x6e: {  	_ =	shalt  }
0x6f: {  	_ =	shalt  }
0x70: {  	_ =	shalt  }
0x71: {  	_ =	shalt  }
0x72: {  	_ =	shalt  }
0x73: {  	_ =	shalt  }
0x74: {  	_ =	shalt  }
0x75: {  	_ =	shalt  }
0x76: {  	_ =	shalt  }
0x77: {  	_ =	shalt  }
0x78: {  	_ =	shalt  }
0x79: {  	_ =	shalt  }
0x7a: {  	_ =	shalt  }
0x7b: {  	_ =	shalt  }
0x7c: {  	_ =	shalt  }
0x7d: {  	_ =	shalt  }
0x7e: {  	_ =	shalt  }
0x7f: {  	_ =	shalt  }
0x80: {  	_ =	shalt  }
0x81: {  	_ =	shalt  }
0x82: {  	_ =	shalt  }
0x83: {  	_ =	shalt  }
0x84: {  	_ =	shalt  }
0x85: {  	_ =	shalt  }
0x86: {  	_ =	shalt  }
0x87: {  	_ =	shalt  }
.Lfunc_end0:
.L_simem_size_0:
called_computation_lowered:
.L_overlay_start_0:
0x88: {  	s2 =	sld [smem:$0x3FD9]  }
0x89: {  	s3 =	sld [smem:$0x3FFE];
	_ =	sdelay $0x1  }
0x8a: {  	s1 =	srdreg.scid  }
0x8b: {  	s0 =	sand.u32 $0x1, s1  }
0x8c: {  	s18 =	sshll.u32 s0, $0xA;
	s2 =	sadd.s32 s3, s2  }
0x8d: {  	s2 =	sadd.s32 s2, s18  }
0x8e: {  	[smem:$0x3FC6] =	sst s2  }
0x8f: {  	_ = 	snop  }
0x90: {  	s2 =	sld [smem:$0x3FC9]  }
0x91: {  	s19 =	sld [smem:$0x3FC8]  }
0x92: {  	s4 =	sld [smem:$0x3FD0];
	(tm) =	ssettm $0x1  }
0x93: {  	s5 =	sld [smem:$0x3FFB];
	_ =	sdelay $0x3  }
0x94: {  	_ =	strace s5  }
0x95: {  	s5 =	sld [smem:$0x3FFC];
	_ =	sdelay $0x3  }
0x96: {  	_ =	strace s5  }
0x97: {  	s5 =	sld [smem:$0x3FFD];
	_ =	sdelay $0x3  }
0x98: {  	_ =	strace s5  }
0x99: {  	_ =	strace $0x8FFFFFFF  }
0x9a: {  	s20 =	sld [smem:$0x3FDB];
	_ =	sdelay $0x1  }
0x9b: {  	s6 =	simm.s32 $_scs_section_size  }
0x9c: {  	s7 =	simm.s32 $_size__tile_overlayer_lowered;
	s8 =	simm.s32 $_tile_overlayer_lowered  }
0x9d: {  	s23 =	simm.s32 $0x1BFF;
	s22 =	sshll.u32 s8, $0x1;
	s5 =	sadd.s32 s6, s20  }
0x9e: {  	s9 =	simm.s32 $0x0;
	s21 =	sshll.u32 s7, $0x1;
	s7 =	sadd.s32 s22, s5  }
0x9f: {  	[timem:s9], [sflag:s23] =	dma.local [hbm:s7], s21  }
0xa0: {  	_ =	swait.ge [sflag:s23], s21  }
0xa1: {  	s6 =	ssub.s32 $0x0, s21;
	[sflag:s23] =	ssyncset.done $0x0  }
0xa2: {  	[sflag:s23] =	ssyncadd.s32 s6;
	_ =	sdelay $0x1  }
0xa3: {  	s24 =	simm.s32 $0x1B8B  }
0xa4: {  	_ =	swait.ge [sflag:s24], $0x1  }
0xa5: {  	[sflag:s24] =	ssyncset.done $0x0  }
0xa6: {  	s25 =	simm.s32 $0x1B8E;
	[sflag:s24] =	ssyncadd.s32 $0xFFFFFFFF  }
0xa7: {  	s26 =	simm.s32 $execute0_lowered;
	[smem:$0x3FD2] =	sst s25  }
0xa8: {  	s6 =	sshll.u32 s26, $0x1;
	_ =	strace $0x80000046;
	[dreg:$0x1] =	wrdreg $0xFFFFFFFF  }
0xa9: {  	s28 =	simm.s32 $_size_execute0_lowered;
	s5 =	sadd.s32 s5, s6;
	[dreg:$0x0] =	wrdreg $0x0  }
0xaa: {  	s6 =	sshll.u32 s28, $0x1;
	[dreg:$0x2] =	wrdreg s5  }
0xab: {  	[dreg:$0x3] =	wrdreg s6  }
0xac: {  	[dreg:$0x4] =	wrdreg $0xC0  }
0xad: {  	_ =	task [dreg:s9], $0x5FFFF  }
0xae: {  	[dreg:$0x1] =	wrdreg $0xFFFFFFFF  }
0xaf: {  	[dreg:$0x0] =	wrdreg $0x60  }
0xb0: {  	[dreg:$0x2] =	wrdreg s2  }
0xb1: {  	[dreg:$0x3] =	wrdreg s19  }
0xb2: {  	[dreg:$0x4] =	wrdreg s4  }
0xb3: {  	[dreg:$0x5] =	wrdreg $0x9  }
0xb4: {  	_ =	task.clear_ibuf [dreg:s9], $0x6FFFF;
	_ =	strace $0x90000046  }
0xb5: {  	s29 =	simm.s32 $0x9;
	_ =	strace $0x80000048  }
0xb6: {  	_ =	swait.ge [sflag:s29], $0x1  }
0xb7: {  	[sflag:s29] =	ssyncadd.s32 $0xFFFFFFFF  }
0xb8: {  	_ =	strace $0x90000048  }
0xb9: {  	_ =	sfence  }
0xba: {  	s30 =	sld [smem:$0x0];
	_ =	sdelay $0x2  }
0xbb: {  	s31 =	sshll.u32 s1, $0xD;
	s1 =	sshrl.u32 s1, $0x2  }
0xbc: {  	s3 =	sand.u32 $0x4000, s31;
	s1 =	sadd.s32 s1, s30  }
0xbd: {  	s0 =	sor.u32 s3, s0;
	s1 =	sshll.u32 s1, $0x11  }
0xbe: {  	s0 =	sor.u32 s1, s0  }
0xbf: {  	s0 =	sadd.s32 $0x8F2B, s0  }
0xc0: {  	[sflag:s0] =	ssyncadd.remote.s32 $0x1  }
0xc1: {  	_ =	sfence.sel $0xFFFF  }
0xc2: {  	[dreg:$0x0] =	wrdreg $0xFFFFFFFF;
	(pc) =	sbr.abs _section_cstart, $3  }
0xc3: {  	[dreg:$0x1] =	wrdreg $0xFFFFFFFF  }
0xc4: {  	_ =	task.clear_ibuf [dreg:s9], $0x2FFFF;
	_ =	strace $0x9FFFFFFF  }
0xc5: {  	(tm) =	ssettm $0x7FFFFFFF  }
tec
execute0_lowered:
.L_overlay_start_1:
0x0: {  	(tag) =	ssettag $0x1  }
0x1: {  	s1 =	srdreg.scid  }
0x2: {  	s2 =	stileid.u32;
	s1 =	sand.u32 $0x1, s1  }
0x3: {  	s0 =	rddreg [dreg:$0x0];
	s2 =	sshll.u32 s2, $0xF;
	s3 =	sshll.u32 s1, $0xE  }
0x4: {  	s4 =	simm.s32 $0x0;
	s1 =	ssub.s32 $0x2, s1;
	s3 =	sor.u32 s3, s2  }
0x5: {  	s29 =	sshrl.u32 s1, $0x1;
	[dreg:$0x4] =	wrdreg s3;
	s3 =	sshll.u32 s3, $0x4  }
0x6: {  	[smem:$0x7FF] =	sst s4;
	s1 =	ssub.s32 s1, s29;
	s30 =	sadd.s32 s0, s3  }
0x7: {  	_ =	strace $0x80000047;
	s0 =	sadd.s32 $0x1000, s0;
	[dreg:$0x5] =	wrdreg s30  }
0x8: {  	s31 =	smax.u32 s1, $0x1;
	[dreg:$0x7] =	wrdreg s0  }
0x9: {  	s2 =	sadd.s32 $0x800, s30;
	[dreg:$0x8] =	wrdreg s31  }
0xa: {  	[dreg:$0x6] =	wrdreg s2;
	s2 =	simm.s32 $0x0  }
.LBB2_1:
0xb: {  	[dreg:$0x9] =	wrdreg s2  }
0xc: {  	s0 =	rddreg [dreg:$0x1];
	s1 =	simm.s32 $0x0;
	s26 =	simm.s32 $0x3  }
0xd: {  	[tilespmem:s1], [sflag:$0x3] =	stream.linear.gather [hbm4b:s0+s1], $0x2000, $0x38;
	[tilespmem:$0x1A000] =	vst v63  }
0xe: {  	_ =	swait.ge [sflag:s26], $0x2000  }
0xf: {  	[sflag:s26] =	ssyncset.done $0x0  }
0x10: {  	s29 =	simm.s32 $0x2000;
	s28 =	rddreg [dreg:$0x5];
	[sflag:s26] =	ssyncadd.s32 $0xFFFFE000  }
0x11: {  	[tilespmem:s29], [sflag:$0x1] =	stream.linear.gather [hbm4b:s28+s1], $0x4000, $0x38;
	[tilespmem:$0x1A000] =	vst v63  }
0x12: {  	s31 =	simm.s32 $0x6000;
	s16 =	simm.s32 $0x0;
	s30 =	rddreg [dreg:$0x6]  }
0x13: {  	[tilespmem:s31], [sflag:$0x1] =	stream.linear.gather [hbm4b:s30+s1], $0x4000, $0x38;
	[tilespmem:$0x1A000] =	vst v63  }
.LBB2_2:
0x14: {  	p0 =	sgt.u32 s16, $0x7D  }
0x15: {  	s0 =	sadd.s32 @!p0 $0x2, s16  }
0x16: {  	s1 =	sand.u32 @!p0 $0xFF, s0  }
0x17: {  	s1 =	smul.u32 @!p0 $0xAB, s1;
	_ =	sdelay $0x1  }
0x18: {  	s1 =	sshrl.u32 @!p0 s1, $0x9  }
0x19: {  	s3 =	simm.s32 $0x1;
	s1 =	smul.u32 @!p0 $0x3, s1  }
0x1a: {  	s2 =	sshll.u32 s16, $0x7;
	_ =	swait.ge [sflag:s3], $0x4000;
	p1 =	slt.u32 @!p0 s16, $0x3  }
0x1b: {  	s10 =	rddreg [dreg:$0x4];
	[sflag:s3] =	ssyncset.done $0x0;
	s0 =	ssub.s32 @!p0 s0, s1  }
0x1c: {  	s17 =	sadd.s32 s10, s2;
	[sflag:s3] =	ssyncadd.s32 $0xFFFFC000;
	s0 =	sand.u32 @!p0 $0xFF, s0  }
0x1d: {  	s2 =	rddreg [dreg:$0x7];
	s1 =	sshll.u32 @!p0 s17, $0x4;
	s0 =	sshll.u32 @!p0 s0, $0xE  }
0x1e: {  	s1 =	sadd.s32 @!p0 s1, s2;
	s2 =	simm.s32 @!p0 $0x0;
	s0 =	sor.u32 @!p0 $0x2000, s0  }
0x1f: {  	[tilespmem:s0], [sflag:$0x1] =	stream.linear.gather @!p0 [hbm4b:s1+s2], $0x4000, $0x38;
	[tilespmem:$0x1A000] =	vst v63  }
0x20: {  	s11 =	sshll.u32 s16, $0x4;
	s12 =	simm.s32 $0x0;
	p0 =	por p0, !p1  }
0x21: {  	s20 =	sand.u32 $0x30, s11;
	s13 =	sor.u32 $0x1, s12;
	s0 =	simm.s32 @p0 $0x2  }
0x22: {  	s1 =	sadd.s32 s20, s13;
	_ =	swait.ge @p0 [sflag:s0], $0x4000  }
0x23: {  	s14 =	smul.u32 $0xAB, s16;
	s1 =	sshll.u32 s1, $0x7;
	[sflag:s0] =	ssyncset.done @p0 $0x0  }
0x24: {  	s1 =	sand.u32 $0x3FFFFF80, s1;
	[sflag:s0] =	ssyncadd.s32 @p0 $0xFFFFC000  }
0x25: {  	s2 =	sshrl.u32 s14, $0x9;
	v32 =	vld [tilespmem:s1+$0x0]  }
0x26: {  	s2 =	sand.u32 $0x7F, s2  }
0x27: {  	s2 =	smul.u32 $0x3, s2;
	_ =	sdelay $0x1  }
0x28: {  	s2 =	ssub.s32 s16, s2  }
0x29: {  	s2 =	sand.u32 $0xFF, s2  }
0x2a: {  	s0 =	sshll.u32 s13, $0xA;
	v31 =	vld [tilespmem:s1+$0x10];
	s18 =	sshll.u32 s2, $0xE  }
0x2b: {  	v6 =	vld [tilespmem:s1+$0x40];
	s2 =	sor.u32 s18, s0  }
0x2c: {  	v1 =	vld.idx.msk [tilespmem:v32+s2+$0x2000], $0xffff  }
0x2d: {  	v19 =	vld [tilespmem:s1+$0x50]  }
0x2e: {  	v15 =	vld [tilespmem:s1+$0x70]  }
0x2f: {  	v33 =	vld [tilespmem:s1+$0x20]  }
0x30: {  	v30 =	vld [tilespmem:s1+$0x60]  }
0x31: {  	v54 =	vld [tilespmem:s1+$0x30];
	[tilespmem:s2+$0xE000] =	vst v1  }
0x32: {  	v1 =	vld.idx.msk [tilespmem:v31+s2+$0x2000], $0xffff;
	_ =	sdelay $0x1  }
0x33: {  	s15 =	sadd.s32 $0x0, s20  }
0x34: {  	s3 =	sshll.u32 s15, $0x7  }
0x35: {  	s3 =	sand.u32 $0x3FFFFF80, s3  }
0x36: {  	v34 =	vld [tilespmem:s3+$0x0];
	[tilespmem:s2+$0xE010] =	vst v1  }
0x37: {  	v1 =	vld.idx.msk [tilespmem:v33+s2+$0x2000], $0xffff;
	_ =	sdelay $0x2  }
0x38: {  	v41 =	vld [tilespmem:s3+$0x10]  }
0x39: {  	v4 =	vld [tilespmem:s3+$0x70]  }
0x3a: {  	s1 =	simm.s32 $0x0;
	v56 =	vld [tilespmem:s3+$0x20];
	[tilespmem:s2+$0xE020] =	vst v1  }
0x3b: {  	s4 =	sor.u32 s18, s1;
	v1 =	vld.idx.msk [tilespmem:v54+s2+$0x2000], $0xffff  }
0x3c: {  	v2 =	vld.idx.msk [tilespmem:v34+s4+$0x2000], $0xffff  }
0x3d: {  	v42 =	vld [tilespmem:s3+$0x50]  }
0x3e: {  	v11 =	vld [tilespmem:s3+$0x60]  }
0x3f: {  	v3 =	vld [tilespmem:s3+$0x40]  }
0x40: {  	v55 =	vld [tilespmem:s3+$0x30];
	[tilespmem:s2+$0xE030] =	vst v1  }
0x41: {  	[tilespmem:s4+$0xE000] =	vst v2;
	v1 =	vld.idx.msk [tilespmem:v6+s2+$0x2000], $0xffff  }
0x42: {  	v2 =	vld.idx.msk [tilespmem:v41+s4+$0x2000], $0xffff;
	_ =	sdelay $0x3  }
0x43: {  	[tilespmem:s2+$0xE040] =	vst v1  }
0x44: {  	[tilespmem:s4+$0xE010] =	vst v2;
	v1 =	vld.idx.msk [tilespmem:v19+s2+$0x2000], $0xffff  }
0x45: {  	v2 =	vld.idx.msk [tilespmem:v56+s4+$0x2000], $0xffff;
	_ =	sdelay $0x3  }
0x46: {  	[tilespmem:s2+$0xE050] =	vst v1  }
0x47: {  	[tilespmem:s4+$0xE020] =	vst v2;
	v1 =	vld.idx.msk [tilespmem:v30+s2+$0x2000], $0xffff  }
0x48: {  	v2 =	vld.idx.msk [tilespmem:v55+s4+$0x2000], $0xffff;
	_ =	sdelay $0x3  }
0x49: {  	[tilespmem:s2+$0xE060] =	vst v1  }
0x4a: {  	[tilespmem:s4+$0xE030] =	vst v2;
	v1 =	vld.idx.msk [tilespmem:v15+s2+$0x2000], $0xffff  }
0x4b: {  	v2 =	vld.idx.msk [tilespmem:v3+s4+$0x2000], $0xffff;
	_ =	sdelay $0x2  }
0x4c: {  	s22 =	sor.u32 $0x80, s18  }
0x4d: {  	s19 =	sor.u32 s22, s0;
	[tilespmem:s2+$0xE070] =	vst v1  }
0x4e: {  	[tilespmem:s4+$0xE040] =	vst v2;
	v1 =	vld.idx.msk [tilespmem:v32+s19+$0x2000], $0xffff  }
0x4f: {  	v2 =	vld.idx.msk [tilespmem:v42+s4+$0x2000], $0xffff;
	_ =	sdelay $0x3  }
0x50: {  	[tilespmem:s19+$0xE000] =	vst v1  }
0x51: {  	[tilespmem:s4+$0xE050] =	vst v2;
	v1 =	vld.idx.msk [tilespmem:v31+s19+$0x2000], $0xffff  }
0x52: {  	v2 =	vld.idx.msk [tilespmem:v11+s4+$0x2000], $0xffff;
	_ =	sdelay $0x3  }
0x53: {  	[tilespmem:s19+$0xE010] =	vst v1  }
0x54: {  	[tilespmem:s4+$0xE060] =	vst v2;
	v1 =	vld.idx.msk [tilespmem:v33+s19+$0x2000], $0xffff  }
0x55: {  	v2 =	vld.idx.msk [tilespmem:v4+s4+$0x2000], $0xffff;
	_ =	sdelay $0x3  }
0x56: {  	[tilespmem:s19+$0xE020] =	vst v1  }
0x57: {  	s21 =	sor.u32 s22, s1;
	[tilespmem:s4+$0xE070] =	vst v2;
	v1 =	vld.idx.msk [tilespmem:v54+s19+$0x2000], $0xffff  }
0x58: {  	v2 =	vld.idx.msk [tilespmem:v34+s21+$0x2000], $0xffff;
	_ =	sdelay $0x3  }
0x59: {  	[tilespmem:s19+$0xE030] =	vst v1  }
0x5a: {  	[tilespmem:s21+$0xE000] =	vst v2;
	v1 =	vld.idx.msk [tilespmem:v6+s19+$0x2000], $0xffff  }
0x5b: {  	v2 =	vld.idx.msk [tilespmem:v41+s21+$0x2000], $0xffff;
	_ =	sdelay $0x3  }
0x5c: {  	[tilespmem:s19+$0xE040] =	vst v1  }
0x5d: {  	[tilespmem:s21+$0xE010] =	vst v2;
	v1 =	vld.idx.msk [tilespmem:v19+s19+$0x2000], $0xffff  }
0x5e: {  	v2 =	vld.idx.msk [tilespmem:v56+s21+$0x2000], $0xffff;
	_ =	sdelay $0x3  }
0x5f: {  	[tilespmem:s19+$0xE050] =	vst v1  }
0x60: {  	[tilespmem:s21+$0xE020] =	vst v2;
	v1 =	vld.idx.msk [tilespmem:v30+s19+$0x2000], $0xffff  }
0x61: {  	v2 =	vld.idx.msk [tilespmem:v55+s21+$0x2000], $0xffff;
	_ =	sdelay $0x3  }
0x62: {  	[tilespmem:s19+$0xE060] =	vst v1  }
0x63: {  	[tilespmem:s21+$0xE030] =	vst v2;
	v1 =	vld.idx.msk [tilespmem:v15+s19+$0x2000], $0xffff  }
0x64: {  	v2 =	vld.idx.msk [tilespmem:v3+s21+$0x2000], $0xffff;
	_ =	sdelay $0x2  }
0x65: {  	s24 =	sor.u32 $0x100, s18  }
0x66: {  	s23 =	sor.u32 s24, s0;
	[tilespmem:s19+$0xE070] =	vst v1  }
0x67: {  	[tilespmem:s21+$0xE040] =	vst v2;
	v1 =	vld.idx.msk [tilespmem:v32+s23+$0x2000], $0xffff  }
0x68: {  	v2 =	vld.idx.msk [tilespmem:v42+s21+$0x2000], $0xffff;
	_ =	sdelay $0x3  }
0x69: {  	[tilespmem:s23+$0xE000] =	vst v1  }
0x6a: {  	s26 =	simm.s32 $0x2;
	[tilespmem:s21+$0xE050] =	vst v2;
	v1 =	vld.idx.msk [tilespmem:v31+s23+$0x2000], $0xffff  }
0x6b: {  	s5 =	sor.u32 $0x1, s26;
	s6 =	sadd.s32 $0x2, s20;
	v2 =	vld.idx.msk [tilespmem:v11+s21+$0x2000], $0xffff  }
0x6c: {  	s6 =	sshll.u32 s6, $0x7;
	s2 =	sadd.s32 s20, s5  }
0x6d: {  	s6 =	sand.u32 $0x3FFFFF80, s6;
	s2 =	sshll.u32 s2, $0x7  }
0x6e: {  	v9 =	vld [tilespmem:s6+$0x0];
	s4 =	sand.u32 $0x3FFFFF80, s2  }
0x6f: {  	v58 =	vld [tilespmem:s4+$0x0];
	[tilespmem:s23+$0xE010] =	vst v1  }
0x70: {  	[tilespmem:s21+$0xE060] =	vst v2;
	v1 =	vld.idx.msk [tilespmem:v33+s23+$0x2000], $0xffff  }
0x71: {  	v2 =	vld.idx.msk [tilespmem:v4+s21+$0x2000], $0xffff  }
0x72: {  	v51 =	vld [tilespmem:s4+$0x50]  }
0x73: {  	v57 =	vld [tilespmem:s4+$0x10]  }
0x74: {  	v13 =	vld [tilespmem:s4+$0x20]  }
0x75: {  	s11 =	sshll.u32 s5, $0xA;
	v52 =	vld [tilespmem:s4+$0x60];
	[tilespmem:s23+$0xE020] =	vst v1  }
0x76: {  	s5 =	sor.u32 s18, s11;
	[tilespmem:s21+$0xE070] =	vst v2;
	v2 =	vld.idx.msk [tilespmem:v54+s23+$0x2000], $0xffff  }
0x77: {  	v0 =	vmov v6;
	v6 =	vld.idx.msk [tilespmem:v58+s5+$0x2000], $0xffff  }
0x78: {  	s7 =	sor.u32 s24, s1;
	v10 =	vmov v4;
	v4 =	vld [tilespmem:s4+$0x40]  }
0x79: {  	v5 =	vld.idx.msk [tilespmem:v34+s7+$0x2000], $0xffff  }
0x7a: {  	v1 =	vld [tilespmem:s4+$0x70]  }
0x7b: {  	[tilespmem:s23+$0xE030] =	vst v2;
	v2 =	vld [tilespmem:s4+$0x30]  }
0x7c: {  	[tilespmem:s5+$0xE000] =	vst v6;
	v8 =	vld.idx.msk [tilespmem:v0+s23+$0x2000], $0xffff  }
0x7d: {  	v12 =	vld.idx.msk [tilespmem:v57+s5+$0x2000], $0xffff  }
0x7e: {  	v7 =	vld [tilespmem:s6+$0x10]  }
0x7f: {  	v26 =	vld [tilespmem:s6+$0x70];
	[tilespmem:s7+$0xE000] =	vst v5  }
0x80: {  	v14 =	vld.idx.msk [tilespmem:v41+s7+$0x2000], $0xffff  }
0x81: {  	v53 =	vld [tilespmem:s6+$0x50];
	[tilespmem:s23+$0xE040] =	vst v8  }
0x82: {  	[tilespmem:s5+$0xE010] =	vst v12;
	v16 =	vld.idx.msk [tilespmem:v19+s23+$0x2000], $0xffff  }
0x83: {  	s19 =	simm.s32 $0x800;
	v17 =	vld.idx.msk [tilespmem:v13+s5+$0x2000], $0xffff  }
0x84: {  	v46 =	vld [tilespmem:s6+$0x60];
	s8 =	sor.u32 s18, s19  }
0x85: {  	v18 =	vld.idx.msk [tilespmem:v9+s8+$0x2000], $0xffff;
	[tilespmem:s7+$0xE010] =	vst v14  }
0x86: {  	v14 =	vld.idx.msk [tilespmem:v56+s7+$0x2000], $0xffff  }
0x87: {  	v6 =	vld [tilespmem:s6+$0x20];
	[tilespmem:s23+$0xE050] =	vst v16  }
0x88: {  	[tilespmem:s5+$0xE020] =	vst v17;
	v16 =	vld.idx.msk [tilespmem:v30+s23+$0x2000], $0xffff  }
0x89: {  	v17 =	vld.idx.msk [tilespmem:v2+s5+$0x2000], $0xffff  }
0x8a: {  	v21 =	vmov v0;
	v0 =	vld [tilespmem:s6+$0x30]  }
0x8b: {  	v8 =	vld [tilespmem:s6+$0x40];
	[tilespmem:s8+$0xE000] =	vst v18  }
0x8c: {  	[tilespmem:s7+$0xE020] =	vst v14;
	v18 =	vld.idx.msk [tilespmem:v7+s8+$0x2000], $0xffff  }
0x8d: {  	v14 =	vld.idx.msk [tilespmem:v55+s7+$0x2000], $0xffff;
	[tilespmem:s23+$0xE060] =	vst v16  }
0x8e: {  	[tilespmem:s5+$0xE030] =	vst v17;
	v16 =	vld.idx.msk [tilespmem:v15+s23+$0x2000], $0xffff  }
0x8f: {  	v17 =	vld.idx.msk [tilespmem:v4+s5+$0x2000], $0xffff;
	_ =	sdelay $0x1  }
0x90: {  	[tilespmem:s8+$0xE010] =	vst v18  }
0x91: {  	s25 =	sor.u32 $0x180, s18;
	[tilespmem:s7+$0xE030] =	vst v14;
	v18 =	vld.idx.msk [tilespmem:v6+s8+$0x2000], $0xffff  }
0x92: {  	s9 =	sor.u32 s25, s0;
	v14 =	vld.idx.msk [tilespmem:v3+s7+$0x2000], $0xffff;
	[tilespmem:s23+$0xE070] =	vst v16  }
0x93: {  	[tilespmem:s5+$0xE040] =	vst v17;
	v16 =	vld.idx.msk [tilespmem:v32+s9+$0x2000], $0xffff  }
0x94: {  	v17 =	vld.idx.msk [tilespmem:v51+s5+$0x2000], $0xffff;
	_ =	sdelay $0x1  }
0x95: {  	[tilespmem:s8+$0xE020] =	vst v18  }
0x96: {  	[tilespmem:s7+$0xE040] =	vst v14;
	v18 =	vld.idx.msk [tilespmem:v0+s8+$0x2000], $0xffff  }
0x97: {  	v14 =	vld.idx.msk [tilespmem:v42+s7+$0x2000], $0xffff;
	[tilespmem:s9+$0xE000] =	vst v16  }
0x98: {  	[tilespmem:s5+$0xE050] =	vst v17;
	v16 =	vld.idx.msk [tilespmem:v31+s9+$0x2000], $0xffff  }
0x99: {  	v17 =	vld.idx.msk [tilespmem:v52+s5+$0x2000], $0xffff;
	_ =	sdelay $0x1  }
0x9a: {  	[tilespmem:s8+$0xE030] =	vst v18  }
0x9b: {  	[tilespmem:s7+$0xE050] =	vst v14;
	v18 =	vld.idx.msk [tilespmem:v8+s8+$0x2000], $0xffff  }
0x9c: {  	v14 =	vld.idx.msk [tilespmem:v11+s7+$0x2000], $0xffff;
	[tilespmem:s9+$0xE010] =	vst v16  }
0x9d: {  	[tilespmem:s5+$0xE060] =	vst v17;
	v16 =	vld.idx.msk [tilespmem:v33+s9+$0x2000], $0xffff  }
0x9e: {  	v17 =	vld.idx.msk [tilespmem:v1+s5+$0x2000], $0xffff;
	_ =	sdelay $0x1  }
0x9f: {  	[tilespmem:s8+$0xE040] =	vst v18  }
0xa0: {  	[tilespmem:s7+$0xE060] =	vst v14;
	v18 =	vld.idx.msk [tilespmem:v53+s8+$0x2000], $0xffff  }
0xa1: {  	v14 =	vld.idx.msk [tilespmem:v10+s7+$0x2000], $0xffff;
	[tilespmem:s9+$0xE020] =	vst v16  }
0xa2: {  	s10 =	sor.u32 s22, s11;
	[tilespmem:s5+$0xE070] =	vst v17;
	v16 =	vld.idx.msk [tilespmem:v54+s9+$0x2000], $0xffff  }
0xa3: {  	v17 =	vld.idx.msk [tilespmem:v58+s10+$0x2000], $0xffff;
	_ =	sdelay $0x1  }
0xa4: {  	[tilespmem:s8+$0xE050] =	vst v18  }
0xa5: {  	[tilespmem:s7+$0xE070] =	vst v14;
	s7 =	sor.u32 s25, s1;
	v18 =	vld.idx.msk [tilespmem:v46+s8+$0x2000], $0xffff  }
0xa6: {  	v14 =	vld.idx.msk [tilespmem:v34+s7+$0x2000], $0xffff;
	[tilespmem:s9+$0xE030] =	vst v16  }
0xa7: {  	[tilespmem:s10+$0xE000] =	vst v17;
	v16 =	vld.idx.msk [tilespmem:v21+s9+$0x2000], $0xffff  }
0xa8: {  	v17 =	vld.idx.msk [tilespmem:v57+s10+$0x2000], $0xffff;
	_ =	sdelay $0x1  }
0xa9: {  	[tilespmem:s8+$0xE060] =	vst v18  }
0xaa: {  	[tilespmem:s7+$0xE000] =	vst v14;
	v18 =	vld.idx.msk [tilespmem:v26+s8+$0x2000], $0xffff  }
0xab: {  	v14 =	vld.idx.msk [tilespmem:v41+s7+$0x2000], $0xffff;
	[tilespmem:s9+$0xE040] =	vst v16  }
0xac: {  	[tilespmem:s10+$0xE010] =	vst v17;
	v16 =	vld.idx.msk [tilespmem:v19+s9+$0x2000], $0xffff  }
0xad: {  	v17 =	vld.idx.msk [tilespmem:v13+s10+$0x2000], $0xffff;
	_ =	sdelay $0x1  }
0xae: {  	s12 =	sor.u32 s22, s19;
	[tilespmem:s8+$0xE070] =	vst v18  }
0xaf: {  	[tilespmem:s7+$0xE010] =	vst v14;
	v18 =	vld.idx.msk [tilespmem:v9+s12+$0x2000], $0xffff  }
0xb0: {  	v14 =	vld.idx.msk [tilespmem:v56+s7+$0x2000], $0xffff;
	[tilespmem:s9+$0xE050] =	vst v16  }
0xb1: {  	[tilespmem:s10+$0xE020] =	vst v17;
	v16 =	vld.idx.msk [tilespmem:v30+s9+$0x2000], $0xffff  }
0xb2: {  	v17 =	vld.idx.msk [tilespmem:v2+s10+$0x2000], $0xffff;
	_ =	sdelay $0x1  }
0xb3: {  	[tilespmem:s12+$0xE000] =	vst v18  }
0xb4: {  	[tilespmem:s7+$0xE020] =	vst v14;
	v18 =	vld.idx.msk [tilespmem:v7+s12+$0x2000], $0xffff  }
0xb5: {  	v14 =	vld.idx.msk [tilespmem:v55+s7+$0x2000], $0xffff;
	[tilespmem:s9+$0xE060] =	vst v16  }
0xb6: {  	[tilespmem:s10+$0xE030] =	vst v17;
	v16 =	vld.idx.msk [tilespmem:v15+s9+$0x2000], $0xffff  }
0xb7: {  	v17 =	vld.idx.msk [tilespmem:v4+s10+$0x2000], $0xffff;
	_ =	sdelay $0x1  }
0xb8: {  	[tilespmem:s12+$0xE010] =	vst v18  }
0xb9: {  	s26 =	sor.u32 $0x200, s18;
	[tilespmem:s7+$0xE030] =	vst v14;
	v18 =	vld.idx.msk [tilespmem:v6+s12+$0x2000], $0xffff  }
0xba: {  	s13 =	sor.u32 s26, s0;
	v14 =	vld.idx.msk [tilespmem:v3+s7+$0x2000], $0xffff;
	[tilespmem:s9+$0xE070] =	vst v16  }
0xbb: {  	[tilespmem:s10+$0xE040] =	vst v17;
	v16 =	vld.idx.msk [tilespmem:v32+s13+$0x2000], $0xffff  }
0xbc: {  	v17 =	vld.idx.msk [tilespmem:v51+s10+$0x2000], $0xffff;
	_ =	sdelay $0x1  }
0xbd: {  	[tilespmem:s12+$0xE020] =	vst v18  }
0xbe: {  	[tilespmem:s7+$0xE040] =	vst v14;
	v18 =	vld.idx.msk [tilespmem:v0+s12+$0x2000], $0xffff  }
0xbf: {  	v14 =	vld.idx.msk [tilespmem:v42+s7+$0x2000], $0xffff;
	[tilespmem:s13+$0xE000] =	vst v16  }
0xc0: {  	[tilespmem:s10+$0xE050] =	vst v17;
	v16 =	vld.idx.msk [tilespmem:v31+s13+$0x2000], $0xffff  }
0xc1: {  	v17 =	vld.idx.msk [tilespmem:v52+s10+$0x2000], $0xffff;
	_ =	sdelay $0x1  }
0xc2: {  	[tilespmem:s12+$0xE030] =	vst v18  }
0xc3: {  	[tilespmem:s7+$0xE050] =	vst v14;
	v18 =	vld.idx.msk [tilespmem:v8+s12+$0x2000], $0xffff  }
0xc4: {  	v14 =	vld.idx.msk [tilespmem:v11+s7+$0x2000], $0xffff;
	[tilespmem:s13+$0xE010] =	vst v16  }
0xc5: {  	[tilespmem:s10+$0xE060] =	vst v17;
	v16 =	vld.idx.msk [tilespmem:v33+s13+$0x2000], $0xffff  }
0xc6: {  	v17 =	vld.idx.msk [tilespmem:v1+s10+$0x2000], $0xffff;
	_ =	sdelay $0x1  }
0xc7: {  	[tilespmem:s12+$0xE040] =	vst v18  }
0xc8: {  	[tilespmem:s7+$0xE060] =	vst v14;
	v18 =	vld.idx.msk [tilespmem:v53+s12+$0x2000], $0xffff  }
0xc9: {  	v14 =	vld.idx.msk [tilespmem:v10+s7+$0x2000], $0xffff;
	[tilespmem:s13+$0xE020] =	vst v16  }
0xca: {  	s14 =	sor.u32 s24, s11;
	[tilespmem:s10+$0xE070] =	vst v17;
	v16 =	vld.idx.msk [tilespmem:v54+s13+$0x2000], $0xffff  }
0xcb: {  	v17 =	vld.idx.msk [tilespmem:v58+s14+$0x2000], $0xffff;
	_ =	sdelay $0x1  }
0xcc: {  	[tilespmem:s12+$0xE050] =	vst v18  }
0xcd: {  	[tilespmem:s7+$0xE070] =	vst v14;
	v18 =	vld.idx.msk [tilespmem:v46+s12+$0x2000], $0xffff  }
0xce: {  	s8 =	sadd.s32 $0x4, s20;
	[tilespmem:s13+$0xE030] =	vst v16  }
0xcf: {  	s5 =	sshll.u32 s8, $0x7;
	s9 =	simm.s32 $0x4;
	[tilespmem:s14+$0xE000] =	vst v17;
	v14 =	vld.idx.msk [tilespmem:v21+s13+$0x2000], $0xffff  }
0xd0: {  	s7 =	sor.u32 $0x1, s9;
	s9 =	sand.u32 $0x3FFFFF80, s5;
	v17 =	vld.idx.msk [tilespmem:v57+s14+$0x2000], $0xffff  }
0xd1: {  	v50 =	vld [tilespmem:s9+$0x10]  }
0xd2: {  	v45 =	vld [tilespmem:s9+$0x70];
	[tilespmem:s12+$0xE060] =	vst v18  }
0xd3: {  	s15 =	sor.u32 s26, s1;
	v18 =	vld.idx.msk [tilespmem:v26+s12+$0x2000], $0xffff  }
0xd4: {  	s23 =	sadd.s32 s20, s7;
	v16 =	vld.idx.msk [tilespmem:v34+s15+$0x2000], $0xffff;
	[tilespmem:s13+$0xE040] =	vst v14  }
0xd5: {  	s5 =	sshll.u32 s23, $0x7;
	[tilespmem:s14+$0xE010] =	vst v17;
	v14 =	vld.idx.msk [tilespmem:v19+s13+$0x2000], $0xffff  }
0xd6: {  	s5 =	sand.u32 $0x3FFFFF80, s5;
	v17 =	vld.idx.msk [tilespmem:v13+s14+$0x2000], $0xffff  }
0xd7: {  	v12 =	vld [tilespmem:s5+$0x50]  }
0xd8: {  	s10 =	sor.u32 s24, s19;
	[tilespmem:s12+$0xE070] =	vst v18;
	v18 =	vld [tilespmem:s5+$0x40]  }
0xd9: {  	v20 =	vld.idx.msk [tilespmem:v9+s10+$0x2000], $0xffff;
	[tilespmem:s15+$0xE000] =	vst v16  }
0xda: {  	v16 =	vmov v19;
	v19 =	vld.idx.msk [tilespmem:v41+s15+$0x2000], $0xffff;
	[tilespmem:s13+$0xE050] =	vst v14  }
0xdb: {  	v22 =	vld.idx.msk [tilespmem:v30+s13+$0x2000], $0xffff;
	[tilespmem:s14+$0xE020] =	vst v17  }
0xdc: {  	v29 =	vld [tilespmem:s5+$0x0]  }
0xdd: {  	v17 =	vld.idx.msk [tilespmem:v2+s14+$0x2000], $0xffff  }
0xde: {  	v14 =	vld [tilespmem:s5+$0x70]  }
0xdf: {  	v24 =	vld [tilespmem:s5+$0x10]  }
0xe0: {  	v5 =	vld [tilespmem:s9+$0x20]  }
0xe1: {  	[tilespmem:s15+$0xE010] =	vst v19;
	v49 =	vld [tilespmem:s9+$0x0]  }
0xe2: {  	[tilespmem:s10+$0xE000] =	vst v20;
	v19 =	vld.idx.msk [tilespmem:v56+s15+$0x2000], $0xffff  }
0xe3: {  	v36 =	vld.idx.msk [tilespmem:v7+s10+$0x2000], $0xffff  }
0xe4: {  	v44 =	vmov v21;
	v21 =	vld [tilespmem:s9+$0x50]  }
0xe5: {  	v20 =	vld [tilespmem:s9+$0x60];
	[tilespmem:s13+$0xE060] =	vst v22  }
0xe6: {  	v23 =	vld.idx.msk [tilespmem:v15+s13+$0x2000], $0xffff  }
0xe7: {  	s21 =	sshll.u32 s7, $0xA;
	v27 =	vld [tilespmem:s9+$0x40]  }
0xe8: {  	s7 =	sor.u32 s18, s21;
	v22 =	vld [tilespmem:s5+$0x20]  }
0xe9: {  	v28 =	vld.idx.msk [tilespmem:v29+s7+$0x2000], $0xffff  }
0xea: {  	s28 =	sor.u32 $0x280, s18;
	[tilespmem:s14+$0xE030] =	vst v17;
	v17 =	vld [tilespmem:s5+$0x60]  }
0xeb: {  	s8 =	sor.u32 s28, s0;
	v25 =	vld.idx.msk [tilespmem:v4+s14+$0x2000], $0xffff;
	[tilespmem:s13+$0xE070] =	vst v23  }
0xec: {  	[tilespmem:s15+$0xE020] =	vst v19;
	v35 =	vld.idx.msk [tilespmem:v32+s8+$0x2000], $0xffff  }
0xed: {  	v38 =	vld.idx.msk [tilespmem:v55+s15+$0x2000], $0xffff  }
0xee: {  	v23 =	vld [tilespmem:s5+$0x30];
	[tilespmem:s7+$0xE000] =	vst v28  }
0xef: {  	[tilespmem:s10+$0xE010] =	vst v36;
	v37 =	vld.idx.msk [tilespmem:v24+s7+$0x2000], $0xffff  }
0xf0: {  	v47 =	vld.idx.msk [tilespmem:v6+s10+$0x2000], $0xffff;
	[tilespmem:s14+$0xE040] =	vst v25  }
0xf1: {  	v28 =	vld.idx.msk [tilespmem:v51+s14+$0x2000], $0xffff;
	[tilespmem:s8+$0xE000] =	vst v35  }
0xf2: {  	s23 =	simm.s32 $0x1000;
	[tilespmem:s15+$0xE030] =	vst v38;
	v35 =	vld.idx.msk [tilespmem:v31+s8+$0x2000], $0xffff  }
0xf3: {  	s12 =	sor.u32 s18, s23;
	v38 =	vld.idx.msk [tilespmem:v3+s15+$0x2000], $0xffff  }
0xf4: {  	v39 =	vld.idx.msk [tilespmem:v49+s12+$0x2000], $0xffff;
	[tilespmem:s7+$0xE010] =	vst v37  }
0xf5: {  	v37 =	vld.idx.msk [tilespmem:v22+s7+$0x2000], $0xffff  }
0xf6: {  	[tilespmem:s14+$0xE050] =	vst v28;
	v28 =	vmov v12;
	v12 =	vld [tilespmem:s9+$0x30]  }
0xf7: {  	v40 =	vld.idx.msk [tilespmem:v52+s14+$0x2000], $0xffff;
	[tilespmem:s8+$0xE010] =	vst v35  }
0xf8: {  	[tilespmem:s15+$0xE040] =	vst v38;
	v48 =	vld.idx.msk [tilespmem:v33+s8+$0x2000], $0xffff  }
0xf9: {  	[tilespmem:s12+$0xE000] =	vst v39;
	v38 =	vld.idx.msk [tilespmem:v42+s15+$0x2000], $0xffff  }
0xfa: {  	v39 =	vld.idx.msk [tilespmem:v50+s12+$0x2000], $0xffff;
	[tilespmem:s7+$0xE020] =	vst v37  }
0xfb: {  	[tilespmem:s10+$0xE020] =	vst v47;
	v37 =	vld.idx.msk [tilespmem:v23+s7+$0x2000], $0xffff  }
0xfc: {  	v35 =	vld.idx.msk [tilespmem:v0+s10+$0x2000], $0xffff;
	[tilespmem:s14+$0xE060] =	vst v40  }
0xfd: {  	v40 =	vld.idx.msk [tilespmem:v1+s14+$0x2000], $0xffff;
	[tilespmem:s8+$0xE020] =	vst v48  }
0xfe: {  	[tilespmem:s15+$0xE050] =	vst v38;
	v36 =	vld.idx.msk [tilespmem:v54+s8+$0x2000], $0xffff  }
0xff: {  	[tilespmem:s12+$0xE010] =	vst v39  }
0x100: {  	v39 =	vld.idx.msk [tilespmem:v5+s12+$0x2000], $0xffff;
	[tilespmem:s7+$0xE030] =	vst v37  }
0x101: {  	[tilespmem:s10+$0xE030] =	vst v35;
	v37 =	vld.idx.msk [tilespmem:v18+s7+$0x2000], $0xffff  }
0x102: {  	s13 =	sor.u32 s25, s11;
	v38 =	vld.idx.msk [tilespmem:v11+s15+$0x2000], $0xffff;
	[tilespmem:s14+$0xE070] =	vst v40  }
0x103: {  	v40 =	vld.idx.msk [tilespmem:v58+s13+$0x2000], $0xffff;
	[tilespmem:s8+$0xE030] =	vst v36  }
0x104: {  	v35 =	vld.idx.msk [tilespmem:v8+s10+$0x2000], $0xffff;
	[tilespmem:$0x1FF90] =	vst v44  }
0x105: {  	v36 =	vld.idx.msk [tilespmem:v44+s8+$0x2000], $0xffff;
	[tilespmem:s12+$0xE020] =	vst v39  }
0x106: {  	[tilespmem:s7+$0xE040] =	vst v37  }
0x107: {  	[tilespmem:s15+$0xE060] =	vst v38;
	v37 =	vld.idx.msk [tilespmem:v28+s7+$0x2000], $0xffff  }
0x108: {  	[tilespmem:s13+$0xE000] =	vst v40;
	v39 =	vld.idx.msk [tilespmem:v12+s12+$0x2000], $0xffff  }
0x109: {  	[tilespmem:s10+$0xE040] =	vst v35;
	v38 =	vld.idx.msk [tilespmem:v10+s15+$0x2000], $0xffff  }
0x10a: {  	v40 =	vld.idx.msk [tilespmem:v57+s13+$0x2000], $0xffff;
	[tilespmem:s8+$0xE040] =	vst v36  }
0x10b: {  	v35 =	vld.idx.msk [tilespmem:v53+s10+$0x2000], $0xffff;
	[tilespmem:$0x1FFB0] =	vst v16  }
0x10c: {  	v36 =	vld.idx.msk [tilespmem:v16+s8+$0x2000], $0xffff;
	[tilespmem:s7+$0xE050] =	vst v37  }
0x10d: {  	[tilespmem:s12+$0xE030] =	vst v39  }
0x10e: {  	[tilespmem:s15+$0xE070] =	vst v38;
	v37 =	vld.idx.msk [tilespmem:v17+s7+$0x2000], $0xffff  }
0x10f: {  	s14 =	sor.u32 s28, s1;
	[tilespmem:s13+$0xE010] =	vst v40;
	v39 =	vld.idx.msk [tilespmem:v27+s12+$0x2000], $0xffff  }
0x110: {  	[tilespmem:s10+$0xE050] =	vst v35;
	v38 =	vld.idx.msk [tilespmem:v34+s14+$0x2000], $0xffff  }
0x111: {  	v40 =	vld.idx.msk [tilespmem:v13+s13+$0x2000], $0xffff;
	[tilespmem:s8+$0xE050] =	vst v36  }
0x112: {  	v35 =	vld.idx.msk [tilespmem:v46+s10+$0x2000], $0xffff;
	[tilespmem:$0x1FFE0] =	vst v30  }
0x113: {  	v36 =	vld.idx.msk [tilespmem:v30+s8+$0x2000], $0xffff;
	[tilespmem:s7+$0xE060] =	vst v37  }
0x114: {  	[tilespmem:s12+$0xE040] =	vst v39;
	v37 =	vld.idx.msk [tilespmem:v14+s7+$0x2000], $0xffff  }
0x115: {  	[tilespmem:s14+$0xE000] =	vst v38;
	v39 =	vld.idx.msk [tilespmem:v21+s12+$0x2000], $0xffff  }
0x116: {  	[tilespmem:s13+$0xE020] =	vst v40;
	v38 =	vld.idx.msk [tilespmem:v41+s14+$0x2000], $0xffff  }
0x117: {  	[tilespmem:s10+$0xE060] =	vst v35;
	v40 =	vld.idx.msk [tilespmem:v2+s13+$0x2000], $0xffff  }
0x118: {  	v35 =	vld.idx.msk [tilespmem:v26+s10+$0x2000], $0xffff;
	[tilespmem:s8+$0xE060] =	vst v36  }
0x119: {  	s15 =	sor.u32 s22, s21;
	v36 =	vld.idx.msk [tilespmem:v15+s8+$0x2000], $0xffff;
	[tilespmem:s7+$0xE070] =	vst v37  }
0x11a: {  	[tilespmem:s12+$0xE050] =	vst v39;
	v37 =	vld.idx.msk [tilespmem:v29+s15+$0x2000], $0xffff  }
0x11b: {  	[tilespmem:s14+$0xE010] =	vst v38;
	v39 =	vld.idx.msk [tilespmem:v20+s12+$0x2000], $0xffff  }
0x11c: {  	[tilespmem:s13+$0xE030] =	vst v40;
	v38 =	vld.idx.msk [tilespmem:v56+s14+$0x2000], $0xffff  }
0x11d: {  	s29 =	sor.u32 $0x300, s18;
	[tilespmem:s10+$0xE070] =	vst v35;
	s10 =	sor.u32 s25, s19;
	v40 =	vld.idx.msk [tilespmem:v4+s13+$0x2000], $0xffff  }
0x11e: {  	s4 =	sor.u32 s29, s0;
	v35 =	vld.idx.msk [tilespmem:v9+s10+$0x2000], $0xffff;
	[tilespmem:s8+$0xE070] =	vst v36  }
0x11f: {  	v36 =	vld.idx.msk [tilespmem:v32+s4+$0x2000], $0xffff;
	[tilespmem:s15+$0xE000] =	vst v37  }
0x120: {  	[tilespmem:s12+$0xE060] =	vst v39;
	v37 =	vld.idx.msk [tilespmem:v24+s15+$0x2000], $0xffff  }
0x121: {  	[tilespmem:s14+$0xE020] =	vst v38;
	v39 =	vld.idx.msk [tilespmem:v45+s12+$0x2000], $0xffff  }
0x122: {  	[tilespmem:s13+$0xE040] =	vst v40;
	v38 =	vld.idx.msk [tilespmem:v55+s14+$0x2000], $0xffff  }
0x123: {  	[tilespmem:s10+$0xE000] =	vst v35;
	v40 =	vld.idx.msk [tilespmem:v51+s13+$0x2000], $0xffff  }
0x124: {  	[tilespmem:s4+$0xE000] =	vst v36  }
0x125: {  	v35 =	vld.idx.msk [tilespmem:v7+s10+$0x2000], $0xffff;
	[tilespmem:s15+$0xE010] =	vst v37  }
0x126: {  	v36 =	vld.idx.msk [tilespmem:v31+s4+$0x2000], $0xffff;
	[tilespmem:s12+$0xE070] =	vst v39  }
0x127: {  	s8 =	sor.u32 s22, s23;
	[tilespmem:s14+$0xE030] =	vst v38;
	v37 =	vld.idx.msk [tilespmem:v22+s15+$0x2000], $0xffff  }
0x128: {  	[tilespmem:s13+$0xE050] =	vst v40;
	v39 =	vld.idx.msk [tilespmem:v49+s8+$0x2000], $0xffff  }
0x129: {  	v38 =	vld.idx.msk [tilespmem:v3+s14+$0x2000], $0xffff;
	[tilespmem:$0x1FFA0] =	vst v3  }
0x12a: {  	v40 =	vld.idx.msk [tilespmem:v52+s13+$0x2000], $0xffff;
	[tilespmem:s10+$0xE010] =	vst v35  }
0x12b: {  	[tilespmem:s4+$0xE010] =	vst v36  }
0x12c: {  	v35 =	vld.idx.msk [tilespmem:v6+s10+$0x2000], $0xffff;
	[tilespmem:s15+$0xE020] =	vst v37  }
0x12d: {  	v36 =	vld.idx.msk [tilespmem:v33+s4+$0x2000], $0xffff;
	[tilespmem:s8+$0xE000] =	vst v39  }
0x12e: {  	[tilespmem:s14+$0xE040] =	vst v38;
	v37 =	vld.idx.msk [tilespmem:v23+s15+$0x2000], $0xffff  }
0x12f: {  	v39 =	vld.idx.msk [tilespmem:v50+s8+$0x2000], $0xffff;
	[tilespmem:s13+$0xE060] =	vst v40  }
0x130: {  	v38 =	vld.idx.msk [tilespmem:v42+s14+$0x2000], $0xffff;
	[tilespmem:$0x1FFC0] =	vst v42  }
0x131: {  	v40 =	vld.idx.msk [tilespmem:v1+s13+$0x2000], $0xffff;
	[tilespmem:s10+$0xE020] =	vst v35  }
0x132: {  	[tilespmem:s4+$0xE020] =	vst v36  }
0x133: {  	v35 =	vld.idx.msk [tilespmem:v0+s10+$0x2000], $0xffff;
	[tilespmem:s15+$0xE030] =	vst v37  }
0x134: {  	v36 =	vld.idx.msk [tilespmem:v54+s4+$0x2000], $0xffff;
	[tilespmem:s8+$0xE010] =	vst v39  }
0x135: {  	[tilespmem:s14+$0xE050] =	vst v38;
	v37 =	vld.idx.msk [tilespmem:v18+s15+$0x2000], $0xffff  }
0x136: {  	v39 =	vld.idx.msk [tilespmem:v5+s8+$0x2000], $0xffff;
	[tilespmem:s13+$0xE070] =	vst v40  }
0x137: {  	s2 =	sor.u32 s26, s11;
	v38 =	vld.idx.msk [tilespmem:v11+s14+$0x2000], $0xffff;
	[tilespmem:$0x1FFD0] =	vst v11  }
0x138: {  	v40 =	vld.idx.msk [tilespmem:v58+s2+$0x2000], $0xffff;
	[tilespmem:s10+$0xE030] =	vst v35  }
0x139: {  	[tilespmem:s4+$0xE030] =	vst v36  }
0x13a: {  	v35 =	vld.idx.msk [tilespmem:v8+s10+$0x2000], $0xffff;
	[tilespmem:s15+$0xE040] =	vst v37  }
0x13b: {  	v36 =	vld.idx.msk [tilespmem:v44+s4+$0x2000], $0xffff;
	[tilespmem:s8+$0xE020] =	vst v39  }
0x13c: {  	[tilespmem:s14+$0xE060] =	vst v38;
	v37 =	vld.idx.msk [tilespmem:v28+s15+$0x2000], $0xffff  }
0x13d: {  	v39 =	vld.idx.msk [tilespmem:v12+s8+$0x2000], $0xffff;
	[tilespmem:s2+$0xE000] =	vst v40  }
0x13e: {  	v38 =	vld.idx.msk [tilespmem:v10+s14+$0x2000], $0xffff;
	[tilespmem:$0x1FFF0] =	vst v10  }
0x13f: {  	v40 =	vld.idx.msk [tilespmem:v57+s2+$0x2000], $0xffff;
	[tilespmem:s10+$0xE040] =	vst v35  }
0x140: {  	[tilespmem:s4+$0xE040] =	vst v36;
	v35 =	vld.idx.msk [tilespmem:v53+s10+$0x2000], $0xffff  }
0x141: {  	v36 =	vld.idx.msk [tilespmem:v16+s4+$0x2000], $0xffff;
	[tilespmem:s15+$0xE050] =	vst v37  }
0x142: {  	[tilespmem:s8+$0xE030] =	vst v39;
	v37 =	vld.idx.msk [tilespmem:v17+s15+$0x2000], $0xffff  }
0x143: {  	s12 =	sor.u32 s29, s1;
	[tilespmem:s14+$0xE070] =	vst v38;
	v39 =	vld.idx.msk [tilespmem:v27+s8+$0x2000], $0xffff  }
0x144: {  	v38 =	vld.idx.msk [tilespmem:v34+s12+$0x2000], $0xffff;
	[tilespmem:s2+$0xE010] =	vst v40  }
0x145: {  	v40 =	vld.idx.msk [tilespmem:v13+s2+$0x2000], $0xffff;
	[tilespmem:s10+$0xE050] =	vst v35  }
0x146: {  	[tilespmem:s4+$0xE050] =	vst v36;
	v35 =	vld.idx.msk [tilespmem:v46+s10+$0x2000], $0xffff  }
0x147: {  	v36 =	vld.idx.msk [tilespmem:v30+s4+$0x2000], $0xffff;
	[tilespmem:s15+$0xE060] =	vst v37  }
0x148: {  	[tilespmem:s8+$0xE040] =	vst v39;
	v37 =	vld.idx.msk [tilespmem:v14+s15+$0x2000], $0xffff  }
0x149: {  	[tilespmem:s12+$0xE000] =	vst v38;
	v39 =	vld.idx.msk [tilespmem:v21+s8+$0x2000], $0xffff  }
0x14a: {  	v38 =	vld.idx.msk [tilespmem:v41+s12+$0x2000], $0xffff;
	[tilespmem:s2+$0xE020] =	vst v40  }
0x14b: {  	v40 =	vld.idx.msk [tilespmem:v2+s2+$0x2000], $0xffff;
	[tilespmem:s10+$0xE060] =	vst v35  }
0x14c: {  	s31 =	sor.u32 $0x380, s18;
	s13 =	simm.s32 $0x6;
	[tilespmem:s4+$0xE060] =	vst v36;
	v35 =	vld.idx.msk [tilespmem:v26+s10+$0x2000], $0xffff  }
0x14d: {  	s30 =	sor.u32 s31, s0;
	s5 =	sor.u32 s24, s21;
	s0 =	sor.u32 $0x1, s13;
	v36 =	vld.idx.msk [tilespmem:v15+s4+$0x2000], $0xffff;
	[tilespmem:s15+$0xE070] =	vst v37  }
0x14e: {  	[tilespmem:s8+$0xE050] =	vst v39;
	s15 =	sadd.s32 s20, s0;
	v37 =	vld.idx.msk [tilespmem:v29+s5+$0x2000], $0xffff  }
0x14f: {  	[tilespmem:s12+$0xE010] =	vst v38;
	v39 =	vld.idx.msk [tilespmem:v20+s8+$0x2000], $0xffff;
	s9 =	sshll.u32 s15, $0x7  }
0x150: {  	v38 =	vld.idx.msk [tilespmem:v56+s12+$0x2000], $0xffff;
	s7 =	sand.u32 $0x3FFFFF80, s9  }
0x151: {  	v19 =	vmov v10;
	v10 =	vld [tilespmem:s7+$0x40];
	[tilespmem:s2+$0xE030] =	vst v40  }
0x152: {  	s3 =	sor.u32 s26, s19;
	[tilespmem:s10+$0xE070] =	vst v35;
	v59 =	vld.idx.msk [tilespmem:v4+s2+$0x2000], $0xffff  }
0x153: {  	[tilespmem:s4+$0xE070] =	vst v36;
	v60 =	vld.idx.msk [tilespmem:v9+s3+$0x2000], $0xffff  }
0x154: {  	v32 =	vld.idx.msk [tilespmem:v32+s30+$0x2000], $0xffff;
	[tilespmem:s5+$0xE000] =	vst v37  }
0x155: {  	[tilespmem:s8+$0xE060] =	vst v39;
	v37 =	vld.idx.msk [tilespmem:v24+s5+$0x2000], $0xffff  }
0x156: {  	[tilespmem:s12+$0xE020] =	vst v38;
	v39 =	vld.idx.msk [tilespmem:v45+s8+$0x2000], $0xffff  }
0x157: {  	v61 =	vld.idx.msk [tilespmem:v55+s12+$0x2000], $0xffff;
	[tilespmem:s2+$0xE040] =	vst v59  }
0x158: {  	[tilespmem:s3+$0xE000] =	vst v60;
	v62 =	vld.idx.msk [tilespmem:v51+s2+$0x2000], $0xffff  }
0x159: {  	[tilespmem:s30+$0xE000] =	vst v32;
	v32 =	vld [tilespmem:s7+$0x10]  }
0x15a: {  	v44 =	vld.idx.msk [tilespmem:v7+s3+$0x2000], $0xffff  }
0x15b: {  	v63 =	vld.idx.msk [tilespmem:v31+s30+$0x2000], $0xffff  }
0x15c: {  	v31 =	vld [tilespmem:s7+$0x50]  }
0x15d: {  	[tilespmem:s5+$0xE010] =	vst v37;
	v37 =	vld [tilespmem:s7+$0x30]  }
0x15e: {  	s14 =	sadd.s32 $0x6, s20;
	v40 =	vmov v45;
	s4 =	sor.u32 s24, s23;
	[tilespmem:s8+$0xE070] =	vst v39;
	v45 =	vld.idx.msk [tilespmem:v22+s5+$0x2000], $0xffff  }
0x15f: {  	s6 =	sshll.u32 s14, $0x7;
	[tilespmem:s12+$0xE030] =	vst v61;
	v59 =	vld.idx.msk [tilespmem:v49+s4+$0x2000], $0xffff  }
0x160: {  	s8 =	sand.u32 $0x3FFFFF80, s6;
	v35 =	vld.idx.msk [tilespmem:v3+s12+$0x2000], $0xffff  }
0x161: {  	v16 =	vld [tilespmem:s8+$0x10]  }
0x162: {  	v30 =	vld [tilespmem:s8+$0x70]  }
0x163: {  	v25 =	vld [tilespmem:s8+$0x20]  }
0x164: {  	v39 =	vld [tilespmem:s8+$0x40];
	[tilespmem:s2+$0xE050] =	vst v62  }
0x165: {  	v36 =	vld.idx.msk [tilespmem:v52+s2+$0x2000], $0xffff;
	[tilespmem:s30+$0xE010] =	vst v63  }
0x166: {  	[tilespmem:s12+$0xE040] =	vst v35;
	v60 =	vld.idx.msk [tilespmem:v33+s30+$0x2000], $0xffff  }
0x167: {  	v47 =	vld.idx.msk [tilespmem:v42+s12+$0x2000], $0xffff  }
0x168: {  	[tilespmem:s5+$0xE020] =	vst v45;
	v42 =	vld [tilespmem:s7+$0x0]  }
0x169: {  	v43 =	vld.idx.msk [tilespmem:v23+s5+$0x2000], $0xffff  }
0x16a: {  	v35 =	vld [tilespmem:s7+$0x70];
	[tilespmem:s2+$0xE060] =	vst v36  }
0x16b: {  	v33 =	vld.idx.msk [tilespmem:v1+s2+$0x2000], $0xffff  }
0x16c: {  	v45 =	vld [tilespmem:s8+$0x0];
	[tilespmem:s12+$0xE050] =	vst v47  }
0x16d: {  	v48 =	vld.idx.msk [tilespmem:v11+s12+$0x2000], $0xffff  }
0x16e: {  	s0 =	sshll.u32 s0, $0xA;
	[tilespmem:s5+$0xE030] =	vst v43;
	v11 =	vld [tilespmem:s7+$0x20]  }
0x16f: {  	s13 =	sor.u32 s18, s0;
	v61 =	vld.idx.msk [tilespmem:v18+s5+$0x2000], $0xffff  }
0x170: {  	s14 =	sor.u32 s28, s11;
	v62 =	vld.idx.msk [tilespmem:v42+s13+$0x2000], $0xffff;
	[tilespmem:s2+$0xE070] =	vst v33  }
0x171: {  	v63 =	vld.idx.msk [tilespmem:v58+s14+$0x2000], $0xffff  }
0x172: {  	v33 =	vmov v10;
	v10 =	vld [tilespmem:s7+$0x60];
	[tilespmem:s12+$0xE060] =	vst v48  }
0x173: {  	[tilespmem:s4+$0xE000] =	vst v59;
	v36 =	vld.idx.msk [tilespmem:v19+s12+$0x2000], $0xffff  }
0x174: {  	v48 =	vld.idx.msk [tilespmem:v50+s4+$0x2000], $0xffff;
	[tilespmem:s5+$0xE040] =	vst v61  }
0x175: {  	v61 =	vld.idx.msk [tilespmem:v28+s5+$0x2000], $0xffff;
	[tilespmem:s13+$0xE000] =	vst v62  }
0x176: {  	s2 =	sor.u32 s31, s1;
	s1 =	simm.s32 $0x1800;
	v62 =	vld.idx.msk [tilespmem:v32+s13+$0x2000], $0xffff;
	[tilespmem:s14+$0xE000] =	vst v63  }
0x177: {  	s15 =	sor.u32 s18, s1;
	v63 =	vld.idx.msk [tilespmem:v57+s14+$0x2000], $0xffff  }
0x178: {  	v47 =	vld.idx.msk [tilespmem:v45+s15+$0x2000], $0xffff;
	[tilespmem:s12+$0xE070] =	vst v36  }
0x179: {  	v34 =	vld.idx.msk [tilespmem:v34+s2+$0x2000], $0xffff  }
0x17a: {  	v36 =	vld [tilespmem:s8+$0x50];
	[tilespmem:s5+$0xE050] =	vst v61  }
0x17b: {  	v61 =	vld.idx.msk [tilespmem:v17+s5+$0x2000], $0xffff;
	[tilespmem:s13+$0xE010] =	vst v62  }
0x17c: {  	v62 =	vld.idx.msk [tilespmem:v11+s13+$0x2000], $0xffff;
	[tilespmem:s14+$0xE010] =	vst v63  }
0x17d: {  	[tilespmem:s4+$0xE010] =	vst v48;
	v48 =	vld.idx.msk [tilespmem:v13+s14+$0x2000], $0xffff  }
0x17e: {  	[tilespmem:s2+$0xE000] =	vst v34;
	v34 =	vld [tilespmem:s8+$0x60]  }
0x17f: {  	v59 =	vld.idx.msk [tilespmem:v41+s2+$0x2000], $0xffff  }
0x180: {  	[tilespmem:s3+$0xE010] =	vst v44;
	v41 =	vld [tilespmem:s8+$0x30]  }
0x181: {  	[tilespmem:s15+$0xE000] =	vst v47;
	v47 =	vld.idx.msk [tilespmem:v5+s4+$0x2000], $0xffff  }
0x182: {  	[tilespmem:s30+$0xE020] =	vst v60;
	v43 =	vld.idx.msk [tilespmem:v16+s15+$0x2000], $0xffff  }
0x183: {  	v38 =	vld.idx.msk [tilespmem:v6+s3+$0x2000], $0xffff;
	[tilespmem:s5+$0xE060] =	vst v61  }
0x184: {  	[tilespmem:s13+$0xE020] =	vst v62;
	v62 =	vld.idx.msk [tilespmem:v14+s5+$0x2000], $0xffff  }
0x185: {  	[tilespmem:s14+$0xE020] =	vst v48;
	v48 =	vld.idx.msk [tilespmem:v37+s13+$0x2000], $0xffff  }
0x186: {  	[tilespmem:s4+$0xE020] =	vst v47;
	v47 =	vld.idx.msk [tilespmem:v2+s14+$0x2000], $0xffff  }
0x187: {  	[tilespmem:s15+$0xE010] =	vst v43;
	v43 =	vld.idx.msk [tilespmem:v12+s4+$0x2000], $0xffff  }
0x188: {  	[tilespmem:s3+$0xE020] =	vst v38;
	v38 =	vld.idx.msk [tilespmem:v25+s15+$0x2000], $0xffff  }
0x189: {  	[tilespmem:s5+$0xE070] =	vst v62;
	s5 =	sor.u32 s25, s21;
	v62 =	vld.idx.msk [tilespmem:v0+s3+$0x2000], $0xffff  }
0x18a: {  	[tilespmem:s13+$0xE030] =	vst v48;
	v48 =	vld.idx.msk [tilespmem:v29+s5+$0x2000], $0xffff  }
0x18b: {  	[tilespmem:s14+$0xE030] =	vst v47;
	v47 =	vld.idx.msk [tilespmem:v33+s13+$0x2000], $0xffff  }
0x18c: {  	[tilespmem:s4+$0xE030] =	vst v43;
	v43 =	vld.idx.msk [tilespmem:v4+s14+$0x2000], $0xffff  }
0x18d: {  	[tilespmem:s15+$0xE020] =	vst v38;
	v38 =	vld.idx.msk [tilespmem:v27+s4+$0x2000], $0xffff  }
0x18e: {  	[tilespmem:s3+$0xE030] =	vst v62;
	v62 =	vld.idx.msk [tilespmem:v41+s15+$0x2000], $0xffff  }
0x18f: {  	[tilespmem:s5+$0xE000] =	vst v48;
	v48 =	vld.idx.msk [tilespmem:v8+s3+$0x2000], $0xffff  }
0x190: {  	[tilespmem:s13+$0xE040] =	vst v47;
	v47 =	vld.idx.msk [tilespmem:v24+s5+$0x2000], $0xffff  }
0x191: {  	[tilespmem:s14+$0xE040] =	vst v43;
	v43 =	vld.idx.msk [tilespmem:v31+s13+$0x2000], $0xffff  }
0x192: {  	[tilespmem:s4+$0xE040] =	vst v38;
	v38 =	vld.idx.msk [tilespmem:v51+s14+$0x2000], $0xffff  }
0x193: {  	[tilespmem:s15+$0xE030] =	vst v62;
	v62 =	vld.idx.msk [tilespmem:v21+s4+$0x2000], $0xffff  }
0x194: {  	[tilespmem:s3+$0xE040] =	vst v48;
	v48 =	vld.idx.msk [tilespmem:v39+s15+$0x2000], $0xffff  }
0x195: {  	[tilespmem:s5+$0xE010] =	vst v47;
	v47 =	vld.idx.msk [tilespmem:v53+s3+$0x2000], $0xffff  }
0x196: {  	[tilespmem:s13+$0xE050] =	vst v43;
	v43 =	vld.idx.msk [tilespmem:v22+s5+$0x2000], $0xffff  }
0x197: {  	[tilespmem:s14+$0xE050] =	vst v38;
	v38 =	vld.idx.msk [tilespmem:v10+s13+$0x2000], $0xffff  }
0x198: {  	[tilespmem:s4+$0xE050] =	vst v62;
	v62 =	vld.idx.msk [tilespmem:v52+s14+$0x2000], $0xffff  }
0x199: {  	[tilespmem:s15+$0xE040] =	vst v48;
	v48 =	vld.idx.msk [tilespmem:v20+s4+$0x2000], $0xffff  }
0x19a: {  	[tilespmem:s3+$0xE050] =	vst v47;
	v47 =	vld.idx.msk [tilespmem:v36+s15+$0x2000], $0xffff  }
0x19b: {  	[tilespmem:s5+$0xE020] =	vst v43;
	v60 =	vld.idx.msk [tilespmem:v46+s3+$0x2000], $0xffff  }
0x19c: {  	[tilespmem:s13+$0xE060] =	vst v38;
	v38 =	vld.idx.msk [tilespmem:v23+s5+$0x2000], $0xffff  }
0x19d: {  	[tilespmem:s14+$0xE060] =	vst v62;
	v62 =	vld.idx.msk [tilespmem:v35+s13+$0x2000], $0xffff  }
0x19e: {  	[tilespmem:s4+$0xE060] =	vst v48;
	v48 =	vld.idx.msk [tilespmem:v1+s14+$0x2000], $0xffff  }
0x19f: {  	[tilespmem:s15+$0xE050] =	vst v47;
	v47 =	vld.idx.msk [tilespmem:v40+s4+$0x2000], $0xffff  }
0x1a0: {  	[tilespmem:s3+$0xE060] =	vst v60;
	v60 =	vld.idx.msk [tilespmem:v34+s15+$0x2000], $0xffff  }
0x1a1: {  	[tilespmem:s5+$0xE030] =	vst v38;
	v61 =	vld.idx.msk [tilespmem:v26+s3+$0x2000], $0xffff  }
0x1a2: {  	s8 =	sor.u32 s22, s0;
	[tilespmem:s13+$0xE070] =	vst v62;
	v62 =	vld.idx.msk [tilespmem:v18+s5+$0x2000], $0xffff  }
0x1a3: {  	s13 =	sor.u32 s29, s11;
	[tilespmem:s14+$0xE070] =	vst v48;
	v48 =	vld.idx.msk [tilespmem:v42+s8+$0x2000], $0xffff  }
0x1a4: {  	v3 =	vmov v40;
	s14 =	sor.u32 s25, s23;
	[tilespmem:s4+$0xE070] =	vst v47;
	v40 =	vld.idx.msk [tilespmem:v58+s13+$0x2000], $0xffff  }
0x1a5: {  	[tilespmem:s15+$0xE060] =	vst v60;
	v60 =	vld.idx.msk [tilespmem:v49+s14+$0x2000], $0xffff  }
0x1a6: {  	s12 =	sor.u32 s28, s19;
	[tilespmem:s3+$0xE070] =	vst v61;
	v61 =	vld.idx.msk [tilespmem:v30+s15+$0x2000], $0xffff  }
0x1a7: {  	[tilespmem:s5+$0xE040] =	vst v62;
	v62 =	vld.idx.msk [tilespmem:v9+s12+$0x2000], $0xffff  }
0x1a8: {  	[tilespmem:s8+$0xE000] =	vst v48;
	v48 =	vld.idx.msk [tilespmem:v28+s5+$0x2000], $0xffff  }
0x1a9: {  	[tilespmem:s13+$0xE000] =	vst v40  }
0x1aa: {  	[tilespmem:s14+$0xE000] =	vst v60  }
0x1ab: {  	v40 =	vld.idx.msk [tilespmem:v32+s8+$0x2000], $0xffff;
	[tilespmem:s15+$0xE070] =	vst v61  }
0x1ac: {  	v60 =	vld.idx.msk [tilespmem:v57+s13+$0x2000], $0xffff;
	[tilespmem:s12+$0xE000] =	vst v62  }
0x1ad: {  	s15 =	sor.u32 s22, s1;
	v61 =	vld.idx.msk [tilespmem:v50+s14+$0x2000], $0xffff;
	[tilespmem:s5+$0xE050] =	vst v48  }
0x1ae: {  	v62 =	vld.idx.msk [tilespmem:v45+s15+$0x2000], $0xffff;
	[tilespmem:$0x1FF70] =	vst v7  }
0x1af: {  	v48 =	vld.idx.msk [tilespmem:v7+s12+$0x2000], $0xffff  }
0x1b0: {  	[tilespmem:s8+$0xE010] =	vst v40;
	v40 =	vld.idx.msk [tilespmem:v17+s5+$0x2000], $0xffff  }
0x1b1: {  	[tilespmem:s13+$0xE010] =	vst v60;
	v60 =	vld.idx.msk [tilespmem:v11+s8+$0x2000], $0xffff  }
0x1b2: {  	[tilespmem:s14+$0xE010] =	vst v61;
	v61 =	vld.idx.msk [tilespmem:v13+s13+$0x2000], $0xffff  }
0x1b3: {  	[tilespmem:s15+$0xE000] =	vst v62;
	v62 =	vld.idx.msk [tilespmem:v5+s14+$0x2000], $0xffff  }
0x1b4: {  	[tilespmem:s12+$0xE010] =	vst v48  }
0x1b5: {  	[tilespmem:s5+$0xE060] =	vst v40  }
0x1b6: {  	v48 =	vld.idx.msk [tilespmem:v16+s15+$0x2000], $0xffff;
	[tilespmem:s8+$0xE020] =	vst v60  }
0x1b7: {  	v40 =	vld.idx.msk [tilespmem:v6+s12+$0x2000], $0xffff;
	[tilespmem:s13+$0xE020] =	vst v61  }
0x1b8: {  	v38 =	vmov v26;
	v60 =	vld.idx.msk [tilespmem:v14+s5+$0x2000], $0xffff;
	[tilespmem:s14+$0xE020] =	vst v62  }
0x1b9: {  	v26 =	vmov v5;
	v5 =	vmov v6;
	v6 =	vmov v38;
	v38 =	vld.idx.msk [tilespmem:v37+s8+$0x2000], $0xffff;
	[tilespmem:$0x1FF80] =	vst v2  }
0x1ba: {  	v62 =	vld.idx.msk [tilespmem:v2+s13+$0x2000], $0xffff;
	[tilespmem:s2+$0xE010] =	vst v59  }
0x1bb: {  	v54 =	vld.idx.msk [tilespmem:v54+s30+$0x2000], $0xffff;
	[tilespmem:s15+$0xE010] =	vst v48  }
0x1bc: {  	v48 =	vld.idx.msk [tilespmem:v12+s14+$0x2000], $0xffff;
	[tilespmem:s12+$0xE020] =	vst v40  }
0x1bd: {  	v56 =	vld.idx.msk [tilespmem:v56+s2+$0x2000], $0xffff;
	[tilespmem:s5+$0xE070] =	vst v60  }
0x1be: {  	v47 =	vld.idx.msk [tilespmem:v25+s15+$0x2000], $0xffff;
	[tilespmem:s8+$0xE030] =	vst v38  }
0x1bf: {  	s9 =	sor.u32 s26, s21;
	v60 =	vld.idx.msk [tilespmem:v0+s12+$0x2000], $0xffff;
	[tilespmem:s13+$0xE030] =	vst v62  }
0x1c0: {  	v61 =	vld.idx.msk [tilespmem:v29+s9+$0x2000], $0xffff;
	[tilespmem:s30+$0xE030] =	vst v54  }
0x1c1: {  	v38 =	vld.idx.msk [tilespmem:v33+s8+$0x2000], $0xffff;
	[tilespmem:s14+$0xE030] =	vst v48  }
0x1c2: {  	v63 =	vmov v16;
	v16 =	vmov v12;
	v12 =	vmov v0;
	v0 =	vld.idx.msk [tilespmem:v4+s13+$0x2000], $0xffff;
	[tilespmem:s2+$0xE020] =	vst v56  }
0x1c3: {  	[tilespmem:s15+$0xE020] =	vst v47;
	v47 =	vld.idx.msk [tilespmem:v27+s14+$0x2000], $0xffff  }
0x1c4: {  	v48 =	vmov v41;
	[tilespmem:s12+$0xE030] =	vst v60;
	v41 =	vld.idx.msk [tilespmem:v41+s15+$0x2000], $0xffff  }
0x1c5: {  	[tilespmem:s9+$0xE000] =	vst v61;
	v61 =	vld.idx.msk [tilespmem:v8+s12+$0x2000], $0xffff  }
0x1c6: {  	[tilespmem:s8+$0xE040] =	vst v38;
	v59 =	vld.idx.msk [tilespmem:v24+s9+$0x2000], $0xffff  }
0x1c7: {  	v38 =	vld.idx.msk [tilespmem:v31+s8+$0x2000], $0xffff;
	[tilespmem:s13+$0xE040] =	vst v0  }
0x1c8: {  	v0 =	vld.idx.msk [tilespmem:v55+s2+$0x2000], $0xffff;
	[tilespmem:s14+$0xE040] =	vst v47  }
0x1c9: {  	v47 =	vld.idx.msk [tilespmem:v51+s13+$0x2000], $0xffff;
	[tilespmem:s15+$0xE030] =	vst v41  }
0x1ca: {  	v41 =	vld.idx.msk [tilespmem:v21+s14+$0x2000], $0xffff;
	[tilespmem:s12+$0xE040] =	vst v61  }
0x1cb: {  	v62 =	vmov v51;
	[tilespmem:s9+$0xE010] =	vst v59;
	v51 =	vld.idx.msk [tilespmem:v39+s15+$0x2000], $0xffff  }
0x1cc: {  	[tilespmem:s8+$0xE050] =	vst v38  }
0x1cd: {  	[tilespmem:s2+$0xE030] =	vst v0  }
0x1ce: {  	[tilespmem:s13+$0xE050] =	vst v47  }
0x1cf: {  	v61 =	vmov v22;
	[tilespmem:s14+$0xE050] =	vst v41  }
0x1d0: {  	[tilespmem:s15+$0xE040] =	vst v51  }
0x1d1: {  	v2 =	vld [tilespmem:$0x1FF90];
	_ =	sdelay $0x2  }
0x1d2: {  	v38 =	vld.idx.msk [tilespmem:v61+s9+$0x2000], $0xffff;
	_ =	sdelay $0x4  }
0x1d3: {  	[tilespmem:s9+$0xE020] =	vst v38;
	v41 =	vld.idx.msk [tilespmem:v2+s30+$0x2000], $0xffff  }
0x1d4: {  	v2 =	vld [tilespmem:$0x1FFA0];
	_ =	sdelay $0x2  }
0x1d5: {  	v0 =	vld.idx.msk [tilespmem:v10+s8+$0x2000], $0xffff  }
0x1d6: {  	v47 =	vld.idx.msk [tilespmem:v53+s12+$0x2000], $0xffff  }
0x1d7: {  	v60 =	vld.idx.msk [tilespmem:v52+s13+$0x2000], $0xffff  }
0x1d8: {  	v54 =	vld.idx.msk [tilespmem:v20+s14+$0x2000], $0xffff;
	_ =	sdelay $0x1  }
0x1d9: {  	[tilespmem:s8+$0xE060] =	vst v0;
	v38 =	vld.idx.msk [tilespmem:v2+s2+$0x2000], $0xffff  }
0x1da: {  	v0 =	vld.idx.msk [tilespmem:v23+s9+$0x2000], $0xffff;
	[tilespmem:s12+$0xE050] =	vst v47  }
0x1db: {  	[tilespmem:s13+$0xE060] =	vst v60  }
0x1dc: {  	[tilespmem:s14+$0xE060] =	vst v54  }
0x1dd: {  	[tilespmem:s30+$0xE040] =	vst v41  }
0x1de: {  	[tilespmem:s2+$0xE040] =	vst v38  }
0x1df: {  	v2 =	vld [tilespmem:$0x1FFB0];
	[tilespmem:s9+$0xE030] =	vst v0  }
0x1e0: {  	v0 =	vld [tilespmem:$0x1FFC0]  }
0x1e1: {  	v43 =	vmov v46;
	v59 =	vld.idx.msk [tilespmem:v35+s8+$0x2000], $0xffff;
	_ =	sdelay $0x1  }
0x1e2: {  	v60 =	vld.idx.msk [tilespmem:v36+s15+$0x2000], $0xffff  }
0x1e3: {  	v54 =	vld.idx.msk [tilespmem:v1+s13+$0x2000], $0xffff  }
0x1e4: {  	v41 =	vld.idx.msk [tilespmem:v3+s14+$0x2000], $0xffff  }
0x1e5: {  	[tilespmem:s8+$0xE070] =	vst v59;
	v59 =	vld.idx.msk [tilespmem:v43+s12+$0x2000], $0xffff  }
0x1e6: {  	v56 =	vld.idx.msk [tilespmem:v2+s30+$0x2000], $0xffff  }
0x1e7: {  	[tilespmem:s15+$0xE050] =	vst v60;
	v0 =	vld.idx.msk [tilespmem:v0+s2+$0x2000], $0xffff  }
0x1e8: {  	[tilespmem:s13+$0xE070] =	vst v54  }
0x1e9: {  	[tilespmem:s14+$0xE070] =	vst v41  }
0x1ea: {  	[tilespmem:s12+$0xE060] =	vst v59  }
0x1eb: {  	[tilespmem:s30+$0xE050] =	vst v56  }
0x1ec: {  	[tilespmem:s2+$0xE050] =	vst v0  }
0x1ed: {  	v2 =	vld [tilespmem:$0x1FFD0]  }
0x1ee: {  	v22 =	vmov v29;
	v29 =	vmov v49  }
0x1ef: {  	s3 =	sor.u32 s24, s0  }
0x1f0: {  	v60 =	vld.idx.msk [tilespmem:v42+s3+$0x2000], $0xffff  }
0x1f1: {  	v46 =	vmov v11;
	v11 =	vmov v8;
	v8 =	vmov v53;
	v53 =	vld.idx.msk [tilespmem:v34+s15+$0x2000], $0xffff  }
0x1f2: {  	s6 =	sor.u32 s26, s23;
	v51 =	vld.idx.msk [tilespmem:v18+s9+$0x2000], $0xffff  }
0x1f3: {  	s7 =	sor.u32 s31, s11;
	v41 =	vld.idx.msk [tilespmem:v29+s6+$0x2000], $0xffff  }
0x1f4: {  	v0 =	vld.idx.msk [tilespmem:v58+s7+$0x2000], $0xffff  }
0x1f5: {  	v38 =	vmov v43;
	[tilespmem:s3+$0xE000] =	vst v60;
	v43 =	vld.idx.msk [tilespmem:v2+s2+$0x2000], $0xffff  }
0x1f6: {  	v2 =	vld [tilespmem:$0x1FFE0];
	[tilespmem:s15+$0xE060] =	vst v53  }
0x1f7: {  	[tilespmem:s9+$0xE040] =	vst v51  }
0x1f8: {  	[tilespmem:s6+$0xE000] =	vst v41  }
0x1f9: {  	[tilespmem:s7+$0xE000] =	vst v0  }
0x1fa: {  	[tilespmem:s2+$0xE060] =	vst v43  }
0x1fb: {  	v0 =	vld [tilespmem:$0x1FFF0];
	_ =	sdelay $0x1  }
0x1fc: {  	v55 =	vld.idx.msk [tilespmem:v32+s3+$0x2000], $0xffff  }
0x1fd: {  	v60 =	vld.idx.msk [tilespmem:v2+s30+$0x2000], $0xffff  }
0x1fe: {  	v54 =	vld.idx.msk [tilespmem:v30+s15+$0x2000], $0xffff  }
0x1ff: {  	v44 =	vmov v52;
	v52 =	vld.idx.msk [tilespmem:v28+s9+$0x2000], $0xffff  }
0x200: {  	v53 =	vld.idx.msk [tilespmem:v50+s6+$0x2000], $0xffff  }
0x201: {  	v19 =	vmov v9;
	v9 =	vmov v4;
	v40 =	vmov v25;
	v51 =	vld.idx.msk [tilespmem:v57+s7+$0x2000], $0xffff  }
0x202: {  	s4 =	simm.s32 $0x8;
	v25 =	vmovc v50;
	v47 =	vmovc v30;
	v56 =	vmov v3;
	v41 =	vmov v3;
	v43 =	vmov v6;
	[tilespmem:s30+$0xE060] =	vst v60;
	v50 =	vld.idx.msk [tilespmem:v0+s2+$0x2000], $0xffff  }
.LBB2_3:
0x203: {  	[tilespmem:$0x1FF10] =	vst v9  }
0x204: {  	[tilespmem:$0x1FF20] =	vst v62  }
0x205: {  	[tilespmem:$0x1FF40] =	vst v44  }
0x206: {  	v9 =	vld [tilespmem:$0x1FF70];
	[tilespmem:s3+$0xE010] =	vst v55  }
0x207: {  	[tilespmem:$0x1FF30] =	vst v30;
	v44 =	vld.idx.msk [tilespmem:v46+s3+$0x2000], $0xffff  }
0x208: {  	s5 =	sadd.s32 s20, s4;
	[tilespmem:s15+$0xE070] =	vst v54;
	v55 =	vld.idx.msk [tilespmem:v15+s30+$0x2000], $0xffff  }
0x209: {  	s10 =	sor.u32 $0x1, s4;
	s5 =	sshll.u32 s5, $0x7;
	s15 =	sor.u32 s24, s1;
	v62 =	vld.idx.msk [tilespmem:v6+s12+$0x2000], $0xffff;
	[tilespmem:s9+$0xE050] =	vst v52  }
0x20a: {  	s13 =	sadd.s32 s20, s10;
	s14 =	sand.u32 $0x3FFFFF80, s5;
	v57 =	vld.idx.msk [tilespmem:v45+s15+$0x2000], $0xffff;
	[tilespmem:s6+$0xE010] =	vst v53  }
0x20b: {  	s13 =	sshll.u32 s13, $0x7;
	v59 =	vld [tilespmem:s14+$0x10];
	[tilespmem:s7+$0xE010] =	vst v51  }
0x20c: {  	s13 =	sand.u32 $0x3FFFFF80, s13;
	v30 =	vld [tilespmem:s14+$0x70];
	[tilespmem:s2+$0xE070] =	vst v50  }
0x20d: {  	v54 =	vld [tilespmem:s13+$0x40];
	[tilespmem:s30+$0xE070] =	vst v55  }
0x20e: {  	s2 =	sor.u32 s29, s19;
	[tilespmem:s12+$0xE070] =	vst v62;
	v60 =	vld.idx.msk [tilespmem:v17+s9+$0x2000], $0xffff  }
0x20f: {  	v62 =	vld.idx.msk [tilespmem:v19+s2+$0x2000], $0xffff  }
0x210: {  	v2 =	vmov v1;
	v1 =	vmov v14;
	v53 =	vld [tilespmem:s13+$0x50];
	[tilespmem:s3+$0xE020] =	vst v44  }
0x211: {  	v55 =	vld.idx.msk [tilespmem:v37+s3+$0x2000], $0xffff  }
0x212: {  	s30 =	smov.u32 s7;
	v51 =	vld [tilespmem:s13+$0x0]  }
0x213: {  	v0 =	vmov v56;
	v56 =	vld.idx.msk [tilespmem:v13+s30+$0x2000], $0xffff  }
0x214: {  	v14 =	vmov v35;
	v35 =	vld [tilespmem:s13+$0x70];
	[tilespmem:s9+$0xE060] =	vst v60  }
0x215: {  	v58 =	vld.idx.msk [tilespmem:v1+s9+$0x2000], $0xffff  }
0x216: {  	[tilespmem:s2+$0xE000] =	vst v62;
	v50 =	vld [tilespmem:s13+$0x10]  }
0x217: {  	v60 =	vld [tilespmem:s14+$0x20]  }
0x218: {  	[tilespmem:s3+$0xE030] =	vst v55;
	v62 =	vld [tilespmem:s14+$0x0]  }
0x219: {  	s8 =	smov.u32 s4;
	s10 =	sshll.u32 s10, $0xA;
	v49 =	vld [tilespmem:s13+$0x20]  }
0x21a: {  	s7 =	sshll.u32 s8, $0xA;
	s8 =	sor.u32 s18, s10;
	v55 =	vld.idx.msk [tilespmem:v33+s3+$0x2000], $0xffff;
	[tilespmem:s30+$0xE020] =	vst v56  }
0x21b: {  	[tilespmem:s15+$0xE000] =	vst v57;
	v56 =	vld.idx.msk [tilespmem:v51+s8+$0x2000], $0xffff  }
0x21c: {  	v44 =	vmov v37;
	v37 =	vmov v46;
	v46 =	vld.idx.msk [tilespmem:v63+s15+$0x2000], $0xffff;
	[tilespmem:s9+$0xE070] =	vst v58;
	s9 =	sor.u32 s28, s21  }
0x21d: {  	v13 =	vmov v61;
	v61 =	vld.idx.msk [tilespmem:v22+s9+$0x2000], $0xffff  }
0x21e: {  	v52 =	vld [tilespmem:s13+$0x60]  }
0x21f: {  	v58 =	vld [tilespmem:s13+$0x30];
	[tilespmem:s3+$0xE040] =	vst v55  }
0x220: {  	v57 =	vld [tilespmem:s14+$0x40];
	[tilespmem:s8+$0xE000] =	vst v56  }
0x221: {  	[tilespmem:$0x1FF50] =	vst v0;
	v0 =	vld.idx.msk [tilespmem:v31+s3+$0x2000], $0xffff  }
0x222: {  	[tilespmem:$0x1FF60] =	vst v2;
	v2 =	vld.idx.msk [tilespmem:v50+s8+$0x2000], $0xffff  }
0x223: {  	v55 =	vld [tilespmem:s14+$0x60]  }
0x224: {  	v56 =	vld [tilespmem:s14+$0x50];
	[tilespmem:s9+$0xE000] =	vst v61  }
0x225: {  	s11 =	sadd.s32 $0x2, s4;
	p0 =	slt.u32 s4, $0xE;
	s4 =	sor.u32 s18, s7;
	v3 =	vld.idx.msk [tilespmem:v24+s9+$0x2000], $0xffff  }
0x226: {  	v4 =	vld.idx.msk [tilespmem:v62+s4+$0x2000], $0xffff;
	[tilespmem:s3+$0xE050] =	vst v0  }
0x227: {  	v61 =	vld [tilespmem:s14+$0x30];
	[tilespmem:s8+$0xE010] =	vst v2  }
0x228: {  	v0 =	vld.idx.msk [tilespmem:v10+s3+$0x2000], $0xffff  }
0x229: {  	[tilespmem:s15+$0xE010] =	vst v46;
	v2 =	vld.idx.msk [tilespmem:v49+s8+$0x2000], $0xffff  }
0x22a: {  	[tilespmem:s9+$0xE010] =	vst v3  }
0x22b: {  	[tilespmem:s4+$0xE000] =	vst v4;
	v3 =	vld.idx.msk [tilespmem:v13+s9+$0x2000], $0xffff  }
0x22c: {  	v4 =	vld.idx.msk [tilespmem:v40+s15+$0x2000], $0xffff  }
0x22d: {  	v6 =	vmov v38;
	v38 =	vmov v63;
	v63 =	vld.idx.msk [tilespmem:v59+s4+$0x2000], $0xffff;
	[tilespmem:s3+$0xE060] =	vst v0  }
0x22e: {  	v0 =	vld.idx.msk [tilespmem:v26+s6+$0x2000], $0xffff;
	[tilespmem:s8+$0xE020] =	vst v2  }
0x22f: {  	v2 =	vld.idx.msk [tilespmem:v14+s3+$0x2000], $0xffff  }
0x230: {  	v7 =	vld.idx.msk [tilespmem:v58+s8+$0x2000], $0xffff;
	[tilespmem:s9+$0xE020] =	vst v3  }
0x231: {  	v3 =	vld.idx.msk [tilespmem:v9+s2+$0x2000], $0xffff;
	[tilespmem:s15+$0xE020] =	vst v4  }
0x232: {  	v4 =	vld.idx.msk [tilespmem:v23+s9+$0x2000], $0xffff;
	[tilespmem:s4+$0xE010] =	vst v63  }
0x233: {  	v63 =	vld.idx.msk [tilespmem:v48+s15+$0x2000], $0xffff  }
0x234: {  	v15 =	vld.idx.msk [tilespmem:v60+s4+$0x2000], $0xffff;
	[tilespmem:s6+$0xE020] =	vst v0  }
0x235: {  	[tilespmem:s3+$0xE070] =	vst v2  }
0x236: {  	v0 =	vld.idx.msk [tilespmem:v16+s6+$0x2000], $0xffff;
	[tilespmem:s2+$0xE010] =	vst v3  }
0x237: {  	s3 =	sor.u32 s25, s0;
	[tilespmem:s8+$0xE030] =	vst v7;
	v3 =	vld.idx.msk [tilespmem:v5+s2+$0x2000], $0xffff  }
0x238: {  	v2 =	vld.idx.msk [tilespmem:v42+s3+$0x2000], $0xffff  }
0x239: {  	v7 =	vld.idx.msk [tilespmem:v54+s8+$0x2000], $0xffff;
	[tilespmem:s9+$0xE030] =	vst v4  }
0x23a: {  	[tilespmem:s15+$0xE030] =	vst v63  }
0x23b: {  	v4 =	vld.idx.msk [tilespmem:v18+s9+$0x2000], $0xffff;
	[tilespmem:s4+$0xE020] =	vst v15  }
0x23c: {  	v15 =	vld.idx.msk [tilespmem:v39+s15+$0x2000], $0xffff  }
0x23d: {  	v63 =	vld.idx.msk [tilespmem:v61+s4+$0x2000], $0xffff;
	[tilespmem:s6+$0xE030] =	vst v0  }
0x23e: {  	v0 =	vld.idx.msk [tilespmem:v27+s6+$0x2000], $0xffff;
	[tilespmem:s2+$0xE020] =	vst v3  }
0x23f: {  	[tilespmem:s3+$0xE000] =	vst v2  }
0x240: {  	v3 =	vld.idx.msk [tilespmem:v12+s2+$0x2000], $0xffff;
	[tilespmem:s8+$0xE040] =	vst v7  }
0x241: {  	v2 =	vld.idx.msk [tilespmem:v32+s3+$0x2000], $0xffff  }
0x242: {  	v7 =	vld.idx.msk [tilespmem:v53+s8+$0x2000], $0xffff;
	[tilespmem:s9+$0xE040] =	vst v4  }
0x243: {  	[tilespmem:s15+$0xE040] =	vst v15  }
0x244: {  	v4 =	vld.idx.msk [tilespmem:v28+s9+$0x2000], $0xffff;
	[tilespmem:s4+$0xE030] =	vst v63  }
0x245: {  	v15 =	vld.idx.msk [tilespmem:v36+s15+$0x2000], $0xffff  }
0x246: {  	v63 =	vld.idx.msk [tilespmem:v57+s4+$0x2000], $0xffff;
	[tilespmem:s6+$0xE040] =	vst v0  }
0x247: {  	v0 =	vld.idx.msk [tilespmem:v21+s6+$0x2000], $0xffff;
	[tilespmem:s2+$0xE030] =	vst v3  }
0x248: {  	[tilespmem:s3+$0xE010] =	vst v2  }
0x249: {  	v3 =	vld.idx.msk [tilespmem:v11+s2+$0x2000], $0xffff;
	[tilespmem:s8+$0xE050] =	vst v7  }
0x24a: {  	v2 =	vld.idx.msk [tilespmem:v37+s3+$0x2000], $0xffff  }
0x24b: {  	v7 =	vld.idx.msk [tilespmem:v52+s8+$0x2000], $0xffff;
	[tilespmem:s9+$0xE050] =	vst v4  }
0x24c: {  	[tilespmem:s15+$0xE050] =	vst v15  }
0x24d: {  	v4 =	vld.idx.msk [tilespmem:v17+s9+$0x2000], $0xffff;
	[tilespmem:s4+$0xE040] =	vst v63  }
0x24e: {  	v15 =	vld.idx.msk [tilespmem:v34+s15+$0x2000], $0xffff  }
0x24f: {  	v63 =	vld.idx.msk [tilespmem:v56+s4+$0x2000], $0xffff;
	[tilespmem:s6+$0xE050] =	vst v0  }
0x250: {  	v0 =	vld.idx.msk [tilespmem:v20+s6+$0x2000], $0xffff;
	[tilespmem:s2+$0xE040] =	vst v3  }
0x251: {  	[tilespmem:s3+$0xE020] =	vst v2  }
0x252: {  	v3 =	vld.idx.msk [tilespmem:v8+s2+$0x2000], $0xffff;
	[tilespmem:s8+$0xE060] =	vst v7  }
0x253: {  	v2 =	vld.idx.msk [tilespmem:v44+s3+$0x2000], $0xffff  }
0x254: {  	v7 =	vld.idx.msk [tilespmem:v35+s8+$0x2000], $0xffff;
	[tilespmem:s9+$0xE060] =	vst v4  }
0x255: {  	[tilespmem:s15+$0xE060] =	vst v15  }
0x256: {  	v4 =	vld.idx.msk [tilespmem:v1+s9+$0x2000], $0xffff;
	[tilespmem:s4+$0xE050] =	vst v63  }
0x257: {  	v15 =	vld.idx.msk [tilespmem:v47+s15+$0x2000], $0xffff  }
0x258: {  	v63 =	vld.idx.msk [tilespmem:v55+s4+$0x2000], $0xffff;
	[tilespmem:s6+$0xE060] =	vst v0  }
0x259: {  	v0 =	vld.idx.msk [tilespmem:v41+s6+$0x2000], $0xffff;
	[tilespmem:s2+$0xE050] =	vst v3  }
0x25a: {  	[tilespmem:s3+$0xE030] =	vst v2  }
0x25b: {  	v3 =	vld.idx.msk [tilespmem:v6+s2+$0x2000], $0xffff;
	[tilespmem:s8+$0xE070] =	vst v7  }
0x25c: {  	s5 =	sor.u32 s22, s10;
	v2 =	vld.idx.msk [tilespmem:v33+s3+$0x2000], $0xffff  }
0x25d: {  	v7 =	vld.idx.msk [tilespmem:v51+s5+$0x2000], $0xffff;
	[tilespmem:s9+$0xE070] =	vst v4  }
0x25e: {  	s8 =	sor.u32 s29, s21;
	[tilespmem:s15+$0xE070] =	vst v15  }
0x25f: {  	s13 =	sor.u32 s25, s1;
	v4 =	vld.idx.msk [tilespmem:v22+s8+$0x2000], $0xffff;
	[tilespmem:s4+$0xE060] =	vst v63  }
0x260: {  	v15 =	vld.idx.msk [tilespmem:v45+s13+$0x2000], $0xffff  }
0x261: {  	s12 =	sor.u32 s28, s23;
	v63 =	vld.idx.msk [tilespmem:v30+s4+$0x2000], $0xffff;
	[tilespmem:s6+$0xE070] =	vst v0  }
0x262: {  	v0 =	vld.idx.msk [tilespmem:v29+s12+$0x2000], $0xffff;
	[tilespmem:s2+$0xE060] =	vst v3  }
0x263: {  	[tilespmem:s3+$0xE040] =	vst v2  }
0x264: {  	v3 =	vld.idx.msk [tilespmem:v43+s2+$0x2000], $0xffff;
	[tilespmem:s5+$0xE000] =	vst v7  }
0x265: {  	v2 =	vld.idx.msk [tilespmem:v31+s3+$0x2000], $0xffff  }
0x266: {  	v7 =	vld.idx.msk [tilespmem:v50+s5+$0x2000], $0xffff;
	[tilespmem:s8+$0xE000] =	vst v4  }
0x267: {  	[tilespmem:s13+$0xE000] =	vst v15  }
0x268: {  	v4 =	vld.idx.msk [tilespmem:v24+s8+$0x2000], $0xffff;
	[tilespmem:s4+$0xE070] =	vst v63  }
0x269: {  	s15 =	sor.u32 s22, s7;
	v15 =	vld.idx.msk [tilespmem:v38+s13+$0x2000], $0xffff  }
0x26a: {  	v63 =	vld.idx.msk [tilespmem:v62+s15+$0x2000], $0xffff;
	[tilespmem:s12+$0xE000] =	vst v0  }
0x26b: {  	v0 =	vld.idx.msk [tilespmem:v25+s12+$0x2000], $0xffff;
	[tilespmem:s2+$0xE070] =	vst v3  }
0x26c: {  	s2 =	sor.u32 s31, s19;
	[tilespmem:s3+$0xE050] =	vst v2  }
0x26d: {  	v3 =	vld.idx.msk [tilespmem:v19+s2+$0x2000], $0xffff;
	[tilespmem:s5+$0xE010] =	vst v7  }
0x26e: {  	v2 =	vld.idx.msk [tilespmem:v10+s3+$0x2000], $0xffff  }
0x26f: {  	v7 =	vld.idx.msk [tilespmem:v49+s5+$0x2000], $0xffff;
	[tilespmem:s8+$0xE010] =	vst v4  }
0x270: {  	[tilespmem:s13+$0xE010] =	vst v15  }
0x271: {  	v4 =	vld.idx.msk [tilespmem:v13+s8+$0x2000], $0xffff;
	[tilespmem:s15+$0xE000] =	vst v63  }
0x272: {  	v15 =	vld.idx.msk [tilespmem:v40+s13+$0x2000], $0xffff  }
0x273: {  	v46 =	vmov v49;
	v49 =	vmov v62;
	v62 =	vld.idx.msk [tilespmem:v59+s15+$0x2000], $0xffff;
	[tilespmem:s12+$0xE010] =	vst v0  }
0x274: {  	v0 =	vld.idx.msk [tilespmem:v26+s12+$0x2000], $0xffff;
	[tilespmem:s2+$0xE000] =	vst v3  }
0x275: {  	[tilespmem:s3+$0xE060] =	vst v2  }
0x276: {  	v3 =	vld.idx.msk [tilespmem:v9+s2+$0x2000], $0xffff;
	[tilespmem:s5+$0xE020] =	vst v7  }
0x277: {  	v2 =	vld.idx.msk [tilespmem:v14+s3+$0x2000], $0xffff  }
0x278: {  	v7 =	vld.idx.msk [tilespmem:v58+s5+$0x2000], $0xffff;
	[tilespmem:s8+$0xE020] =	vst v4  }
0x279: {  	[tilespmem:s13+$0xE020] =	vst v15  }
0x27a: {  	v4 =	vmov v25;
	[tilespmem:s15+$0xE010] =	vst v62  }
0x27b: {  	[tilespmem:$0x1FF70] =	vst v4;
	v15 =	vld.idx.msk [tilespmem:v48+s13+$0x2000], $0xffff  }
0x27c: {  	v62 =	vld.idx.msk [tilespmem:v60+s15+$0x2000], $0xffff;
	[tilespmem:s12+$0xE020] =	vst v0  }
0x27d: {  	v0 =	vld.idx.msk [tilespmem:v16+s12+$0x2000], $0xffff;
	[tilespmem:s2+$0xE010] =	vst v3  }
0x27e: {  	v4 =	vld.idx.msk [tilespmem:v23+s8+$0x2000], $0xffff;
	[tilespmem:s3+$0xE070] =	vst v2  }
0x27f: {  	[tilespmem:s5+$0xE030] =	vst v7  }
0x280: {  	s9 =	sor.u32 s26, s0;
	v3 =	vld.idx.msk [tilespmem:v5+s2+$0x2000], $0xffff;
	[tilespmem:s13+$0xE030] =	vst v15  }
0x281: {  	v2 =	vld.idx.msk [tilespmem:v42+s9+$0x2000], $0xffff;
	[tilespmem:s15+$0xE020] =	vst v62  }
0x282: {  	v15 =	vld.idx.msk [tilespmem:v39+s13+$0x2000], $0xffff  }
0x283: {  	v63 =	vmov v59;
	v59 =	vld.idx.msk [tilespmem:v61+s15+$0x2000], $0xffff  }
0x284: {  	v7 =	vld.idx.msk [tilespmem:v54+s5+$0x2000], $0xffff;
	[tilespmem:s12+$0xE030] =	vst v0  }
0x285: {  	[tilespmem:s8+$0xE030] =	vst v4;
	v0 =	vld.idx.msk [tilespmem:v27+s12+$0x2000], $0xffff  }
0x286: {  	[tilespmem:s2+$0xE020] =	vst v3  }
0x287: {  	v3 =	vld.idx.msk [tilespmem:v12+s2+$0x2000], $0xffff;
	[tilespmem:s13+$0xE040] =	vst v15  }
0x288: {  	v4 =	vld.idx.msk [tilespmem:v18+s8+$0x2000], $0xffff;
	[tilespmem:s15+$0xE030] =	vst v59  }
0x289: {  	v15 =	vld.idx.msk [tilespmem:v36+s13+$0x2000], $0xffff  }
0x28a: {  	[tilespmem:s12+$0xE040] =	vst v0;
	v0 =	vld [tilespmem:$0x1FF80]  }
0x28b: {  	[tilespmem:s9+$0xE000] =	vst v2  }
0x28c: {  	[tilespmem:s5+$0xE040] =	vst v7  }
0x28d: {  	v2 =	vld.idx.msk [tilespmem:v32+s9+$0x2000], $0xffff  }
0x28e: {  	v7 =	vld.idx.msk [tilespmem:v53+s5+$0x2000], $0xffff  }
0x28f: {  	v12 =	vmovc v16;
	v16 =	vmov v48;
	v48 =	vmov v61;
	v61 =	vmov v37;
	[tilespmem:s8+$0xE040] =	vst v4  }
0x290: {  	v4 =	vld.idx.msk [tilespmem:v28+s8+$0x2000], $0xffff;
	_ =	sdelay $0x1  }
0x291: {  	v0 =	vld.idx.msk [tilespmem:v0+s30+$0x2000], $0xffff;
	[tilespmem:s9+$0xE010] =	vst v2  }
0x292: {  	[tilespmem:s5+$0xE050] =	vst v7  }
0x293: {  	v2 =	vld.idx.msk [tilespmem:v61+s9+$0x2000], $0xffff  }
0x294: {  	v7 =	vld.idx.msk [tilespmem:v52+s5+$0x2000], $0xffff;
	[tilespmem:s8+$0xE050] =	vst v4  }
0x295: {  	v4 =	vld.idx.msk [tilespmem:v17+s8+$0x2000], $0xffff  }
0x296: {  	[tilespmem:s30+$0xE030] =	vst v0;
	v0 =	vld [tilespmem:$0x1FF10];
	_ =	sdelay $0x5  }
0x297: {  	v19 =	vmovc v29;
	v29 =	vmovc v45;
	v45 =	vmov v41;
	v41 =	vmov v24;
	v24 =	vmov v38;
	v38 =	vld.idx.msk [tilespmem:v57+s15+$0x2000], $0xffff;
	[tilespmem:s2+$0xE030] =	vst v3  }
0x298: {  	v3 =	vld.idx.msk [tilespmem:v21+s12+$0x2000], $0xffff;
	[tilespmem:s13+$0xE050] =	vst v15  }
0x299: {  	v0 =	vld.idx.msk [tilespmem:v0+s30+$0x2000], $0xffff;
	[tilespmem:s9+$0xE020] =	vst v2  }
0x29a: {  	v15 =	vld.idx.msk [tilespmem:v34+s13+$0x2000], $0xffff;
	[tilespmem:s5+$0xE060] =	vst v7  }
0x29b: {  	v7 =	vld.idx.msk [tilespmem:v44+s9+$0x2000], $0xffff  }
0x29c: {  	v37 =	vmov v23;
	v23 =	vmov v44;
	v44 =	vld.idx.msk [tilespmem:v35+s5+$0x2000], $0xffff;
	[tilespmem:s8+$0xE060] =	vst v4  }
0x29d: {  	[tilespmem:s15+$0xE040] =	vst v38;
	v4 =	vld.idx.msk [tilespmem:v1+s8+$0x2000], $0xffff  }
0x29e: {  	[tilespmem:s30+$0xE040] =	vst v0;
	v0 =	vld [tilespmem:$0x1FF20]  }
0x29f: {  	v2 =	vld.idx.msk [tilespmem:v11+s2+$0x2000], $0xffff;
	_ =	sdelay $0x2  }
0x2a0: {  	[tilespmem:s12+$0xE050] =	vst v3  }
0x2a1: {  	v3 =	vld.idx.msk [tilespmem:v56+s15+$0x2000], $0xffff;
	[tilespmem:s13+$0xE060] =	vst v15  }
0x2a2: {  	v15 =	vld.idx.msk [tilespmem:v47+s13+$0x2000], $0xffff;
	[tilespmem:s2+$0xE040] =	vst v2  }
0x2a3: {  	v2 =	vld.idx.msk [tilespmem:v8+s2+$0x2000], $0xffff  }
0x2a4: {  	v9 =	vmov v18;
	v18 =	vmov v33;
	v0 =	vld.idx.msk [tilespmem:v0+s30+$0x2000], $0xffff;
	[tilespmem:s9+$0xE030] =	vst v7  }
0x2a5: {  	s3 =	sor.u32 s24, s10;
	v7 =	vld.idx.msk [tilespmem:v20+s12+$0x2000], $0xffff;
	[tilespmem:s5+$0xE070] =	vst v44  }
0x2a6: {  	[tilespmem:s15+$0xE050] =	vst v3;
	v3 =	vld.idx.msk [tilespmem:v51+s3+$0x2000], $0xffff;
	_ =	sdelay $0x1  }
0x2a7: {  	s19 =	smov.u32 s23;
	v5 =	vmov v26;
	v26 =	vmov v40;
	v40 =	vmov v60;
	v60 =	vld.idx.msk [tilespmem:v55+s15+$0x2000], $0xffff;
	[tilespmem:s8+$0xE070] =	vst v4  }
0x2a8: {  	s23 =	smov.u32 s1;
	s1 =	smov.u32 s7;
	s7 =	sor.u32 s31, s21;
	v4 =	vld.idx.msk [tilespmem:v18+s9+$0x2000], $0xffff;
	[tilespmem:s30+$0xE050] =	vst v0  }
0x2a9: {  	v0 =	vld.idx.msk [tilespmem:v22+s7+$0x2000], $0xffff  }
0x2aa: {  	[tilespmem:s3+$0xE000] =	vst v3;
	v3 =	vld [tilespmem:$0x1FF40]  }
0x2ab: {  	s6 =	sor.u32 s26, s23;
	[tilespmem:s13+$0xE070] =	vst v15  }
0x2ac: {  	v15 =	vld.idx.msk [tilespmem:v29+s6+$0x2000], $0xffff;
	[tilespmem:s2+$0xE050] =	vst v2  }
0x2ad: {  	v8 =	vmov v21;
	v21 =	vmov v36;
	v36 =	vmov v56;
	v56 =	vld [tilespmem:$0x1FF30];
	[tilespmem:s12+$0xE060] =	vst v7  }
0x2ae: {  	v2 =	vld.idx.msk [tilespmem:v6+s2+$0x2000], $0xffff  }
0x2af: {  	v6 =	vld [tilespmem:$0x1FF50];
	[tilespmem:s15+$0xE060] =	vst v60  }
0x2b0: {  	v33 =	vmov v54;
	v54 =	vld.idx.msk [tilespmem:v30+s15+$0x2000], $0xffff  }
0x2b1: {  	v62 =	vmov v28;
	v28 =	vmov v31;
	[tilespmem:s6+$0xE000] =	vst v15;
	v15 =	vld [tilespmem:$0x1FF60]  }
0x2b2: {  	v3 =	vld.idx.msk [tilespmem:v3+s30+$0x2000], $0xffff  }
.Ltmp0:
0x2b3: {  	[tilespmem:$0x1FF80] =	vst v37;
	v38 =	vmov v20;
	v20 =	vmov v34;
	v34 =	vmov v55;
	v55 =	vld.idx.msk [tilespmem:v50+s3+$0x2000], $0xffff;
	(pc) =	sbr.rel @p0 .LBB2_3-.Ltmp0, $4  }
0x2b4: {  	v25 =	vmov v24;
	v31 =	vmov v53;
	v53 =	vld.idx.msk [tilespmem:v24+s6+$0x2000], $0xffff;
	[tilespmem:s2+$0xE060] =	vst v2  }
0x2b5: {  	v37 =	vmovc v58;
	v11 =	vmovc v27;
	v27 =	vmov v39;
	v24 =	vmov v32;
	v32 =	vmov v50;
	v50 =	vld.idx.msk [tilespmem:v43+s2+$0x2000], $0xffff;
	[tilespmem:s9+$0xE040] =	vst v4  }
0x2b6: {  	v39 =	vmovc v57;
	v44 =	vmovc v17;
	v17 =	vmov v10;
	v10 =	vmov v52;
	v22 =	vmov v42;
	v52 =	vld.idx.msk [tilespmem:v28+s9+$0x2000], $0xffff;
	[tilespmem:s7+$0xE000] =	vst v0  }
0x2b7: {  	s4 =	smov.u32 s11;
	s21 =	smov.u32 s0;
	s0 =	smov.u32 s10;
	v42 =	vmovc v51;
	v43 =	vmovc v45;
	v45 =	vmov v49;
	v51 =	vld.idx.msk [tilespmem:v41+s7+$0x2000], $0xffff;
	v41 =	vmov v47;
	v47 =	vmov v30;
	[tilespmem:s30+$0xE060] =	vst v3  }
0x2b8: {  	_ =	sdelay $0x2  }
0x2b9: {  	[tilespmem:s15+$0xE070] =	vst v54;
	s4 =	sor.u32 s24, s1  }
0x2ba: {  	v0 =	vld.idx.msk [tilespmem:v45+s4+$0x2000], $0xffff;
	_ =	sdelay $0x4  }
0x2bb: {  	[tilespmem:s4+$0xE000] =	vst v0  }
0x2bc: {  	v0 =	vld.idx.msk [tilespmem:v63+s4+$0x2000], $0xffff;
	_ =	sdelay $0x3  }
0x2bd: {  	[tilespmem:s3+$0xE010] =	vst v55  }
0x2be: {  	v2 =	vld.idx.msk [tilespmem:v46+s3+$0x2000], $0xffff;
	[tilespmem:s4+$0xE010] =	vst v0  }
0x2bf: {  	v0 =	vld.idx.msk [tilespmem:v40+s4+$0x2000], $0xffff;
	_ =	sdelay $0x3  }
0x2c0: {  	[tilespmem:s3+$0xE020] =	vst v2  }
0x2c1: {  	v2 =	vld.idx.msk [tilespmem:v37+s3+$0x2000], $0xffff;
	[tilespmem:s4+$0xE020] =	vst v0  }
0x2c2: {  	v0 =	vld.idx.msk [tilespmem:v48+s4+$0x2000], $0xffff;
	_ =	sdelay $0x3  }
0x2c3: {  	[tilespmem:s3+$0xE030] =	vst v2  }
0x2c4: {  	v2 =	vld.idx.msk [tilespmem:v33+s3+$0x2000], $0xffff;
	[tilespmem:s4+$0xE030] =	vst v0  }
0x2c5: {  	v0 =	vld.idx.msk [tilespmem:v39+s4+$0x2000], $0xffff;
	_ =	sdelay $0x3  }
0x2c6: {  	[tilespmem:s3+$0xE040] =	vst v2  }
0x2c7: {  	v2 =	vld.idx.msk [tilespmem:v31+s3+$0x2000], $0xffff;
	[tilespmem:s4+$0xE040] =	vst v0  }
0x2c8: {  	v0 =	vld.idx.msk [tilespmem:v36+s4+$0x2000], $0xffff;
	_ =	sdelay $0x3  }
0x2c9: {  	[tilespmem:s3+$0xE050] =	vst v2  }
0x2ca: {  	v2 =	vld.idx.msk [tilespmem:v10+s3+$0x2000], $0xffff;
	[tilespmem:s4+$0xE050] =	vst v0  }
0x2cb: {  	v0 =	vld.idx.msk [tilespmem:v34+s4+$0x2000], $0xffff;
	_ =	sdelay $0x3  }
0x2cc: {  	[tilespmem:s3+$0xE060] =	vst v2  }
0x2cd: {  	v2 =	vld.idx.msk [tilespmem:v35+s3+$0x2000], $0xffff;
	[tilespmem:s4+$0xE060] =	vst v0  }
0x2ce: {  	v0 =	vld.idx.msk [tilespmem:v47+s4+$0x2000], $0xffff;
	_ =	sdelay $0x3  }
0x2cf: {  	s24 =	sor.u32 s25, s1;
	s25 =	sor.u32 s25, s0;
	[tilespmem:s3+$0xE070] =	vst v2  }
0x2d0: {  	v2 =	vld.idx.msk [tilespmem:v42+s25+$0x2000], $0xffff;
	[tilespmem:s4+$0xE070] =	vst v0  }
0x2d1: {  	v0 =	vld.idx.msk [tilespmem:v45+s24+$0x2000], $0xffff;
	_ =	sdelay $0x3  }
0x2d2: {  	[tilespmem:s25+$0xE000] =	vst v2  }
0x2d3: {  	v2 =	vld.idx.msk [tilespmem:v32+s25+$0x2000], $0xffff;
	[tilespmem:s24+$0xE000] =	vst v0  }
0x2d4: {  	v0 =	vld.idx.msk [tilespmem:v63+s24+$0x2000], $0xffff;
	_ =	sdelay $0x3  }
0x2d5: {  	[tilespmem:s25+$0xE010] =	vst v2  }
0x2d6: {  	v2 =	vld.idx.msk [tilespmem:v46+s25+$0x2000], $0xffff;
	[tilespmem:s24+$0xE010] =	vst v0  }
0x2d7: {  	v0 =	vld.idx.msk [tilespmem:v40+s24+$0x2000], $0xffff;
	_ =	sdelay $0x3  }
0x2d8: {  	[tilespmem:s25+$0xE020] =	vst v2  }
0x2d9: {  	v2 =	vld.idx.msk [tilespmem:v37+s25+$0x2000], $0xffff;
	[tilespmem:s24+$0xE020] =	vst v0  }
0x2da: {  	v0 =	vld.idx.msk [tilespmem:v48+s24+$0x2000], $0xffff;
	_ =	sdelay $0x3  }
0x2db: {  	[tilespmem:s25+$0xE030] =	vst v2  }
0x2dc: {  	v2 =	vld.idx.msk [tilespmem:v33+s25+$0x2000], $0xffff;
	[tilespmem:s24+$0xE030] =	vst v0  }
0x2dd: {  	v0 =	vld.idx.msk [tilespmem:v39+s24+$0x2000], $0xffff;
	_ =	sdelay $0x3  }
0x2de: {  	[tilespmem:s25+$0xE040] =	vst v2  }
0x2df: {  	v2 =	vld.idx.msk [tilespmem:v31+s25+$0x2000], $0xffff;
	[tilespmem:s24+$0xE040] =	vst v0  }
0x2e0: {  	v0 =	vld.idx.msk [tilespmem:v36+s24+$0x2000], $0xffff;
	_ =	sdelay $0x3  }
0x2e1: {  	[tilespmem:s25+$0xE050] =	vst v2  }
0x2e2: {  	v2 =	vld.idx.msk [tilespmem:v10+s25+$0x2000], $0xffff;
	[tilespmem:s24+$0xE050] =	vst v0  }
0x2e3: {  	v0 =	vld.idx.msk [tilespmem:v34+s24+$0x2000], $0xffff;
	_ =	sdelay $0x3  }
0x2e4: {  	[tilespmem:s25+$0xE060] =	vst v2  }
0x2e5: {  	v2 =	vld.idx.msk [tilespmem:v35+s25+$0x2000], $0xffff;
	[tilespmem:s24+$0xE060] =	vst v0  }
0x2e6: {  	v0 =	vld.idx.msk [tilespmem:v47+s24+$0x2000], $0xffff;
	_ =	sdelay $0x3  }
0x2e7: {  	s4 =	sor.u32 s26, s0;
	[tilespmem:s25+$0xE070] =	vst v2  }
0x2e8: {  	s8 =	sor.u32 s26, s1;
	v2 =	vld.idx.msk [tilespmem:v42+s4+$0x2000], $0xffff;
	[tilespmem:s24+$0xE070] =	vst v0  }
0x2e9: {  	v0 =	vld.idx.msk [tilespmem:v45+s8+$0x2000], $0xffff;
	_ =	sdelay $0x3  }
0x2ea: {  	[tilespmem:s4+$0xE000] =	vst v2  }
0x2eb: {  	v2 =	vld.idx.msk [tilespmem:v32+s4+$0x2000], $0xffff;
	[tilespmem:s8+$0xE000] =	vst v0  }
0x2ec: {  	v0 =	vld.idx.msk [tilespmem:v63+s8+$0x2000], $0xffff;
	_ =	sdelay $0x2  }
0x2ed: {  	[tilespmem:s6+$0xE010] =	vst v53  }
0x2ee: {  	v3 =	vld.idx.msk [tilespmem:v26+s6+$0x2000], $0xffff;
	[tilespmem:s4+$0xE010] =	vst v2  }
0x2ef: {  	v2 =	vld.idx.msk [tilespmem:v46+s4+$0x2000], $0xffff;
	[tilespmem:s8+$0xE010] =	vst v0  }
0x2f0: {  	v0 =	vld.idx.msk [tilespmem:v40+s8+$0x2000], $0xffff;
	_ =	sdelay $0x2  }
0x2f1: {  	[tilespmem:s6+$0xE020] =	vst v3  }
0x2f2: {  	v3 =	vld.idx.msk [tilespmem:v16+s6+$0x2000], $0xffff;
	[tilespmem:s4+$0xE020] =	vst v2  }
0x2f3: {  	v2 =	vld.idx.msk [tilespmem:v37+s4+$0x2000], $0xffff;
	[tilespmem:s8+$0xE020] =	vst v0  }
0x2f4: {  	v0 =	vld.idx.msk [tilespmem:v48+s8+$0x2000], $0xffff;
	_ =	sdelay $0x2  }
0x2f5: {  	[tilespmem:s6+$0xE030] =	vst v3  }
0x2f6: {  	v3 =	vld.idx.msk [tilespmem:v27+s6+$0x2000], $0xffff;
	[tilespmem:s4+$0xE030] =	vst v2  }
0x2f7: {  	v2 =	vld.idx.msk [tilespmem:v33+s4+$0x2000], $0xffff;
	[tilespmem:s8+$0xE030] =	vst v0  }
0x2f8: {  	v0 =	vld.idx.msk [tilespmem:v39+s8+$0x2000], $0xffff;
	_ =	sdelay $0x2  }
0x2f9: {  	[tilespmem:s6+$0xE040] =	vst v3  }
0x2fa: {  	v3 =	vld.idx.msk [tilespmem:v21+s6+$0x2000], $0xffff;
	[tilespmem:s4+$0xE040] =	vst v2  }
0x2fb: {  	v2 =	vld.idx.msk [tilespmem:v31+s4+$0x2000], $0xffff;
	[tilespmem:s8+$0xE040] =	vst v0  }
0x2fc: {  	v0 =	vld.idx.msk [tilespmem:v36+s8+$0x2000], $0xffff;
	_ =	sdelay $0x1  }
0x2fd: {  	[tilespmem:s9+$0xE050] =	vst v52  }
0x2fe: {  	v4 =	vld.idx.msk [tilespmem:v17+s9+$0x2000], $0xffff;
	[tilespmem:s6+$0xE050] =	vst v3  }
0x2ff: {  	v3 =	vld.idx.msk [tilespmem:v20+s6+$0x2000], $0xffff;
	[tilespmem:s4+$0xE050] =	vst v2  }
0x300: {  	v2 =	vld.idx.msk [tilespmem:v10+s4+$0x2000], $0xffff;
	[tilespmem:s8+$0xE050] =	vst v0  }
0x301: {  	v0 =	vld.idx.msk [tilespmem:v34+s8+$0x2000], $0xffff;
	_ =	sdelay $0x1  }
0x302: {  	[tilespmem:s9+$0xE060] =	vst v4  }
0x303: {  	v4 =	vld.idx.msk [tilespmem:v14+s9+$0x2000], $0xffff;
	[tilespmem:s6+$0xE060] =	vst v3  }
0x304: {  	v3 =	vld.idx.msk [tilespmem:v41+s6+$0x2000], $0xffff;
	[tilespmem:s4+$0xE060] =	vst v2  }
0x305: {  	v2 =	vld.idx.msk [tilespmem:v35+s4+$0x2000], $0xffff;
	[tilespmem:s8+$0xE060] =	vst v0  }
0x306: {  	v0 =	vld.idx.msk [tilespmem:v47+s8+$0x2000], $0xffff;
	_ =	sdelay $0x1  }
0x307: {  	s5 =	sor.u32 s28, s21;
	[tilespmem:s9+$0xE070] =	vst v4  }
0x308: {  	v4 =	vld.idx.msk [tilespmem:v22+s5+$0x2000], $0xffff;
	[tilespmem:s6+$0xE070] =	vst v3;
	s6 =	sor.u32 s28, s23  }
0x309: {  	s11 =	sor.u32 s28, s0;
	v3 =	vld.idx.msk [tilespmem:v29+s6+$0x2000], $0xffff;
	[tilespmem:s4+$0xE070] =	vst v2  }
0x30a: {  	s10 =	sor.u32 s28, s1;
	v2 =	vld.idx.msk [tilespmem:v42+s11+$0x2000], $0xffff;
	[tilespmem:s8+$0xE070] =	vst v0  }
0x30b: {  	v0 =	vld.idx.msk [tilespmem:v45+s10+$0x2000], $0xffff;
	_ =	sdelay $0x1  }
0x30c: {  	[tilespmem:s5+$0xE000] =	vst v4  }
0x30d: {  	v4 =	vld.idx.msk [tilespmem:v24+s5+$0x2000], $0xffff;
	[tilespmem:s6+$0xE000] =	vst v3  }
0x30e: {  	v3 =	vld.idx.msk [tilespmem:v25+s6+$0x2000], $0xffff;
	[tilespmem:s11+$0xE000] =	vst v2  }
0x30f: {  	v2 =	vld.idx.msk [tilespmem:v32+s11+$0x2000], $0xffff;
	[tilespmem:s10+$0xE000] =	vst v0  }
0x310: {  	v0 =	vld.idx.msk [tilespmem:v63+s10+$0x2000], $0xffff;
	_ =	sdelay $0x1  }
0x311: {  	[tilespmem:s5+$0xE010] =	vst v4  }
0x312: {  	v4 =	vld.idx.msk [tilespmem:v61+s5+$0x2000], $0xffff;
	[tilespmem:s6+$0xE010] =	vst v3  }
0x313: {  	v3 =	vld.idx.msk [tilespmem:v26+s6+$0x2000], $0xffff;
	[tilespmem:s11+$0xE010] =	vst v2  }
0x314: {  	v2 =	vld.idx.msk [tilespmem:v46+s11+$0x2000], $0xffff;
	[tilespmem:s10+$0xE010] =	vst v0  }
0x315: {  	v0 =	vld.idx.msk [tilespmem:v40+s10+$0x2000], $0xffff;
	_ =	sdelay $0x1  }
0x316: {  	[tilespmem:s5+$0xE020] =	vst v4  }
0x317: {  	v4 =	vld.idx.msk [tilespmem:v23+s5+$0x2000], $0xffff;
	[tilespmem:s6+$0xE020] =	vst v3  }
0x318: {  	v3 =	vld.idx.msk [tilespmem:v16+s6+$0x2000], $0xffff;
	[tilespmem:s11+$0xE020] =	vst v2  }
0x319: {  	v2 =	vld.idx.msk [tilespmem:v37+s11+$0x2000], $0xffff;
	[tilespmem:s10+$0xE020] =	vst v0  }
0x31a: {  	v0 =	vld.idx.msk [tilespmem:v48+s10+$0x2000], $0xffff;
	_ =	sdelay $0x1  }
0x31b: {  	[tilespmem:s5+$0xE030] =	vst v4  }
0x31c: {  	v4 =	vld.idx.msk [tilespmem:v18+s5+$0x2000], $0xffff;
	[tilespmem:s6+$0xE030] =	vst v3  }
0x31d: {  	v3 =	vld.idx.msk [tilespmem:v27+s6+$0x2000], $0xffff;
	[tilespmem:s11+$0xE030] =	vst v2  }
0x31e: {  	v2 =	vld.idx.msk [tilespmem:v33+s11+$0x2000], $0xffff;
	[tilespmem:s10+$0xE030] =	vst v0  }
0x31f: {  	v0 =	vld.idx.msk [tilespmem:v39+s10+$0x2000], $0xffff;
	_ =	sdelay $0x1  }
0x320: {  	[tilespmem:s5+$0xE040] =	vst v4  }
0x321: {  	v4 =	vld.idx.msk [tilespmem:v28+s5+$0x2000], $0xffff;
	[tilespmem:s6+$0xE040] =	vst v3  }
0x322: {  	v3 =	vld.idx.msk [tilespmem:v21+s6+$0x2000], $0xffff;
	[tilespmem:s11+$0xE040] =	vst v2  }
0x323: {  	v2 =	vld.idx.msk [tilespmem:v31+s11+$0x2000], $0xffff;
	[tilespmem:s10+$0xE040] =	vst v0  }
0x324: {  	v0 =	vld.idx.msk [tilespmem:v36+s10+$0x2000], $0xffff;
	_ =	sdelay $0x1  }
0x325: {  	v7 =	vld.idx.msk [tilespmem:v6+s12+$0x2000], $0xffff;
	[tilespmem:s5+$0xE050] =	vst v4  }
0x326: {  	v4 =	vld.idx.msk [tilespmem:v17+s5+$0x2000], $0xffff;
	[tilespmem:s6+$0xE050] =	vst v3  }
0x327: {  	v3 =	vld.idx.msk [tilespmem:v20+s6+$0x2000], $0xffff;
	[tilespmem:s11+$0xE050] =	vst v2  }
0x328: {  	v2 =	vld.idx.msk [tilespmem:v10+s11+$0x2000], $0xffff;
	[tilespmem:s10+$0xE050] =	vst v0  }
0x329: {  	v0 =	vld.idx.msk [tilespmem:v34+s10+$0x2000], $0xffff  }
0x32a: {  	[tilespmem:s12+$0xE070] =	vst v7;
	s12 =	sor.u32 s29, s19  }
0x32b: {  	v7 =	vld.idx.msk [tilespmem:v19+s12+$0x2000], $0xffff;
	[tilespmem:s5+$0xE060] =	vst v4  }
0x32c: {  	v4 =	vld.idx.msk [tilespmem:v14+s5+$0x2000], $0xffff;
	[tilespmem:s6+$0xE060] =	vst v3  }
0x32d: {  	v3 =	vld.idx.msk [tilespmem:v56+s6+$0x2000], $0xffff;
	[tilespmem:s11+$0xE060] =	vst v2  }
0x32e: {  	v2 =	vld.idx.msk [tilespmem:v35+s11+$0x2000], $0xffff;
	[tilespmem:s10+$0xE060] =	vst v0  }
0x32f: {  	v0 =	vld.idx.msk [tilespmem:v30+s10+$0x2000], $0xffff  }
0x330: {  	[tilespmem:s12+$0xE000] =	vst v7  }
0x331: {  	[tilespmem:s5+$0xE070] =	vst v4  }
0x332: {  	[tilespmem:s6+$0xE070] =	vst v3  }
0x333: {  	[tilespmem:s11+$0xE070] =	vst v2  }
0x334: {  	[tilespmem:s10+$0xE070] =	vst v0  }
0x335: {  	v57 =	vld [tilespmem:$0x1FF70];
	_ =	sdelay $0x2  }
0x336: {  	s13 =	sor.u32 s29, s23  }
0x337: {  	s14 =	sor.u32 s29, s21;
	v3 =	vld.idx.msk [tilespmem:v29+s13+$0x2000], $0xffff  }
0x338: {  	s20 =	sor.u32 s29, s0;
	v4 =	vld.idx.msk [tilespmem:v22+s14+$0x2000], $0xffff  }
0x339: {  	s15 =	sor.u32 s29, s1;
	v2 =	vld.idx.msk [tilespmem:v42+s20+$0x2000], $0xffff  }
0x33a: {  	v0 =	vld.idx.msk [tilespmem:v45+s15+$0x2000], $0xffff  }
0x33b: {  	v7 =	vld.idx.msk [tilespmem:v57+s12+$0x2000], $0xffff  }
0x33c: {  	[tilespmem:s13+$0xE000] =	vst v3  }
0x33d: {  	[tilespmem:s14+$0xE000] =	vst v4;
	v3 =	vld.idx.msk [tilespmem:v25+s13+$0x2000], $0xffff  }
0x33e: {  	[tilespmem:s20+$0xE000] =	vst v2;
	v4 =	vld.idx.msk [tilespmem:v24+s14+$0x2000], $0xffff  }
0x33f: {  	v2 =	vld.idx.msk [tilespmem:v32+s20+$0x2000], $0xffff;
	[tilespmem:s15+$0xE000] =	vst v0  }
0x340: {  	v0 =	vld.idx.msk [tilespmem:v63+s15+$0x2000], $0xffff;
	[tilespmem:s12+$0xE010] =	vst v7  }
0x341: {  	v7 =	vld.idx.msk [tilespmem:v5+s12+$0x2000], $0xffff  }
0x342: {  	[tilespmem:s13+$0xE010] =	vst v3  }
0x343: {  	[tilespmem:s14+$0xE010] =	vst v4;
	v3 =	vld.idx.msk [tilespmem:v26+s13+$0x2000], $0xffff  }
0x344: {  	[tilespmem:s20+$0xE010] =	vst v2;
	v4 =	vld.idx.msk [tilespmem:v61+s14+$0x2000], $0xffff  }
0x345: {  	v2 =	vld.idx.msk [tilespmem:v46+s20+$0x2000], $0xffff;
	[tilespmem:s15+$0xE010] =	vst v0  }
0x346: {  	v0 =	vld.idx.msk [tilespmem:v40+s15+$0x2000], $0xffff;
	[tilespmem:s12+$0xE020] =	vst v7  }
0x347: {  	v7 =	vld.idx.msk [tilespmem:v12+s12+$0x2000], $0xffff  }
0x348: {  	[tilespmem:s13+$0xE020] =	vst v3  }
0x349: {  	[tilespmem:s14+$0xE020] =	vst v4;
	v3 =	vld.idx.msk [tilespmem:v16+s13+$0x2000], $0xffff  }
0x34a: {  	[tilespmem:s20+$0xE020] =	vst v2;
	v4 =	vld.idx.msk [tilespmem:v23+s14+$0x2000], $0xffff  }
0x34b: {  	v2 =	vld.idx.msk [tilespmem:v37+s20+$0x2000], $0xffff;
	[tilespmem:s15+$0xE020] =	vst v0  }
0x34c: {  	v0 =	vld.idx.msk [tilespmem:v48+s15+$0x2000], $0xffff;
	[tilespmem:s12+$0xE030] =	vst v7  }
0x34d: {  	v7 =	vld.idx.msk [tilespmem:v11+s12+$0x2000], $0xffff  }
0x34e: {  	[tilespmem:s13+$0xE030] =	vst v3  }
0x34f: {  	[tilespmem:s14+$0xE030] =	vst v4;
	v3 =	vld.idx.msk [tilespmem:v27+s13+$0x2000], $0xffff  }
0x350: {  	[tilespmem:s20+$0xE030] =	vst v2;
	v4 =	vld.idx.msk [tilespmem:v18+s14+$0x2000], $0xffff  }
0x351: {  	v2 =	vld.idx.msk [tilespmem:v33+s20+$0x2000], $0xffff;
	[tilespmem:s15+$0xE030] =	vst v0  }
0x352: {  	v0 =	vld.idx.msk [tilespmem:v39+s15+$0x2000], $0xffff;
	[tilespmem:s12+$0xE040] =	vst v7  }
0x353: {  	v7 =	vld.idx.msk [tilespmem:v8+s12+$0x2000], $0xffff  }
0x354: {  	[tilespmem:s13+$0xE040] =	vst v3  }
0x355: {  	[tilespmem:s14+$0xE040] =	vst v4;
	v3 =	vld.idx.msk [tilespmem:v21+s13+$0x2000], $0xffff  }
0x356: {  	[tilespmem:s20+$0xE040] =	vst v2;
	v4 =	vld.idx.msk [tilespmem:v28+s14+$0x2000], $0xffff  }
0x357: {  	v2 =	vld.idx.msk [tilespmem:v31+s20+$0x2000], $0xffff;
	[tilespmem:s15+$0xE040] =	vst v0  }
0x358: {  	v0 =	vld.idx.msk [tilespmem:v36+s15+$0x2000], $0xffff;
	[tilespmem:s12+$0xE050] =	vst v7  }
0x359: {  	v7 =	vld.idx.msk [tilespmem:v38+s12+$0x2000], $0xffff  }
0x35a: {  	[tilespmem:s13+$0xE050] =	vst v3  }
0x35b: {  	[tilespmem:s14+$0xE050] =	vst v4;
	v3 =	vld.idx.msk [tilespmem:v20+s13+$0x2000], $0xffff  }
0x35c: {  	[tilespmem:s20+$0xE050] =	vst v2;
	v4 =	vld.idx.msk [tilespmem:v17+s14+$0x2000], $0xffff  }
0x35d: {  	v2 =	vld.idx.msk [tilespmem:v10+s20+$0x2000], $0xffff;
	[tilespmem:s15+$0xE050] =	vst v0  }
0x35e: {  	v0 =	vld.idx.msk [tilespmem:v34+s15+$0x2000], $0xffff;
	[tilespmem:s12+$0xE060] =	vst v7  }
0x35f: {  	[tilespmem:s7+$0xE010] =	vst v51;
	v7 =	vld.idx.msk [tilespmem:v43+s12+$0x2000], $0xffff  }
0x360: {  	[tilespmem:s13+$0xE060] =	vst v3  }
0x361: {  	[tilespmem:s14+$0xE060] =	vst v4;
	v3 =	vld.idx.msk [tilespmem:v41+s13+$0x2000], $0xffff  }
0x362: {  	[tilespmem:s20+$0xE060] =	vst v2;
	v4 =	vld.idx.msk [tilespmem:v14+s14+$0x2000], $0xffff  }
0x363: {  	v2 =	vld.idx.msk [tilespmem:v35+s20+$0x2000], $0xffff;
	[tilespmem:s15+$0xE060] =	vst v0  }
0x364: {  	s22 =	sor.u32 s31, s19;
	v0 =	vld.idx.msk [tilespmem:v47+s15+$0x2000], $0xffff;
	[tilespmem:s12+$0xE070] =	vst v7  }
0x365: {  	[tilespmem:s2+$0xE070] =	vst v50;
	v7 =	vld.idx.msk [tilespmem:v19+s22+$0x2000], $0xffff  }
0x366: {  	v58 =	vld.idx.msk [tilespmem:v15+s30+$0x2000], $0xffff;
	s23 =	sor.u32 s31, s23;
	[tilespmem:s13+$0xE070] =	vst v3  }
0x367: {  	s24 =	sor.u32 s31, s21;
	[tilespmem:s14+$0xE070] =	vst v4;
	v3 =	vld.idx.msk [tilespmem:v29+s23+$0x2000], $0xffff  }
0x368: {  	s26 =	sor.u32 s31, s0;
	[tilespmem:s20+$0xE070] =	vst v2;
	v4 =	vld.idx.msk [tilespmem:v22+s24+$0x2000], $0xffff  }
0x369: {  	s25 =	sor.u32 s31, s1;
	v2 =	vld.idx.msk [tilespmem:v42+s26+$0x2000], $0xffff;
	[tilespmem:s15+$0xE070] =	vst v0  }
0x36a: {  	v0 =	vld.idx.msk [tilespmem:v45+s25+$0x2000], $0xffff;
	[tilespmem:s22+$0xE000] =	vst v7  }
0x36b: {  	[tilespmem:s30+$0xE070] =	vst v58;
	v7 =	vld.idx.msk [tilespmem:v57+s22+$0x2000], $0xffff  }
0x36c: {  	v59 =	vld.idx.msk [tilespmem:v13+s7+$0x2000], $0xffff;
	[tilespmem:s23+$0xE000] =	vst v3  }
0x36d: {  	[tilespmem:s24+$0xE000] =	vst v4;
	v3 =	vld.idx.msk [tilespmem:v25+s23+$0x2000], $0xffff  }
0x36e: {  	[tilespmem:s26+$0xE000] =	vst v2;
	v4 =	vld.idx.msk [tilespmem:v24+s24+$0x2000], $0xffff  }
0x36f: {  	v2 =	vld.idx.msk [tilespmem:v32+s26+$0x2000], $0xffff;
	[tilespmem:s25+$0xE000] =	vst v0  }
0x370: {  	v0 =	vld.idx.msk [tilespmem:v63+s25+$0x2000], $0xffff;
	[tilespmem:s22+$0xE010] =	vst v7  }
0x371: {  	[tilespmem:s7+$0xE020] =	vst v59;
	v7 =	vld.idx.msk [tilespmem:v5+s22+$0x2000], $0xffff  }
0x372: {  	[tilespmem:s23+$0xE010] =	vst v3  }
0x373: {  	[tilespmem:s24+$0xE010] =	vst v4;
	v3 =	vld.idx.msk [tilespmem:v26+s23+$0x2000], $0xffff  }
0x374: {  	[tilespmem:s26+$0xE010] =	vst v2;
	v4 =	vld.idx.msk [tilespmem:v61+s24+$0x2000], $0xffff  }
0x375: {  	v2 =	vld.idx.msk [tilespmem:v46+s26+$0x2000], $0xffff;
	[tilespmem:s25+$0xE010] =	vst v0  }
0x376: {  	v0 =	vld.idx.msk [tilespmem:v40+s25+$0x2000], $0xffff;
	[tilespmem:s22+$0xE020] =	vst v7  }
0x377: {  	v5 =	vld [tilespmem:$0x1FF80];
	_ =	sdelay $0x1  }
0x378: {  	[tilespmem:s23+$0xE020] =	vst v3  }
0x379: {  	[tilespmem:s24+$0xE020] =	vst v4;
	v3 =	vld.idx.msk [tilespmem:v16+s23+$0x2000], $0xffff  }
0x37a: {  	[tilespmem:s25+$0xE020] =	vst v0;
	v4 =	vld.idx.msk [tilespmem:v23+s24+$0x2000], $0xffff  }
0x37b: {  	[tilespmem:s26+$0xE020] =	vst v2;
	v0 =	vld.idx.msk [tilespmem:v48+s25+$0x2000], $0xffff  }
0x37c: {  	v2 =	vld.idx.msk [tilespmem:v37+s26+$0x2000], $0xffff  }
0x37d: {  	v7 =	vld.idx.msk [tilespmem:v12+s22+$0x2000], $0xffff  }
0x37e: {  	[tilespmem:s23+$0xE030] =	vst v3;
	v5 =	vld.idx.msk [tilespmem:v5+s7+$0x2000], $0xffff  }
0x37f: {  	[tilespmem:s24+$0xE030] =	vst v4;
	v3 =	vld.idx.msk [tilespmem:v27+s23+$0x2000], $0xffff  }
0x380: {  	[tilespmem:s25+$0xE030] =	vst v0;
	v4 =	vld.idx.msk [tilespmem:v18+s24+$0x2000], $0xffff  }
0x381: {  	[tilespmem:s26+$0xE030] =	vst v2;
	v0 =	vld.idx.msk [tilespmem:v39+s25+$0x2000], $0xffff  }
0x382: {  	[tilespmem:s22+$0xE030] =	vst v7;
	v2 =	vld.idx.msk [tilespmem:v33+s26+$0x2000], $0xffff  }
0x383: {  	v7 =	vld.idx.msk [tilespmem:v11+s22+$0x2000], $0xffff;
	[tilespmem:s7+$0xE030] =	vst v5  }
0x384: {  	[tilespmem:s23+$0xE040] =	vst v3;
	v5 =	vld.idx.msk [tilespmem:v9+s7+$0x2000], $0xffff  }
0x385: {  	[tilespmem:s24+$0xE040] =	vst v4;
	v3 =	vld.idx.msk [tilespmem:v21+s23+$0x2000], $0xffff  }
0x386: {  	[tilespmem:s25+$0xE040] =	vst v0;
	v4 =	vld.idx.msk [tilespmem:v28+s24+$0x2000], $0xffff  }
0x387: {  	[tilespmem:s26+$0xE040] =	vst v2;
	v0 =	vld.idx.msk [tilespmem:v36+s25+$0x2000], $0xffff  }
0x388: {  	[tilespmem:s22+$0xE040] =	vst v7;
	v2 =	vld.idx.msk [tilespmem:v31+s26+$0x2000], $0xffff  }
0x389: {  	v60 =	vld.idx.msk [tilespmem:v8+s22+$0x2000], $0xffff;
	[tilespmem:s7+$0xE040] =	vst v5  }
0x38a: {  	[tilespmem:s23+$0xE050] =	vst v3;
	v61 =	vld.idx.msk [tilespmem:v62+s7+$0x2000], $0xffff  }
0x38b: {  	[tilespmem:s24+$0xE050] =	vst v4;
	v3 =	vld.idx.msk [tilespmem:v20+s23+$0x2000], $0xffff  }
0x38c: {  	[tilespmem:s25+$0xE050] =	vst v0;
	v4 =	vld.idx.msk [tilespmem:v17+s24+$0x2000], $0xffff  }
0x38d: {  	[tilespmem:s26+$0xE050] =	vst v2;
	v0 =	vld.idx.msk [tilespmem:v34+s25+$0x2000], $0xffff  }
0x38e: {  	[tilespmem:s22+$0xE050] =	vst v60;
	v2 =	vld.idx.msk [tilespmem:v10+s26+$0x2000], $0xffff  }
0x38f: {  	v62 =	vld.idx.msk [tilespmem:v38+s22+$0x2000], $0xffff;
	[tilespmem:s7+$0xE050] =	vst v61  }
0x390: {  	[tilespmem:s23+$0xE060] =	vst v3;
	v63 =	vld.idx.msk [tilespmem:v44+s7+$0x2000], $0xffff  }
0x391: {  	[tilespmem:s24+$0xE060] =	vst v4;
	v3 =	vld.idx.msk [tilespmem:v41+s23+$0x2000], $0xffff  }
0x392: {  	[tilespmem:s25+$0xE060] =	vst v0;
	v4 =	vld.idx.msk [tilespmem:v14+s24+$0x2000], $0xffff  }
0x393: {  	[tilespmem:s26+$0xE060] =	vst v2;
	v0 =	vld.idx.msk [tilespmem:v47+s25+$0x2000], $0xffff  }
0x394: {  	[tilespmem:s22+$0xE060] =	vst v62;
	v2 =	vld.idx.msk [tilespmem:v35+s26+$0x2000], $0xffff  }
0x395: {  	v7 =	vld.idx.msk [tilespmem:v43+s22+$0x2000], $0xffff;
	[tilespmem:s7+$0xE060] =	vst v63  }
0x396: {  	s16 =	sadd.s32 $0x1, s16;
	[tilespmem:s23+$0xE070] =	vst v3;
	v1 =	vld.idx.msk [tilespmem:v1+s7+$0x2000], $0xffff  }
0x397: {  	p0 =	sne.s32 s16, $0x80;
	[tilespmem:s24+$0xE070] =	vst v4  }
.Ltmp1:
0x398: {  	[tilespmem:s25+$0xE070] =	vst v0;
	(pc) =	sbr.rel @p0 .LBB2_2-.Ltmp1, $4  }
0x399: {  	[tilespmem:s26+$0xE070] =	vst v2  }
0x39a: {  	s28 =	sshll.u32 s17, $0x4;
	s30 =	rddreg [dreg:$0x2];
	[tilespmem:s22+$0xE070] =	vst v7  }
0x39b: {  	s29 =	sadd.s32 $0xE000, s18;
	s31 =	simm.s32 $0x0;
	s1 =	sadd.s32 s30, s28;
	[tilespmem:s7+$0xE070] =	vst v1  }
0x39c: {  	[hbm4b:s1+s31] =	stream.linear.scatter [tilespmem:s29], [sflag:$0x2], $0x4000, $0x38;
	[tilespmem:$0x1A000] =	vst v63  }
0x39d: {  	s1 =	simm.s32 $0x2  }
0x39e: {  	_ =	swait.ge [sflag:s1], $0x4000  }
0x39f: {  	[sflag:s1] =	ssyncset.done $0x0  }
0x3a0: {  	[sflag:s1] =	ssyncadd.s32 $0xFFFFC000  }
0x3a1: {  	_ =	swait.ge [sflag:s1], $0x4000  }
0x3a2: {  	[sflag:s1] =	ssyncset.done $0x0  }
0x3a3: {  	[sflag:s1] =	ssyncadd.s32 $0xFFFFC000  }
0x3a4: {  	_ =	swait.ge [sflag:s1], $0x4000  }
0x3a5: {  	s2 =	rddreg [dreg:$0x9]  }
0x3a6: {  	s0 =	rddreg [dreg:$0x8];
	s2 =	sadd.s32 $0x1, s2  }
0x3a7: {  	p0 =	sne.s32 s2, s0  }
.Ltmp2:
0x3a8: {  	_ = 	snop;
	(pc) =	sbr.rel @p0 .LBB2_1-.Ltmp2, $3  }
0x3a9: {  	_ =	sdelay $0x1  }
0x3aa: {  	[sflag:s1] =	ssyncset.done $0x0  }
0x3ab: {  	[sflag:s1] =	ssyncadd.s32 $0xFFFFC000  }
0x3ac: {  	_ =	sfence.sel $0x180000  }
0x3ad: {  	[bflag:$0x0] =	sbarrier.arrive $0xFFFF  }
0x3ae: {  	_ =	strace $0x90000047  }
0x3af: {  	s0 =	stileid.u32;
	[bflag:$0x2] =	sbarrier.arrive $0xFFFF  }
0x3b0: {  	p0 =	sne.s32 s0, $0x0;
	s0 =	rddreg [dreg:$0x3]  }
0x3b1: {  	s0 =	sadd.s32 @!p0 $0x100000, s0  }
0x3b2: {  	[sflag:s0] =	ssyncadd.tile.s32 @!p0 $0x1;
	_ =	shalt  }
.Lfunc_end2:
_tile_overlayer_lowered:
.L_overlay_start_2:
0x3b3: {  	(tag) =	ssettag $0x2  }
0x3b4: {  	s0 =	rddreg [dreg:$0x0];
	s2 =	stileid.u32  }
0x3b5: {  	s1 =	rddreg [dreg:$0x1];
	p0 =	sne.s32 s2, $0x0  }
0x3b6: {  	s3 =	rddreg [dreg:$0x2];
	[bflag:$0x3] =	sbarrier.arrive $0xFFFF;
	s2 =	simm.s32 @!p0 $0x1C03  }
0x3b7: {  	[timem:s3], [sflag:s2] =	dma.local @!p0 [hbm:s0], s1  }
0x3b8: {  	s0 =	simm.s32 @!p0 $0x3  }
0x3b9: {  	_ =	swait.ge @!p0 [sflag:s0], s1  }
0x3ba: {  	s1 =	ssub.s32 @!p0 $0x0, s1;
	[sflag:s0] =	ssyncset.done @!p0 $0x0  }
0x3bb: {  	[sflag:s0] =	ssyncadd.s32 @!p0 s1  }
0x3bc: {  	[bflag:$0x3] =	sbarrier.arrive $0xFFFF  }
0x3bd: {  	_ =	shalt  }

</sc_bundles>
